<compile_context>
chip_gen: v7x
topology: tpu7x:2x2x1
jax: 0.10.2.dev20260603
libtpu: 0.0.44.dev20260713+nightly
codegen_flags: <defaults>
</compile_context>

<pallas_src>
import functools

import jax
import jax.numpy as jnp
from jax import lax
from jax.experimental import pallas as pl
from jax.experimental.pallas import tpu as pltpu
from jax.experimental.pallas import tpu_sc as plsc

N = 100000
E = 3200000
C = 8
NC = 2
NS = 16
NW = NC * NS
ROW = 128
NROWS = E // ROW
GPC = 2
CH_E = GPC * ROW
NCH = E // CH_E
BASE_CH = NCH // NW
EXTRA_CH = NCH - BASE_CH * NW
TRIPS = 2 * ((BASE_CH + 2) // 2)
NPT = N // NS
DPT = 6248
DPT_LAST = N - DPT * (NS - 1)


def _sw_body(dw_ref, o_ref):
    o_ref[...] = jnp.sqrt(jax.nn.sigmoid(dw_ref[...]))


def _edge_weight(dw2d):
    return pl.pallas_call(
        _sw_body,
        out_shape=jax.ShapeDtypeStruct((NROWS, ROW), jnp.float32),
        grid=(25,),
        in_specs=[pl.BlockSpec((NROWS // 25, ROW), lambda i: (i, 0))],
        out_specs=pl.BlockSpec((NROWS // 25, ROW), lambda i: (i, 0)),
    )(dw2d)


def _edge_body(yT, srcm, dstm, attrm, swm, zs, zd,
               out_s, out_d, *sc):
    (srcA, dstA, attrA, swA, ysA, ydA, gA, srcSA, attrSA,
     srcB, dstB, attrB, swB, ysB, ydB, gB, srcSB, attrSB,
     s_sp, d_sp, y_sp,
     slA, slB, sgA, sgB, ssA, ssB) = sc
    cid = lax.axis_index("c")
    sid = lax.axis_index("s")
    w = sid * NC + cid

    t0 = sid * NPT
    pltpu.sync_copy(yT.at[pl.ds(t0, NPT)], y_sp.at[pl.ds(t0, NPT)])
    pltpu.sync_copy(zs.at[pl.ds(t0, NPT)], s_sp.at[pl.ds(t0, NPT)])
    d0 = sid * DPT

    @pl.when(sid < NS - 1)
    def _():
        pltpu.sync_copy(zd.at[pl.ds(d0, DPT)], d_sp.at[pl.ds(d0, DPT)])

    @pl.when(sid == NS - 1)
    def _():
        pltpu.sync_copy(zd.at[pl.ds(d0, DPT_LAST)],
                        d_sp.at[pl.ds(d0, DPT_LAST)])

    plsc.subcore_barrier()

    c0 = w * BASE_CH + jnp.minimum(w, EXTRA_CH)
    nch = BASE_CH + jnp.where(w < EXTRA_CH, 1, 0)

    lanes = lax.iota(jnp.int32, 16)
    minors = lanes & 7
    hi8 = lanes >> 3
    pat2 = [hi8 + 2 * m for m in range(8)]

    bufA = (srcA, dstA, attrA, swA, ysA, ydA, gA, srcSA, attrSA,
            slA, sgA, ssA)
    bufB = (srcB, dstB, attrB, swB, ysB, ydB, gB, srcSB, attrSB,
            slB, sgB, ssB)

    def row0_of(i):
        return jnp.minimum(c0 + i, NCH - 1) * GPC

    def lin_copies(i, buf):
        src_v, dst_v, attr_v, sw_v = buf[0], buf[1], buf[2], buf[3]
        e0 = row0_of(i) * ROW
        sem = buf[9]
        return [
            pltpu.make_async_copy(srcm.at[pl.ds(e0, CH_E)], src_v, sem),
            pltpu.make_async_copy(dstm.at[pl.ds(e0, CH_E)], dst_v, sem),
            pltpu.make_async_copy(attrm.at[pl.ds(e0, CH_E)], attr_v, sem),
            pltpu.make_async_copy(swm.at[pl.ds(e0, CH_E)], sw_v, sem),
        ]

    def issue_lin(i, buf):
        for c in lin_copies(i, buf):
            c.start()

    def drain_lin(i, buf):
        for c in lin_copies(i, buf):
            c.wait()

    def issue_gathers(buf):
        src_v, dst_v, ys_v, yd_v, sem = buf[0], buf[1], buf[4], buf[5], buf[10]
        return [pltpu.async_copy(y_sp.at[src_v], ys_v, sem),
                pltpu.async_copy(y_sp.at[dst_v], yd_v, sem)]

    def process_chunk(i, buf, gathers):
        src_v, dst_v, attr_v, sw_v, ys_v, yd_v, g_v, srcS_v, attrS_v = buf[:9]
        sem_s = buf[11]
        validf = jnp.where(i < nch, 1.0, 0.0)
        vmask = jnp.full((16,), 1.0, jnp.float32) * validf
        scat = []
        gathers[0].wait()
        gathers[1].wait()

        @plsc.parallel_loop(0, CH_E // 16, 1, unroll=4)
        def _(t):
            base = hi8 + 16 * t
            sw16 = sw_v[pl.ds(16 * t, 16)] * vmask
            diffs = []
            for m in range(8):
                major = base + 2 * m
                ys = plsc.load_gather(ys_v, [major, minors])
                yd = plsc.load_gather(yd_v, [major, minors])
                diffs.append(jnp.maximum(ys - yd, 0.0))
            for m in range(8):
                sw2 = sw16.at[pat2[m]].get(mode="promise_in_bounds")
                plsc.store_scatter(g_v, [base + 2 * m, minors],
                                   diffs[m] * sw2)
        for j in range(GPC):
            for m in range(ROW // 16):
                sl = pl.ds(m * 16, 16)
                slf = pl.ds(j * ROW + m * 16, 16)
                srcS_v[j, sl] = src_v[slf]
                attrS_v[j, sl] = attr_v[slf] * vmask
            scat.append(pltpu.async_copy(g_v.at[pl.ds(j * ROW, ROW)],
                                         s_sp.at[srcS_v.at[j]],
                                         sem_s, add=True))
            scat.append(pltpu.async_copy(attrS_v.at[j], d_sp.at[srcS_v.at[j]],
                                         sem_s, add=True))
        return scat

    issue_lin(0, bufA)
    issue_lin(1, bufB)

    def body(t, carry):
        a = 2 * t
        b = a + 1
        drain_lin(a, bufA)
        ga = issue_gathers(bufA)
        drain_lin(b, bufB)
        gb = issue_gathers(bufB)
        sa = process_chunk(a, bufA, ga)
        issue_lin(a + 2, bufA)
        sb = process_chunk(b, bufB, gb)
        issue_lin(b + 2, bufB)
        for s in sa + sb:
            s.wait()
        return carry

    lax.fori_loop(0, TRIPS // 2, body, 0)
    drain_lin(TRIPS, bufA)
    drain_lin(TRIPS + 1, bufB)
    plsc.subcore_barrier()
    pltpu.sync_copy(s_sp.at[pl.ds(t0, NPT)], out_s.at[cid, pl.ds(t0, NPT)])

    @pl.when(sid < NS - 1)
    def _():
        pltpu.sync_copy(d_sp.at[pl.ds(d0, DPT)],
                        out_d.at[cid, pl.ds(d0, DPT)])

    @pl.when(sid == NS - 1)
    def _():
        pltpu.sync_copy(d_sp.at[pl.ds(d0, DPT_LAST)],
                        out_d.at[cid, pl.ds(d0, DPT_LAST)])


_edge_kernel = functools.partial(
    pl.kernel,
    _edge_body,
    out_type=(jax.ShapeDtypeStruct((NC, N, C), jnp.float32),
              jax.ShapeDtypeStruct((NC, N), jnp.float32)),
    mesh=plsc.VectorSubcoreMesh(core_axis_name="c", subcore_axis_name="s",
                                num_cores=NC, num_subcores=NS),
    scratch_types=(
        [pltpu.VMEM((CH_E,), jnp.int32),
         pltpu.VMEM((CH_E,), jnp.int32),
         pltpu.VMEM((CH_E,), jnp.float32),
         pltpu.VMEM((CH_E,), jnp.float32),
         pltpu.VMEM((CH_E, C), jnp.float32),
         pltpu.VMEM((CH_E, C), jnp.float32),
         pltpu.VMEM((CH_E, C), jnp.float32),
         pltpu.VMEM((GPC, ROW), jnp.int32),
         pltpu.VMEM((GPC, ROW), jnp.float32)]
        * 2
        + [
            pltpu.VMEM_SHARED((N, C), jnp.float32),
            pltpu.VMEM_SHARED((N,), jnp.float32),
            pltpu.VMEM_SHARED((N, C), jnp.float32),
        ]
        + [pltpu.SemaphoreType.DMA] * 6
    ),
    compiler_params=pltpu.CompilerParams(use_tc_tiling_on_sc=False,
                                         needs_layout_passes=False),
)


def _comb_body(s_ref, d_ref, o_ref):
    s = s_ref[0] + s_ref[1]
    d = d_ref[0] + d_ref[1]
    o_ref[...] = jnp.where(d == 0.0, 1.0, 1.0 - s / d)


_CB = 1000


def _combine(out_s, out_d3):
    return pl.pallas_call(
        _comb_body,
        out_shape=jax.ShapeDtypeStruct((N, C), jnp.float32),
        grid=(N // _CB,),
        in_specs=[
            pl.BlockSpec((NC, _CB, C), lambda i: (0, i, 0)),
            pl.BlockSpec((NC, _CB, 1), lambda i: (0, i, 0)),
        ],
        out_specs=pl.BlockSpec((_CB, C), lambda i: (i, 0)),
    )(out_s, out_d3)


def kernel(t, y, edge_index, edge_attr, dist_weight, p_vec_weight):
    del t, p_vec_weight
    src2 = edge_index[0]
    dst2 = edge_index[1]
    attr2 = edge_attr
    dw2 = dist_weight.reshape(NROWS, ROW)
    yT = y.reshape(N, C)
    zs = jnp.zeros((N, C), jnp.float32)
    zd = jnp.zeros((N,), jnp.float32)
    sw2 = dw2.reshape(E)
    out_s, out_d = _edge_kernel()(yT, src2, dst2, attr2, sw2, zs, zd)
    return out_s[0].reshape(C, N)

# --- scband reference (transcript-rebuilt; emitter-appended) ---
"""Pipeline reference for scband-eikonal-10943576670372 (READ-ONLY COPY).

The authoritative reference and input builder live on the scoring server;
editing this copy changes nothing except your own understanding.
"""

import jax, jax.numpy as jnp
import numpy as np

N = 100000
E = 3200000
C = 8
ALPHA = 1.0


def setup_inputs(seed: int = 0) -> dict:
    key = jax.random.key(seed)
    k1, k2, k3, k4, k5, k6 = jax.random.split(key, 6)
    t = jax.random.normal(k1, (1,), dtype=jnp.float32)
    y = jax.random.normal(k2, (C, N), dtype=jnp.float32)
    edge_index = jax.random.randint(k3, (2, E), 0, N, dtype=jnp.int32)
    edge_attr = jax.random.uniform(k4, (E,), dtype=jnp.float32)
    dist_weight = jax.random.normal(k5, (E, 1), dtype=jnp.float32)
    p_vec_weight = jax.random.normal(k6, (N, 1), dtype=jnp.float32)
    return {
        "t": t,
        "y": y,
        "edge_index": edge_index,
        "edge_attr": edge_attr,
        "dist_weight": dist_weight,
        "p_vec_weight": p_vec_weight,
    }


def reference(t, y, edge_index, edge_attr, dist_weight, p_vec_weight):
    src = edge_index[0]
    dst = edge_index[1]
    # p_vec computed as in the original forward path (sigmoid of learned vector); unused downstream
    p_vec = jax.nn.sigmoid(p_vec_weight)
    # edge weights: sigmoid of learned per-edge weights, flattened to [E]
    edge_w = jax.nn.sigmoid(dist_weight).reshape(-1)
    # deg = scatter-add of edge_attr by src node -> [N]
    deg = jax.ops.segment_sum(edge_attr, src, num_segments=N)
    # denom = deg[src] ** alpha, gathered per edge -> [E]
    denom = jnp.power(deg, ALPHA)[src]
    # gather node states along edges: [C, E]
    diff = y[:, dst] / denom - y[:, src] / denom
    grad_m = jnp.sqrt(edge_w) * (-1.0) * jnp.minimum(diff, 0.0)
    # scatter-add |grad_m| back to src nodes along edge axis -> [C, N]
    grad_norm = jax.ops.segment_sum(jnp.abs(grad_m).T, src, num_segments=N).T
    f = 1.0 - grad_norm
    return f

if __name__ == "__main__":
    import jax
    _d = setup_inputs()
    print(jax.jit(kernel)(*tuple(_d.values())))

</pallas_src>

<mosaic_0001>
#map = affine_map<(d0, d1) -> (0, 0)>
#map1 = affine_map<(d0, d1) -> (0)>
#map2 = affine_map<(d0, d1) -> (0, 0, 0)>
module attributes {stable_mosaic.version = 14 : i64} {
  func.func @_edge_body(%arg0: i32, %arg1: i32, %arg2: memref<100000x8xf32, #tpu.memory_space<hbm>>, %arg3: memref<3200000xi32, #tpu.memory_space<hbm>>, %arg4: memref<3200000xi32, #tpu.memory_space<hbm>>, %arg5: memref<3200000xf32, #tpu.memory_space<hbm>>, %arg6: memref<3200000xf32, #tpu.memory_space<hbm>>, %arg7: memref<100000x8xf32, #tpu.memory_space<hbm>>, %arg8: memref<100000xf32, #tpu.memory_space<hbm>>, %arg9: memref<2x100000x8xf32, #tpu.memory_space<hbm>>, %arg10: memref<2x100000xf32, #tpu.memory_space<hbm>>, %arg11: memref<256xi32, #tpu.memory_space<vmem>>, %arg12: memref<256xi32, #tpu.memory_space<vmem>>, %arg13: memref<256xf32, #tpu.memory_space<vmem>>, %arg14: memref<256xf32, #tpu.memory_space<vmem>>, %arg15: memref<256x8xf32, #tpu.memory_space<vmem>>, %arg16: memref<256x8xf32, #tpu.memory_space<vmem>>, %arg17: memref<256x8xf32, #tpu.memory_space<vmem>>, %arg18: memref<2x128xi32, #tpu.memory_space<vmem>>, %arg19: memref<2x128xf32, #tpu.memory_space<vmem>>, %arg20: memref<256xi32, #tpu.memory_space<vmem>>, %arg21: memref<256xi32, #tpu.memory_space<vmem>>, %arg22: memref<256xf32, #tpu.memory_space<vmem>>, %arg23: memref<256xf32, #tpu.memory_space<vmem>>, %arg24: memref<256x8xf32, #tpu.memory_space<vmem>>, %arg25: memref<256x8xf32, #tpu.memory_space<vmem>>, %arg26: memref<256x8xf32, #tpu.memory_space<vmem>>, %arg27: memref<2x128xi32, #tpu.memory_space<vmem>>, %arg28: memref<2x128xf32, #tpu.memory_space<vmem>>, %arg29: memref<100000x8xf32, #tpu.memory_space<vmem_shared>>, %arg30: memref<100000xf32, #tpu.memory_space<vmem_shared>>, %arg31: memref<100000x8xf32, #tpu.memory_space<vmem_shared>>, %arg32: memref<!tpu.dma_semaphore, #tpu.memory_space<semaphore_mem>>, %arg33: memref<!tpu.dma_semaphore, #tpu.memory_space<semaphore_mem>>, %arg34: memref<!tpu.dma_semaphore, #tpu.memory_space<semaphore_mem>>, %arg35: memref<!tpu.dma_semaphore, #tpu.memory_space<semaphore_mem>>, %arg36: memref<!tpu.dma_semaphore, #tpu.memory_space<semaphore_mem>>, %arg37: memref<!tpu.dma_semaphore, #tpu.memory_space<semaphore_mem>>) attributes {dimension_semantics = [#tpu.dimension_semantics<core_parallel>, #tpu.dimension_semantics<subcore_parallel>], iteration_bounds = array<i64: 2, 16>, scalar_prefetch = 0 : i64, scratch_operands = 27 : i64, tpu.core_type = #tpu.core_type<sc_vector_subcore>, window_params = [{transform_indices = #map}, {transform_indices = #map1}, {transform_indices = #map1}, {transform_indices = #map1}, {transform_indices = #map1}, {transform_indices = #map}, {transform_indices = #map1}, {transform_indices = #map2}, {transform_indices = #map}]} {
    %mul3A = arith.constant 2 : i32
    %mul3A_0 = arith.muli %arg1, %mul3A : i32
    %add3A = arith.addi %mul3A_0, %arg0 : i32
    %mul3A_1 = arith.constant 6250 : i32
    %mul3A_2 = arith.muli %arg1, %mul3A_1 : i32
    "tpu.region"() ({
      %run_scoped3A = tpu.sem_alloc : memref<!tpu.dma_semaphore, #tpu.memory_space<semaphore_mem>>
      %dma_start3A_126 = arith.constant 0 : i32
      %dma_start3A_127 = tpu.memref_slice %arg31[%mul3A_2, %dma_start3A_126] : memref<100000x8xf32, #tpu.memory_space<vmem_shared>> -> memref<6250x8xf32, #tpu.memory_space<vmem_shared>>
      %dma_start3A_128 = arith.constant 0 : i32
      %dma_start3A_129 = tpu.memref_slice %arg2[%mul3A_2, %dma_start3A_128] : memref<100000x8xf32, #tpu.memory_space<hbm>> -> memref<6250x8xf32, #tpu.memory_space<hbm>>
      tpu.enqueue_dma source(%dma_start3A_129 : memref<6250x8xf32, #tpu.memory_space<hbm>>) target(%dma_start3A_127 : memref<6250x8xf32, #tpu.memory_space<vmem_shared>>) target_semaphore(%run_scoped3A : memref<!tpu.dma_semaphore, #tpu.memory_space<semaphore_mem>>)
      %dma_wait3A_130 = arith.constant 0 : i32
      %dma_wait3A_131 = tpu.memref_slice %arg31[%mul3A_2, %dma_wait3A_130] : memref<100000x8xf32, #tpu.memory_space<vmem_shared>> -> memref<6250x8xf32, #tpu.memory_space<vmem_shared>>
      %dma_wait3A_132 = arith.constant 0 : i32
      %dma_wait3A_133 = tpu.memref_slice %arg2[%mul3A_2, %dma_wait3A_132] : memref<100000x8xf32, #tpu.memory_space<hbm>> -> memref<6250x8xf32, #tpu.memory_space<hbm>>
      tpu.wait_dma2 semaphore(%run_scoped3A : memref<!tpu.dma_semaphore, #tpu.memory_space<semaphore_mem>>) src(%dma_wait3A_133 : memref<6250x8xf32, #tpu.memory_space<hbm>>) dst(%dma_wait3A_131 : memref<6250x8xf32, #tpu.memory_space<vmem_shared>>)
      tpu.yield
    }) : () -> ()
    "tpu.region"() ({
      %run_scoped3A = tpu.sem_alloc : memref<!tpu.dma_semaphore, #tpu.memory_space<semaphore_mem>>
      %dma_start3A_126 = arith.constant 0 : i32
      %dma_start3A_127 = tpu.memref_slice %arg29[%mul3A_2, %dma_start3A_126] : memref<100000x8xf32, #tpu.memory_space<vmem_shared>> -> memref<6250x8xf32, #tpu.memory_space<vmem_shared>>
      %dma_start3A_128 = arith.constant 0 : i32
      %dma_start3A_129 = tpu.memref_slice %arg7[%mul3A_2, %dma_start3A_128] : memref<100000x8xf32, #tpu.memory_space<hbm>> -> memref<6250x8xf32, #tpu.memory_space<hbm>>
      tpu.enqueue_dma source(%dma_start3A_129 : memref<6250x8xf32, #tpu.memory_space<hbm>>) target(%dma_start3A_127 : memref<6250x8xf32, #tpu.memory_space<vmem_shared>>) target_semaphore(%run_scoped3A : memref<!tpu.dma_semaphore, #tpu.memory_space<semaphore_mem>>)
      %dma_wait3A_130 = arith.constant 0 : i32
      %dma_wait3A_131 = tpu.memref_slice %arg29[%mul3A_2, %dma_wait3A_130] : memref<100000x8xf32, #tpu.memory_space<vmem_shared>> -> memref<6250x8xf32, #tpu.memory_space<vmem_shared>>
      %dma_wait3A_132 = arith.constant 0 : i32
      %dma_wait3A_133 = tpu.memref_slice %arg7[%mul3A_2, %dma_wait3A_132] : memref<100000x8xf32, #tpu.memory_space<hbm>> -> memref<6250x8xf32, #tpu.memory_space<hbm>>
      tpu.wait_dma2 semaphore(%run_scoped3A : memref<!tpu.dma_semaphore, #tpu.memory_space<semaphore_mem>>) src(%dma_wait3A_133 : memref<6250x8xf32, #tpu.memory_space<hbm>>) dst(%dma_wait3A_131 : memref<6250x8xf32, #tpu.memory_space<vmem_shared>>)
      tpu.yield
    }) : () -> ()
    %mul3A_3 = arith.constant 6248 : i32
    %mul3A_4 = arith.muli %arg1, %mul3A_3 : i32
    %lt3A = arith.constant 15 : i32
    %lt3A_5 = arith.cmpi slt, %arg1, %lt3A : i32
    %convert_element_type3A = arith.extui %lt3A_5 : i1 to i32
    %cond3A = arith.constant 0 : i32
    %cond3A_6 = arith.cmpi ne, %convert_element_type3A, %cond3A : i32
    scf.if %cond3A_6 {
      "tpu.region"() ({
        %run_scoped3A = tpu.sem_alloc : memref<!tpu.dma_semaphore, #tpu.memory_space<semaphore_mem>>
        %dma_start3A_126 = tpu.memref_slice %arg30[%mul3A_4] : memref<100000xf32, #tpu.memory_space<vmem_shared>> -> memref<6248xf32, #tpu.memory_space<vmem_shared>>
        %dma_start3A_127 = tpu.memref_slice %arg8[%mul3A_4] : memref<100000xf32, #tpu.memory_space<hbm>> -> memref<6248xf32, #tpu.memory_space<hbm>>
        tpu.enqueue_dma source(%dma_start3A_127 : memref<6248xf32, #tpu.memory_space<hbm>>) target(%dma_start3A_126 : memref<6248xf32, #tpu.memory_space<vmem_shared>>) target_semaphore(%run_scoped3A : memref<!tpu.dma_semaphore, #tpu.memory_space<semaphore_mem>>)
        %dma_wait3A_128 = tpu.memref_slice %arg30[%mul3A_4] : memref<100000xf32, #tpu.memory_space<vmem_shared>> -> memref<6248xf32, #tpu.memory_space<vmem_shared>>
        %dma_wait3A_129 = tpu.memref_slice %arg8[%mul3A_4] : memref<100000xf32, #tpu.memory_space<hbm>> -> memref<6248xf32, #tpu.memory_space<hbm>>
        tpu.wait_dma2 semaphore(%run_scoped3A : memref<!tpu.dma_semaphore, #tpu.memory_space<semaphore_mem>>) src(%dma_wait3A_129 : memref<6248xf32, #tpu.memory_space<hbm>>) dst(%dma_wait3A_128 : memref<6248xf32, #tpu.memory_space<vmem_shared>>)
        tpu.yield
      }) : () -> ()
    } else {
    }
    %eq3A = arith.constant 15 : i32
    %eq3A_7 = arith.cmpi eq, %arg1, %eq3A : i32
    %convert_element_type3A_8 = arith.extui %eq3A_7 : i1 to i32
    %cond3A_9 = arith.constant 0 : i32
    %cond3A_10 = arith.cmpi ne, %convert_element_type3A_8, %cond3A_9 : i32
    scf.if %cond3A_10 {
      "tpu.region"() ({
        %run_scoped3A = tpu.sem_alloc : memref<!tpu.dma_semaphore, #tpu.memory_space<semaphore_mem>>
        %dma_start3A_126 = tpu.memref_slice %arg30[%mul3A_4] : memref<100000xf32, #tpu.memory_space<vmem_shared>> -> memref<6280xf32, #tpu.memory_space<vmem_shared>>
        %dma_start3A_127 = tpu.memref_slice %arg8[%mul3A_4] : memref<100000xf32, #tpu.memory_space<hbm>> -> memref<6280xf32, #tpu.memory_space<hbm>>
        tpu.enqueue_dma source(%dma_start3A_127 : memref<6280xf32, #tpu.memory_space<hbm>>) target(%dma_start3A_126 : memref<6280xf32, #tpu.memory_space<vmem_shared>>) target_semaphore(%run_scoped3A : memref<!tpu.dma_semaphore, #tpu.memory_space<semaphore_mem>>)
        %dma_wait3A_128 = tpu.memref_slice %arg30[%mul3A_4] : memref<100000xf32, #tpu.memory_space<vmem_shared>> -> memref<6280xf32, #tpu.memory_space<vmem_shared>>
        %dma_wait3A_129 = tpu.memref_slice %arg8[%mul3A_4] : memref<100000xf32, #tpu.memory_space<hbm>> -> memref<6280xf32, #tpu.memory_space<hbm>>
        tpu.wait_dma2 semaphore(%run_scoped3A : memref<!tpu.dma_semaphore, #tpu.memory_space<semaphore_mem>>) src(%dma_wait3A_129 : memref<6280xf32, #tpu.memory_space<hbm>>) dst(%dma_wait3A_128 : memref<6280xf32, #tpu.memory_space<vmem_shared>>)
        tpu.yield
      }) : () -> ()
    } else {
    }
    %barrier3A = arith.constant 0 : index
    tpu.barrier barrier_id(%barrier3A)
    %mul3A_11 = arith.constant 390 : i32
    %mul3A_12 = arith.muli %add3A, %mul3A_11 : i32
    %min3A = arith.constant 20 : i32
    %min3A_13 = arith.minsi %add3A, %min3A : i32
    %add3A_14 = arith.addi %mul3A_12, %min3A_13 : i32
    %lt3A_15 = arith.constant 20 : i32
    %lt3A_16 = arith.cmpi slt, %add3A, %lt3A_15 : i32
    %jit3A = arith.constant 1 : i32
    %jit3A_17 = arith.constant 0 : i32
    %select_n3A = arith.select %lt3A_16, %jit3A, %jit3A_17 : i32
    %add3A_18 = arith.constant 390 : i32
    %add3A_19 = arith.addi %add3A_18, %select_n3A : i32
    %iota3A = tpu.iota {dimensions = array<i32: 0>} : vector<16xi32>
    %and3A = arith.constant 7 : i32
    %and3A_20 = vector.broadcast %and3A : i32 to vector<16xi32>
    %and3A_21 = arith.andi %iota3A, %and3A_20 : vector<16xi32>
    %shift_right_arithmetic3A = arith.constant 3 : i32
    %shift_right_arithmetic3A_22 = vector.broadcast %shift_right_arithmetic3A : i32 to vector<16xi32>
    %shift_right_arithmetic3A_23 = arith.shrsi %iota3A, %shift_right_arithmetic3A_22 : vector<16xi32>
    %add3A_24 = arith.constant 0 : i32
    %add3A_25 = vector.broadcast %add3A_24 : i32 to vector<16xi32>
    %add3A_26 = arith.addi %shift_right_arithmetic3A_23, %add3A_25 : vector<16xi32>
    %add3A_27 = arith.constant 2 : i32
    %add3A_28 = vector.broadcast %add3A_27 : i32 to vector<16xi32>
    %add3A_29 = arith.addi %shift_right_arithmetic3A_23, %add3A_28 : vector<16xi32>
    %add3A_30 = arith.constant 4 : i32
    %add3A_31 = vector.broadcast %add3A_30 : i32 to vector<16xi32>
    %add3A_32 = arith.addi %shift_right_arithmetic3A_23, %add3A_31 : vector<16xi32>
    %add3A_33 = arith.constant 6 : i32
    %add3A_34 = vector.broadcast %add3A_33 : i32 to vector<16xi32>
    %add3A_35 = arith.addi %shift_right_arithmetic3A_23, %add3A_34 : vector<16xi32>
    %add3A_36 = arith.constant 8 : i32
    %add3A_37 = vector.broadcast %add3A_36 : i32 to vector<16xi32>
    %add3A_38 = arith.addi %shift_right_arithmetic3A_23, %add3A_37 : vector<16xi32>
    %add3A_39 = arith.constant 10 : i32
    %add3A_40 = vector.broadcast %add3A_39 : i32 to vector<16xi32>
    %add3A_41 = arith.addi %shift_right_arithmetic3A_23, %add3A_40 : vector<16xi32>
    %add3A_42 = arith.constant 12 : i32
    %add3A_43 = vector.broadcast %add3A_42 : i32 to vector<16xi32>
    %add3A_44 = arith.addi %shift_right_arithmetic3A_23, %add3A_43 : vector<16xi32>
    %add3A_45 = arith.constant 14 : i32
    %add3A_46 = vector.broadcast %add3A_45 : i32 to vector<16xi32>
    %add3A_47 = arith.addi %shift_right_arithmetic3A_23, %add3A_46 : vector<16xi32>
    %add3A_48 = arith.constant 0 : i32
    %add3A_49 = arith.addi %add3A_14, %add3A_48 : i32
    %min3A_50 = arith.constant 12499 : i32
    %min3A_51 = arith.minsi %add3A_49, %min3A_50 : i32
    %mul3A_52 = arith.constant 2 : i32
    %mul3A_53 = arith.muli %min3A_51, %mul3A_52 : i32
    %mul3A_54 = arith.constant 128 : i32
    %mul3A_55 = arith.muli %mul3A_53, %mul3A_54 : i32
    %dma_start3A = tpu.memref_slice %arg3[%mul3A_55] : memref<3200000xi32, #tpu.memory_space<hbm>> -> memref<256xi32, #tpu.memory_space<hbm>>
    %dma_start3A_56 = tpu.memref_slice %arg3[%mul3A_55] : memref<3200000xi32, #tpu.memory_space<hbm>> -> memref<256xi32, #tpu.memory_space<hbm>>
    tpu.enqueue_dma source(%dma_start3A_56 : memref<256xi32, #tpu.memory_space<hbm>>) target(%arg11 : memref<256xi32, #tpu.memory_space<vmem>>) target_semaphore(%arg32 : memref<!tpu.dma_semaphore, #tpu.memory_space<semaphore_mem>>)
    %dma_start3A_57 = tpu.memref_slice %arg4[%mul3A_55] : memref<3200000xi32, #tpu.memory_space<hbm>> -> memref<256xi32, #tpu.memory_space<hbm>>
    %dma_start3A_58 = tpu.memref_slice %arg4[%mul3A_55] : memref<3200000xi32, #tpu.memory_space<hbm>> -> memref<256xi32, #tpu.memory_space<hbm>>
    tpu.enqueue_dma source(%dma_start3A_58 : memref<256xi32, #tpu.memory_space<hbm>>) target(%arg12 : memref<256xi32, #tpu.memory_space<vmem>>) target_semaphore(%arg32 : memref<!tpu.dma_semaphore, #tpu.memory_space<semaphore_mem>>)
    %dma_start3A_59 = tpu.memref_slice %arg5[%mul3A_55] : memref<3200000xf32, #tpu.memory_space<hbm>> -> memref<256xf32, #tpu.memory_space<hbm>>
    %dma_start3A_60 = tpu.memref_slice %arg5[%mul3A_55] : memref<3200000xf32, #tpu.memory_space<hbm>> -> memref<256xf32, #tpu.memory_space<hbm>>
    tpu.enqueue_dma source(%dma_start3A_60 : memref<256xf32, #tpu.memory_space<hbm>>) target(%arg13 : memref<256xf32, #tpu.memory_space<vmem>>) target_semaphore(%arg32 : memref<!tpu.dma_semaphore, #tpu.memory_space<semaphore_mem>>)
    %dma_start3A_61 = tpu.memref_slice %arg6[%mul3A_55] : memref<3200000xf32, #tpu.memory_space<hbm>> -> memref<256xf32, #tpu.memory_space<hbm>>
    %dma_start3A_62 = tpu.memref_slice %arg6[%mul3A_55] : memref<3200000xf32, #tpu.memory_space<hbm>> -> memref<256xf32, #tpu.memory_space<hbm>>
    tpu.enqueue_dma source(%dma_start3A_62 : memref<256xf32, #tpu.memory_space<hbm>>) target(%arg14 : memref<256xf32, #tpu.memory_space<vmem>>) target_semaphore(%arg32 : memref<!tpu.dma_semaphore, #tpu.memory_space<semaphore_mem>>)
    %add3A_63 = arith.constant 1 : i32
    %add3A_64 = arith.addi %add3A_14, %add3A_63 : i32
    %min3A_65 = arith.constant 12499 : i32
    %min3A_66 = arith.minsi %add3A_64, %min3A_65 : i32
    %mul3A_67 = arith.constant 2 : i32
    %mul3A_68 = arith.muli %min3A_66, %mul3A_67 : i32
    %mul3A_69 = arith.constant 128 : i32
    %mul3A_70 = arith.muli %mul3A_68, %mul3A_69 : i32
    %dma_start3A_71 = tpu.memref_slice %arg3[%mul3A_70] : memref<3200000xi32, #tpu.memory_space<hbm>> -> memref<256xi32, #tpu.memory_space<hbm>>
    %dma_start3A_72 = tpu.memref_slice %arg3[%mul3A_70] : memref<3200000xi32, #tpu.memory_space<hbm>> -> memref<256xi32, #tpu.memory_space<hbm>>
    tpu.enqueue_dma source(%dma_start3A_72 : memref<256xi32, #tpu.memory_space<hbm>>) target(%arg20 : memref<256xi32, #tpu.memory_space<vmem>>) target_semaphore(%arg33 : memref<!tpu.dma_semaphore, #tpu.memory_space<semaphore_mem>>)
    %dma_start3A_73 = tpu.memref_slice %arg4[%mul3A_70] : memref<3200000xi32, #tpu.memory_space<hbm>> -> memref<256xi32, #tpu.memory_space<hbm>>
    %dma_start3A_74 = tpu.memref_slice %arg4[%mul3A_70] : memref<3200000xi32, #tpu.memory_space<hbm>> -> memref<256xi32, #tpu.memory_space<hbm>>
    tpu.enqueue_dma source(%dma_start3A_74 : memref<256xi32, #tpu.memory_space<hbm>>) target(%arg21 : memref<256xi32, #tpu.memory_space<vmem>>) target_semaphore(%arg33 : memref<!tpu.dma_semaphore, #tpu.memory_space<semaphore_mem>>)
    %dma_start3A_75 = tpu.memref_slice %arg5[%mul3A_70] : memref<3200000xf32, #tpu.memory_space<hbm>> -> memref<256xf32, #tpu.memory_space<hbm>>
    %dma_start3A_76 = tpu.memref_slice %arg5[%mul3A_70] : memref<3200000xf32, #tpu.memory_space<hbm>> -> memref<256xf32, #tpu.memory_space<hbm>>
    tpu.enqueue_dma source(%dma_start3A_76 : memref<256xf32, #tpu.memory_space<hbm>>) target(%arg22 : memref<256xf32, #tpu.memory_space<vmem>>) target_semaphore(%arg33 : memref<!tpu.dma_semaphore, #tpu.memory_space<semaphore_mem>>)
    %dma_start3A_77 = tpu.memref_slice %arg6[%mul3A_70] : memref<3200000xf32, #tpu.memory_space<hbm>> -> memref<256xf32, #tpu.memory_space<hbm>>
    %dma_start3A_78 = tpu.memref_slice %arg6[%mul3A_70] : memref<3200000xf32, #tpu.memory_space<hbm>> -> memref<256xf32, #tpu.memory_space<hbm>>
    tpu.enqueue_dma source(%dma_start3A_78 : memref<256xf32, #tpu.memory_space<hbm>>) target(%arg23 : memref<256xf32, #tpu.memory_space<vmem>>) target_semaphore(%arg33 : memref<!tpu.dma_semaphore, #tpu.memory_space<semaphore_mem>>)
    %scan3A = arith.constant 0 : i32
    %scan3A_79 = arith.constant 0 : i32
    %scan3A_80 = arith.constant 196 : i32
    %scan3A_81 = arith.addi %scan3A_79, %scan3A_80 : i32
    %scan3A_82 = arith.constant 1 : i32
    scf.for %scan3A_126 = %scan3A_79 to %scan3A_81 step %scan3A_82  : i32 {
      %mul3A_127 = arith.constant 2 : i32
      %mul3A_128 = arith.muli %mul3A_127, %scan3A_126 : i32
      %add3A_129 = arith.constant 1 : i32
      %add3A_130 = arith.addi %mul3A_128, %add3A_129 : i32
      %add3A_131 = arith.addi %add3A_14, %mul3A_128 : i32
      %min3A_132 = arith.constant 12499 : i32
      %min3A_133 = arith.minsi %add3A_131, %min3A_132 : i32
      %mul3A_134 = arith.constant 2 : i32
      %mul3A_135 = arith.muli %min3A_133, %mul3A_134 : i32
      %mul3A_136 = arith.constant 128 : i32
      %mul3A_137 = arith.muli %mul3A_135, %mul3A_136 : i32
      %dma_wait3A_138 = tpu.memref_slice %arg3[%mul3A_137] : memref<3200000xi32, #tpu.memory_space<hbm>> -> memref<256xi32, #tpu.memory_space<hbm>>
      %dma_wait3A_139 = tpu.memref_slice %arg3[%mul3A_137] : memref<3200000xi32, #tpu.memory_space<hbm>> -> memref<256xi32, #tpu.memory_space<hbm>>
      tpu.wait_dma2 semaphore(%arg32 : memref<!tpu.dma_semaphore, #tpu.memory_space<semaphore_mem>>) src(%dma_wait3A_139 : memref<256xi32, #tpu.memory_space<hbm>>) dst(%arg11 : memref<256xi32, #tpu.memory_space<vmem>>)
      %dma_wait3A_140 = tpu.memref_slice %arg4[%mul3A_137] : memref<3200000xi32, #tpu.memory_space<hbm>> -> memref<256xi32, #tpu.memory_space<hbm>>
      %dma_wait3A_141 = tpu.memref_slice %arg4[%mul3A_137] : memref<3200000xi32, #tpu.memory_space<hbm>> -> memref<256xi32, #tpu.memory_space<hbm>>
      tpu.wait_dma2 semaphore(%arg32 : memref<!tpu.dma_semaphore, #tpu.memory_space<semaphore_mem>>) src(%dma_wait3A_141 : memref<256xi32, #tpu.memory_space<hbm>>) dst(%arg12 : memref<256xi32, #tpu.memory_space<vmem>>)
      %dma_wait3A_142 = tpu.memref_slice %arg5[%mul3A_137] : memref<3200000xf32, #tpu.memory_space<hbm>> -> memref<256xf32, #tpu.memory_space<hbm>>
      %dma_wait3A_143 = tpu.memref_slice %arg5[%mul3A_137] : memref<3200000xf32, #tpu.memory_space<hbm>> -> memref<256xf32, #tpu.memory_space<hbm>>
      tpu.wait_dma2 semaphore(%arg32 : memref<!tpu.dma_semaphore, #tpu.memory_space<semaphore_mem>>) src(%dma_wait3A_143 : memref<256xf32, #tpu.memory_space<hbm>>) dst(%arg13 : memref<256xf32, #tpu.memory_space<vmem>>)
      %dma_wait3A_144 = tpu.memref_slice %arg6[%mul3A_137] : memref<3200000xf32, #tpu.memory_space<hbm>> -> memref<256xf32, #tpu.memory_space<hbm>>
      %dma_wait3A_145 = tpu.memref_slice %arg6[%mul3A_137] : memref<3200000xf32, #tpu.memory_space<hbm>> -> memref<256xf32, #tpu.memory_space<hbm>>
      tpu.wait_dma2 semaphore(%arg32 : memref<!tpu.dma_semaphore, #tpu.memory_space<semaphore_mem>>) src(%dma_wait3A_145 : memref<256xf32, #tpu.memory_space<hbm>>) dst(%arg14 : memref<256xf32, #tpu.memory_space<vmem>>)
      %dma_start3A_146 = arith.constant 0 : i32
      %dma_start3A_147 = arith.constant 0 : i32
      %dma_start3A_148 = tpu.memref_slice %arg31[%dma_start3A_146, %dma_start3A_147] : memref<100000x8xf32, #tpu.memory_space<vmem_shared>> -> memref<100000x8xf32, #tpu.memory_space<vmem_shared>>
      tpu.enqueue_indirect_dma source(%dma_start3A_148 : memref<100000x8xf32, #tpu.memory_space<vmem_shared>>) target(%arg15 : memref<256x8xf32, #tpu.memory_space<vmem>>) offsets(%arg11 : memref<256xi32, #tpu.memory_space<vmem>>) semaphore(%arg34 : memref<!tpu.dma_semaphore, #tpu.memory_space<semaphore_mem>>)
      %dma_start3A_149 = arith.constant 0 : i32
      %dma_start3A_150 = arith.constant 0 : i32
      %dma_start3A_151 = tpu.memref_slice %arg31[%dma_start3A_149, %dma_start3A_150] : memref<100000x8xf32, #tpu.memory_space<vmem_shared>> -> memref<100000x8xf32, #tpu.memory_space<vmem_shared>>
      tpu.enqueue_indirect_dma source(%dma_start3A_151 : memref<100000x8xf32, #tpu.memory_space<vmem_shared>>) target(%arg16 : memref<256x8xf32, #tpu.memory_space<vmem>>) offsets(%arg12 : memref<256xi32, #tpu.memory_space<vmem>>) semaphore(%arg34 : memref<!tpu.dma_semaphore, #tpu.memory_space<semaphore_mem>>)
      %add3A_152 = arith.addi %add3A_14, %add3A_130 : i32
      %min3A_153 = arith.constant 12499 : i32
      %min3A_154 = arith.minsi %add3A_152, %min3A_153 : i32
      %mul3A_155 = arith.constant 2 : i32
      %mul3A_156 = arith.muli %min3A_154, %mul3A_155 : i32
      %mul3A_157 = arith.constant 128 : i32
      %mul3A_158 = arith.muli %mul3A_156, %mul3A_157 : i32
      %dma_wait3A_159 = tpu.memref_slice %arg3[%mul3A_158] : memref<3200000xi32, #tpu.memory_space<hbm>> -> memref<256xi32, #tpu.memory_space<hbm>>
      %dma_wait3A_160 = tpu.memref_slice %arg3[%mul3A_158] : memref<3200000xi32, #tpu.memory_space<hbm>> -> memref<256xi32, #tpu.memory_space<hbm>>
      tpu.wait_dma2 semaphore(%arg33 : memref<!tpu.dma_semaphore, #tpu.memory_space<semaphore_mem>>) src(%dma_wait3A_160 : memref<256xi32, #tpu.memory_space<hbm>>) dst(%arg20 : memref<256xi32, #tpu.memory_space<vmem>>)
      %dma_wait3A_161 = tpu.memref_slice %arg4[%mul3A_158] : memref<3200000xi32, #tpu.memory_space<hbm>> -> memref<256xi32, #tpu.memory_space<hbm>>
      %dma_wait3A_162 = tpu.memref_slice %arg4[%mul3A_158] : memref<3200000xi32, #tpu.memory_space<hbm>> -> memref<256xi32, #tpu.memory_space<hbm>>
      tpu.wait_dma2 semaphore(%arg33 : memref<!tpu.dma_semaphore, #tpu.memory_space<semaphore_mem>>) src(%dma_wait3A_162 : memref<256xi32, #tpu.memory_space<hbm>>) dst(%arg21 : memref<256xi32, #tpu.memory_space<vmem>>)
      %dma_wait3A_163 = tpu.memref_slice %arg5[%mul3A_158] : memref<3200000xf32, #tpu.memory_space<hbm>> -> memref<256xf32, #tpu.memory_space<hbm>>
      %dma_wait3A_164 = tpu.memref_slice %arg5[%mul3A_158] : memref<3200000xf32, #tpu.memory_space<hbm>> -> memref<256xf32, #tpu.memory_space<hbm>>
      tpu.wait_dma2 semaphore(%arg33 : memref<!tpu.dma_semaphore, #tpu.memory_space<semaphore_mem>>) src(%dma_wait3A_164 : memref<256xf32, #tpu.memory_space<hbm>>) dst(%arg22 : memref<256xf32, #tpu.memory_space<vmem>>)
      %dma_wait3A_165 = tpu.memref_slice %arg6[%mul3A_158] : memref<3200000xf32, #tpu.memory_space<hbm>> -> memref<256xf32, #tpu.memory_space<hbm>>
      %dma_wait3A_166 = tpu.memref_slice %arg6[%mul3A_158] : memref<3200000xf32, #tpu.memory_space<hbm>> -> memref<256xf32, #tpu.memory_space<hbm>>
      tpu.wait_dma2 semaphore(%arg33 : memref<!tpu.dma_semaphore, #tpu.memory_space<semaphore_mem>>) src(%dma_wait3A_166 : memref<256xf32, #tpu.memory_space<hbm>>) dst(%arg23 : memref<256xf32, #tpu.memory_space<vmem>>)
      %dma_start3A_167 = arith.constant 0 : i32
      %dma_start3A_168 = arith.constant 0 : i32
      %dma_start3A_169 = tpu.memref_slice %arg31[%dma_start3A_167, %dma_start3A_168] : memref<100000x8xf32, #tpu.memory_space<vmem_shared>> -> memref<100000x8xf32, #tpu.memory_space<vmem_shared>>
      tpu.enqueue_indirect_dma source(%dma_start3A_169 : memref<100000x8xf32, #tpu.memory_space<vmem_shared>>) target(%arg24 : memref<256x8xf32, #tpu.memory_space<vmem>>) offsets(%arg20 : memref<256xi32, #tpu.memory_space<vmem>>) semaphore(%arg35 : memref<!tpu.dma_semaphore, #tpu.memory_space<semaphore_mem>>)
      %dma_start3A_170 = arith.constant 0 : i32
      %dma_start3A_171 = arith.constant 0 : i32
      %dma_start3A_172 = tpu.memref_slice %arg31[%dma_start3A_170, %dma_start3A_171] : memref<100000x8xf32, #tpu.memory_space<vmem_shared>> -> memref<100000x8xf32, #tpu.memory_space<vmem_shared>>
      tpu.enqueue_indirect_dma source(%dma_start3A_172 : memref<100000x8xf32, #tpu.memory_space<vmem_shared>>) target(%arg25 : memref<256x8xf32, #tpu.memory_space<vmem>>) offsets(%arg21 : memref<256xi32, #tpu.memory_space<vmem>>) semaphore(%arg35 : memref<!tpu.dma_semaphore, #tpu.memory_space<semaphore_mem>>)
      %lt3A_173 = arith.cmpi slt, %mul3A_128, %add3A_19 : i32
      %jit3A_174 = arith.constant 1.000000e+00 : f32
      %jit3A_175 = arith.constant 0.000000e+00 : f32
      %select_n3A_176 = arith.select %lt3A_173, %jit3A_174, %jit3A_175 : f32
      %broadcast_in_dim3A = arith.constant 1.000000e+00 : f32
      %broadcast_in_dim3A_177 = vector.broadcast %broadcast_in_dim3A : f32 to vector<16xf32>
      %mul3A_178 = vector.broadcast %select_n3A_176 : f32 to vector<16xf32>
      %mul3A_179 = arith.mulf %broadcast_in_dim3A_177, %mul3A_178 : vector<16xf32>
      %dma_wait3A_180 = arith.constant 0 : i32
      %dma_wait3A_181 = arith.constant 0 : i32
      %dma_wait3A_182 = tpu.memref_slice %arg31[%dma_wait3A_180, %dma_wait3A_181] : memref<100000x8xf32, #tpu.memory_space<vmem_shared>> -> memref<100000x8xf32, #tpu.memory_space<vmem_shared>>
      tpu.wait_indirect_dma semaphore(%arg34 : memref<!tpu.dma_semaphore, #tpu.memory_space<semaphore_mem>>) src(%dma_wait3A_182 : memref<100000x8xf32, #tpu.memory_space<vmem_shared>>) dst(%arg15 : memref<256x8xf32, #tpu.memory_space<vmem>>)
      %dma_wait3A_183 = arith.constant 0 : i32
      %dma_wait3A_184 = arith.constant 0 : i32
      %dma_wait3A_185 = tpu.memref_slice %arg31[%dma_wait3A_183, %dma_wait3A_184] : memref<100000x8xf32, #tpu.memory_space<vmem_shared>> -> memref<100000x8xf32, #tpu.memory_space<vmem_shared>>
      tpu.wait_indirect_dma semaphore(%arg34 : memref<!tpu.dma_semaphore, #tpu.memory_space<semaphore_mem>>) src(%dma_wait3A_185 : memref<100000x8xf32, #tpu.memory_space<vmem_shared>>) dst(%arg16 : memref<256x8xf32, #tpu.memory_space<vmem>>)
      %parallel_loop3A = arith.constant 0 : i32
      %parallel_loop3A_186 = arith.constant 16 : i32
      %parallel_loop3A_187 = arith.constant 1 : i32
      scf.for %parallel_loop3A_813 = %parallel_loop3A to %parallel_loop3A_186 step %parallel_loop3A_187  : i32 {
        %parallel_loop3A_814 = arith.constant 16 : i32
        %parallel_loop3A_815 = arith.muli %parallel_loop3A_814, %parallel_loop3A_813 : i32
        %parallel_loop3A_816 = vector.broadcast %parallel_loop3A_815 : i32 to vector<16xi32>
        %parallel_loop3A_817 = arith.addi %shift_right_arithmetic3A_23, %parallel_loop3A_816 : vector<16xi32>
        %parallel_loop3A_818 = arith.constant 16 : i32
        %parallel_loop3A_819 = arith.muli %parallel_loop3A_818, %parallel_loop3A_813 : i32
        %parallel_loop3A_820 = arith.index_cast %parallel_loop3A_819 : i32 to index
        %parallel_loop3A_821 = tpu.vector_load %arg14[%parallel_loop3A_820] {strides = array<i32>} : memref<256xf32, #tpu.memory_space<vmem>>, vector<16xf32>,
        %parallel_loop3A_822 = arith.mulf %parallel_loop3A_821, %mul3A_179 : vector<16xf32>
        %parallel_loop3A_823 = arith.constant 0 : i32
        %parallel_loop3A_824 = vector.broadcast %parallel_loop3A_823 : i32 to vector<16xi32>
        %parallel_loop3A_825 = arith.addi %parallel_loop3A_817, %parallel_loop3A_824 : vector<16xi32>
        %parallel_loop3A_826 = tpu.vector_load_idx %arg15[%parallel_loop3A_825, %and3A_21] : memref<256x8xf32, #tpu.memory_space<vmem>>[vector<16xi32>, vector<16xi32>], vector<16xf32>,
        %parallel_loop3A_827 = tpu.vector_load_idx %arg16[%parallel_loop3A_825, %and3A_21] : memref<256x8xf32, #tpu.memory_space<vmem>>[vector<16xi32>, vector<16xi32>], vector<16xf32>,
        %parallel_loop3A_828 = arith.subf %parallel_loop3A_826, %parallel_loop3A_827 : vector<16xf32>
        %parallel_loop3A_829 = arith.constant 0.000000e+00 : f32
        %parallel_loop3A_830 = vector.broadcast %parallel_loop3A_829 : f32 to vector<16xf32>
        %parallel_loop3A_831 = arith.maximumf %parallel_loop3A_828, %parallel_loop3A_830 : vector<16xf32>
        %parallel_loop3A_832 = arith.constant 2 : i32
        %parallel_loop3A_833 = vector.broadcast %parallel_loop3A_832 : i32 to vector<16xi32>
        %parallel_loop3A_834 = arith.addi %parallel_loop3A_817, %parallel_loop3A_833 : vector<16xi32>
        %parallel_loop3A_835 = tpu.vector_load_idx %arg15[%parallel_loop3A_834, %and3A_21] : memref<256x8xf32, #tpu.memory_space<vmem>>[vector<16xi32>, vector<16xi32>], vector<16xf32>,
        %parallel_loop3A_836 = tpu.vector_load_idx %arg16[%parallel_loop3A_834, %and3A_21] : memref<256x8xf32, #tpu.memory_space<vmem>>[vector<16xi32>, vector<16xi32>], vector<16xf32>,
        %parallel_loop3A_837 = arith.subf %parallel_loop3A_835, %parallel_loop3A_836 : vector<16xf32>
        %parallel_loop3A_838 = arith.constant 0.000000e+00 : f32
        %parallel_loop3A_839 = vector.broadcast %parallel_loop3A_838 : f32 to vector<16xf32>
        %parallel_loop3A_840 = arith.maximumf %parallel_loop3A_837, %parallel_loop3A_839 : vector<16xf32>
        %parallel_loop3A_841 = arith.constant 4 : i32
        %parallel_loop3A_842 = vector.broadcast %parallel_loop3A_841 : i32 to vector<16xi32>
        %parallel_loop3A_843 = arith.addi %parallel_loop3A_817, %parallel_loop3A_842 : vector<16xi32>
        %parallel_loop3A_844 = tpu.vector_load_idx %arg15[%parallel_loop3A_843, %and3A_21] : memref<256x8xf32, #tpu.memory_space<vmem>>[vector<16xi32>, vector<16xi32>], vector<16xf32>,
        %parallel_loop3A_845 = tpu.vector_load_idx %arg16[%parallel_loop3A_843, %and3A_21] : memref<256x8xf32, #tpu.memory_space<vmem>>[vector<16xi32>, vector<16xi32>], vector<16xf32>,
        %parallel_loop3A_846 = arith.subf %parallel_loop3A_844, %parallel_loop3A_845 : vector<16xf32>
        %parallel_loop3A_847 = arith.constant 0.000000e+00 : f32
        %parallel_loop3A_848 = vector.broadcast %parallel_loop3A_847 : f32 to vector<16xf32>
        %parallel_loop3A_849 = arith.maximumf %parallel_loop3A_846, %parallel_loop3A_848 : vector<16xf32>
        %parallel_loop3A_850 = arith.constant 6 : i32
        %parallel_loop3A_851 = vector.broadcast %parallel_loop3A_850 : i32 to vector<16xi32>
        %parallel_loop3A_852 = arith.addi %parallel_loop3A_817, %parallel_loop3A_851 : vector<16xi32>
        %parallel_loop3A_853 = tpu.vector_load_idx %arg15[%parallel_loop3A_852, %and3A_21] : memref<256x8xf32, #tpu.memory_space<vmem>>[vector<16xi32>, vector<16xi32>], vector<16xf32>,
        %parallel_loop3A_854 = tpu.vector_load_idx %arg16[%parallel_loop3A_852, %and3A_21] : memref<256x8xf32, #tpu.memory_space<vmem>>[vector<16xi32>, vector<16xi32>], vector<16xf32>,
        %parallel_loop3A_855 = arith.subf %parallel_loop3A_853, %parallel_loop3A_854 : vector<16xf32>
        %parallel_loop3A_856 = arith.constant 0.000000e+00 : f32
        %parallel_loop3A_857 = vector.broadcast %parallel_loop3A_856 : f32 to vector<16xf32>
        %parallel_loop3A_858 = arith.maximumf %parallel_loop3A_855, %parallel_loop3A_857 : vector<16xf32>
        %parallel_loop3A_859 = arith.constant 8 : i32
        %parallel_loop3A_860 = vector.broadcast %parallel_loop3A_859 : i32 to vector<16xi32>
        %parallel_loop3A_861 = arith.addi %parallel_loop3A_817, %parallel_loop3A_860 : vector<16xi32>
        %parallel_loop3A_862 = tpu.vector_load_idx %arg15[%parallel_loop3A_861, %and3A_21] : memref<256x8xf32, #tpu.memory_space<vmem>>[vector<16xi32>, vector<16xi32>], vector<16xf32>,
        %parallel_loop3A_863 = tpu.vector_load_idx %arg16[%parallel_loop3A_861, %and3A_21] : memref<256x8xf32, #tpu.memory_space<vmem>>[vector<16xi32>, vector<16xi32>], vector<16xf32>,
        %parallel_loop3A_864 = arith.subf %parallel_loop3A_862, %parallel_loop3A_863 : vector<16xf32>
        %parallel_loop3A_865 = arith.constant 0.000000e+00 : f32
        %parallel_loop3A_866 = vector.broadcast %parallel_loop3A_865 : f32 to vector<16xf32>
        %parallel_loop3A_867 = arith.maximumf %parallel_loop3A_864, %parallel_loop3A_866 : vector<16xf32>
        %parallel_loop3A_868 = arith.constant 10 : i32
        %parallel_loop3A_869 = vector.broadcast %parallel_loop3A_868 : i32 to vector<16xi32>
        %parallel_loop3A_870 = arith.addi %parallel_loop3A_817, %parallel_loop3A_869 : vector<16xi32>
        %parallel_loop3A_871 = tpu.vector_load_idx %arg15[%parallel_loop3A_870, %and3A_21] : memref<256x8xf32, #tpu.memory_space<vmem>>[vector<16xi32>, vector<16xi32>], vector<16xf32>,
        %parallel_loop3A_872 = tpu.vector_load_idx %arg16[%parallel_loop3A_870, %and3A_21] : memref<256x8xf32, #tpu.memory_space<vmem>>[vector<16xi32>, vector<16xi32>], vector<16xf32>,
        %parallel_loop3A_873 = arith.subf %parallel_loop3A_871, %parallel_loop3A_872 : vector<16xf32>
        %parallel_loop3A_874 = arith.constant 0.000000e+00 : f32
        %parallel_loop3A_875 = vector.broadcast %parallel_loop3A_874 : f32 to vector<16xf32>
        %parallel_loop3A_876 = arith.maximumf %parallel_loop3A_873, %parallel_loop3A_875 : vector<16xf32>
        %parallel_loop3A_877 = arith.constant 12 : i32
        %parallel_loop3A_878 = vector.broadcast %parallel_loop3A_877 : i32 to vector<16xi32>
        %parallel_loop3A_879 = arith.addi %parallel_loop3A_817, %parallel_loop3A_878 : vector<16xi32>
        %parallel_loop3A_880 = tpu.vector_load_idx %arg15[%parallel_loop3A_879, %and3A_21] : memref<256x8xf32, #tpu.memory_space<vmem>>[vector<16xi32>, vector<16xi32>], vector<16xf32>,
        %parallel_loop3A_881 = tpu.vector_load_idx %arg16[%parallel_loop3A_879, %and3A_21] : memref<256x8xf32, #tpu.memory_space<vmem>>[vector<16xi32>, vector<16xi32>], vector<16xf32>,
        %parallel_loop3A_882 = arith.subf %parallel_loop3A_880, %parallel_loop3A_881 : vector<16xf32>
        %parallel_loop3A_883 = arith.constant 0.000000e+00 : f32
        %parallel_loop3A_884 = vector.broadcast %parallel_loop3A_883 : f32 to vector<16xf32>
        %parallel_loop3A_885 = arith.maximumf %parallel_loop3A_882, %parallel_loop3A_884 : vector<16xf32>
        %parallel_loop3A_886 = arith.constant 14 : i32
        %parallel_loop3A_887 = vector.broadcast %parallel_loop3A_886 : i32 to vector<16xi32>
        %parallel_loop3A_888 = arith.addi %parallel_loop3A_817, %parallel_loop3A_887 : vector<16xi32>
        %parallel_loop3A_889 = tpu.vector_load_idx %arg15[%parallel_loop3A_888, %and3A_21] : memref<256x8xf32, #tpu.memory_space<vmem>>[vector<16xi32>, vector<16xi32>], vector<16xf32>,
        %parallel_loop3A_890 = tpu.vector_load_idx %arg16[%parallel_loop3A_888, %and3A_21] : memref<256x8xf32, #tpu.memory_space<vmem>>[vector<16xi32>, vector<16xi32>], vector<16xf32>,
        %parallel_loop3A_891 = arith.subf %parallel_loop3A_889, %parallel_loop3A_890 : vector<16xf32>
        %parallel_loop3A_892 = arith.constant 0.000000e+00 : f32
        %parallel_loop3A_893 = vector.broadcast %parallel_loop3A_892 : f32 to vector<16xf32>
        %parallel_loop3A_894 = arith.maximumf %parallel_loop3A_891, %parallel_loop3A_893 : vector<16xf32>
        %parallel_loop3A_895 = arith.constant 0 : i32
        %parallel_loop3A_896 = vector.broadcast %parallel_loop3A_895 : i32 to vector<16xi32>
        %parallel_loop3A_897 = arith.cmpi slt, %add3A_26, %parallel_loop3A_896 : vector<16xi32>
        %parallel_loop3A_898 = arith.constant 16 : i32
        %parallel_loop3A_899 = vector.broadcast %parallel_loop3A_898 : i32 to vector<16xi32>
        %parallel_loop3A_900 = arith.addi %add3A_26, %parallel_loop3A_899 : vector<16xi32>
        %parallel_loop3A_901 = arith.select %parallel_loop3A_897, %parallel_loop3A_900, %add3A_26 : vector<16xi1>, vector<16xi32>
        %parallel_loop3A_902 = vector.shape_cast %parallel_loop3A_901 : vector<16xi32> to vector<16x1xi32>
        %parallel_loop3A_903 = vector.shape_cast %parallel_loop3A_902 : vector<16x1xi32> to vector<16xi32>
        %parallel_loop3A_904 = tpu.dynamic_gather %parallel_loop3A_822[%parallel_loop3A_903] in [0] : vector<16xf32>, vector<16xi32> -> vector<16xf32>
        %parallel_loop3A_905 = arith.constant 0 : i32
        %parallel_loop3A_906 = vector.broadcast %parallel_loop3A_905 : i32 to vector<16xi32>
        %parallel_loop3A_907 = arith.addi %parallel_loop3A_817, %parallel_loop3A_906 : vector<16xi32>
        %parallel_loop3A_908 = arith.mulf %parallel_loop3A_831, %parallel_loop3A_904 : vector<16xf32>
        tpu.vector_store_idx %arg17[%parallel_loop3A_907, %and3A_21], %parallel_loop3A_908 : memref<256x8xf32, #tpu.memory_space<vmem>>[vector<16xi32>, vector<16xi32>], vector<16xf32>,
        %parallel_loop3A_909 = arith.constant 0 : i32
        %parallel_loop3A_910 = vector.broadcast %parallel_loop3A_909 : i32 to vector<16xi32>
        %parallel_loop3A_911 = arith.cmpi slt, %add3A_29, %parallel_loop3A_910 : vector<16xi32>
        %parallel_loop3A_912 = arith.constant 16 : i32
        %parallel_loop3A_913 = vector.broadcast %parallel_loop3A_912 : i32 to vector<16xi32>
        %parallel_loop3A_914 = arith.addi %add3A_29, %parallel_loop3A_913 : vector<16xi32>
        %parallel_loop3A_915 = arith.select %parallel_loop3A_911, %parallel_loop3A_914, %add3A_29 : vector<16xi1>, vector<16xi32>
        %parallel_loop3A_916 = vector.shape_cast %parallel_loop3A_915 : vector<16xi32> to vector<16x1xi32>
        %parallel_loop3A_917 = vector.shape_cast %parallel_loop3A_916 : vector<16x1xi32> to vector<16xi32>
        %parallel_loop3A_918 = tpu.dynamic_gather %parallel_loop3A_822[%parallel_loop3A_917] in [0] : vector<16xf32>, vector<16xi32> -> vector<16xf32>
        %parallel_loop3A_919 = arith.constant 2 : i32
        %parallel_loop3A_920 = vector.broadcast %parallel_loop3A_919 : i32 to vector<16xi32>
        %parallel_loop3A_921 = arith.addi %parallel_loop3A_817, %parallel_loop3A_920 : vector<16xi32>
        %parallel_loop3A_922 = arith.mulf %parallel_loop3A_840, %parallel_loop3A_918 : vector<16xf32>
        tpu.vector_store_idx %arg17[%parallel_loop3A_921, %and3A_21], %parallel_loop3A_922 : memref<256x8xf32, #tpu.memory_space<vmem>>[vector<16xi32>, vector<16xi32>], vector<16xf32>,
        %parallel_loop3A_923 = arith.constant 0 : i32
        %parallel_loop3A_924 = vector.broadcast %parallel_loop3A_923 : i32 to vector<16xi32>
        %parallel_loop3A_925 = arith.cmpi slt, %add3A_32, %parallel_loop3A_924 : vector<16xi32>
        %parallel_loop3A_926 = arith.constant 16 : i32
        %parallel_loop3A_927 = vector.broadcast %parallel_loop3A_926 : i32 to vector<16xi32>
        %parallel_loop3A_928 = arith.addi %add3A_32, %parallel_loop3A_927 : vector<16xi32>
        %parallel_loop3A_929 = arith.select %parallel_loop3A_925, %parallel_loop3A_928, %add3A_32 : vector<16xi1>, vector<16xi32>
        %parallel_loop3A_930 = vector.shape_cast %parallel_loop3A_929 : vector<16xi32> to vector<16x1xi32>
        %parallel_loop3A_931 = vector.shape_cast %parallel_loop3A_930 : vector<16x1xi32> to vector<16xi32>
        %parallel_loop3A_932 = tpu.dynamic_gather %parallel_loop3A_822[%parallel_loop3A_931] in [0] : vector<16xf32>, vector<16xi32> -> vector<16xf32>
        %parallel_loop3A_933 = arith.constant 4 : i32
        %parallel_loop3A_934 = vector.broadcast %parallel_loop3A_933 : i32 to vector<16xi32>
        %parallel_loop3A_935 = arith.addi %parallel_loop3A_817, %parallel_loop3A_934 : vector<16xi32>
        %parallel_loop3A_936 = arith.mulf %parallel_loop3A_849, %parallel_loop3A_932 : vector<16xf32>
        tpu.vector_store_idx %arg17[%parallel_loop3A_935, %and3A_21], %parallel_loop3A_936 : memref<256x8xf32, #tpu.memory_space<vmem>>[vector<16xi32>, vector<16xi32>], vector<16xf32>,
        %parallel_loop3A_937 = arith.constant 0 : i32
        %parallel_loop3A_938 = vector.broadcast %parallel_loop3A_937 : i32 to vector<16xi32>
        %parallel_loop3A_939 = arith.cmpi slt, %add3A_35, %parallel_loop3A_938 : vector<16xi32>
        %parallel_loop3A_940 = arith.constant 16 : i32
        %parallel_loop3A_941 = vector.broadcast %parallel_loop3A_940 : i32 to vector<16xi32>
        %parallel_loop3A_942 = arith.addi %add3A_35, %parallel_loop3A_941 : vector<16xi32>
        %parallel_loop3A_943 = arith.select %parallel_loop3A_939, %parallel_loop3A_942, %add3A_35 : vector<16xi1>, vector<16xi32>
        %parallel_loop3A_944 = vector.shape_cast %parallel_loop3A_943 : vector<16xi32> to vector<16x1xi32>
        %parallel_loop3A_945 = vector.shape_cast %parallel_loop3A_944 : vector<16x1xi32> to vector<16xi32>
        %parallel_loop3A_946 = tpu.dynamic_gather %parallel_loop3A_822[%parallel_loop3A_945] in [0] : vector<16xf32>, vector<16xi32> -> vector<16xf32>
        %parallel_loop3A_947 = arith.constant 6 : i32
        %parallel_loop3A_948 = vector.broadcast %parallel_loop3A_947 : i32 to vector<16xi32>
        %parallel_loop3A_949 = arith.addi %parallel_loop3A_817, %parallel_loop3A_948 : vector<16xi32>
        %parallel_loop3A_950 = arith.mulf %parallel_loop3A_858, %parallel_loop3A_946 : vector<16xf32>
        tpu.vector_store_idx %arg17[%parallel_loop3A_949, %and3A_21], %parallel_loop3A_950 : memref<256x8xf32, #tpu.memory_space<vmem>>[vector<16xi32>, vector<16xi32>], vector<16xf32>,
        %parallel_loop3A_951 = arith.constant 0 : i32
        %parallel_loop3A_952 = vector.broadcast %parallel_loop3A_951 : i32 to vector<16xi32>
        %parallel_loop3A_953 = arith.cmpi slt, %add3A_38, %parallel_loop3A_952 : vector<16xi32>
        %parallel_loop3A_954 = arith.constant 16 : i32
        %parallel_loop3A_955 = vector.broadcast %parallel_loop3A_954 : i32 to vector<16xi32>
        %parallel_loop3A_956 = arith.addi %add3A_38, %parallel_loop3A_955 : vector<16xi32>
        %parallel_loop3A_957 = arith.select %parallel_loop3A_953, %parallel_loop3A_956, %add3A_38 : vector<16xi1>, vector<16xi32>
        %parallel_loop3A_958 = vector.shape_cast %parallel_loop3A_957 : vector<16xi32> to vector<16x1xi32>
        %parallel_loop3A_959 = vector.shape_cast %parallel_loop3A_958 : vector<16x1xi32> to vector<16xi32>
        %parallel_loop3A_960 = tpu.dynamic_gather %parallel_loop3A_822[%parallel_loop3A_959] in [0] : vector<16xf32>, vector<16xi32> -> vector<16xf32>
        %parallel_loop3A_961 = arith.constant 8 : i32
        %parallel_loop3A_962 = vector.broadcast %parallel_loop3A_961 : i32 to vector<16xi32>
        %parallel_loop3A_963 = arith.addi %parallel_loop3A_817, %parallel_loop3A_962 : vector<16xi32>
        %parallel_loop3A_964 = arith.mulf %parallel_loop3A_867, %parallel_loop3A_960 : vector<16xf32>
        tpu.vector_store_idx %arg17[%parallel_loop3A_963, %and3A_21], %parallel_loop3A_964 : memref<256x8xf32, #tpu.memory_space<vmem>>[vector<16xi32>, vector<16xi32>], vector<16xf32>,
        %parallel_loop3A_965 = arith.constant 0 : i32
        %parallel_loop3A_966 = vector.broadcast %parallel_loop3A_965 : i32 to vector<16xi32>
        %parallel_loop3A_967 = arith.cmpi slt, %add3A_41, %parallel_loop3A_966 : vector<16xi32>
        %parallel_loop3A_968 = arith.constant 16 : i32
        %parallel_loop3A_969 = vector.broadcast %parallel_loop3A_968 : i32 to vector<16xi32>
        %parallel_loop3A_970 = arith.addi %add3A_41, %parallel_loop3A_969 : vector<16xi32>
        %parallel_loop3A_971 = arith.select %parallel_loop3A_967, %parallel_loop3A_970, %add3A_41 : vector<16xi1>, vector<16xi32>
        %parallel_loop3A_972 = vector.shape_cast %parallel_loop3A_971 : vector<16xi32> to vector<16x1xi32>
        %parallel_loop3A_973 = vector.shape_cast %parallel_loop3A_972 : vector<16x1xi32> to vector<16xi32>
        %parallel_loop3A_974 = tpu.dynamic_gather %parallel_loop3A_822[%parallel_loop3A_973] in [0] : vector<16xf32>, vector<16xi32> -> vector<16xf32>
        %parallel_loop3A_975 = arith.constant 10 : i32
        %parallel_loop3A_976 = vector.broadcast %parallel_loop3A_975 : i32 to vector<16xi32>
        %parallel_loop3A_977 = arith.addi %parallel_loop3A_817, %parallel_loop3A_976 : vector<16xi32>
        %parallel_loop3A_978 = arith.mulf %parallel_loop3A_876, %parallel_loop3A_974 : vector<16xf32>
        tpu.vector_store_idx %arg17[%parallel_loop3A_977, %and3A_21], %parallel_loop3A_978 : memref<256x8xf32, #tpu.memory_space<vmem>>[vector<16xi32>, vector<16xi32>], vector<16xf32>,
        %parallel_loop3A_979 = arith.constant 0 : i32
        %parallel_loop3A_980 = vector.broadcast %parallel_loop3A_979 : i32 to vector<16xi32>
        %parallel_loop3A_981 = arith.cmpi slt, %add3A_44, %parallel_loop3A_980 : vector<16xi32>
        %parallel_loop3A_982 = arith.constant 16 : i32
        %parallel_loop3A_983 = vector.broadcast %parallel_loop3A_982 : i32 to vector<16xi32>
        %parallel_loop3A_984 = arith.addi %add3A_44, %parallel_loop3A_983 : vector<16xi32>
        %parallel_loop3A_985 = arith.select %parallel_loop3A_981, %parallel_loop3A_984, %add3A_44 : vector<16xi1>, vector<16xi32>
        %parallel_loop3A_986 = vector.shape_cast %parallel_loop3A_985 : vector<16xi32> to vector<16x1xi32>
        %parallel_loop3A_987 = vector.shape_cast %parallel_loop3A_986 : vector<16x1xi32> to vector<16xi32>
        %parallel_loop3A_988 = tpu.dynamic_gather %parallel_loop3A_822[%parallel_loop3A_987] in [0] : vector<16xf32>, vector<16xi32> -> vector<16xf32>
        %parallel_loop3A_989 = arith.constant 12 : i32
        %parallel_loop3A_990 = vector.broadcast %parallel_loop3A_989 : i32 to vector<16xi32>
        %parallel_loop3A_991 = arith.addi %parallel_loop3A_817, %parallel_loop3A_990 : vector<16xi32>
        %parallel_loop3A_992 = arith.mulf %parallel_loop3A_885, %parallel_loop3A_988 : vector<16xf32>
        tpu.vector_store_idx %arg17[%parallel_loop3A_991, %and3A_21], %parallel_loop3A_992 : memref<256x8xf32, #tpu.memory_space<vmem>>[vector<16xi32>, vector<16xi32>], vector<16xf32>,
        %parallel_loop3A_993 = arith.constant 0 : i32
        %parallel_loop3A_994 = vector.broadcast %parallel_loop3A_993 : i32 to vector<16xi32>
        %parallel_loop3A_995 = arith.cmpi slt, %add3A_47, %parallel_loop3A_994 : vector<16xi32>
        %parallel_loop3A_996 = arith.constant 16 : i32
        %parallel_loop3A_997 = vector.broadcast %parallel_loop3A_996 : i32 to vector<16xi32>
        %parallel_loop3A_998 = arith.addi %add3A_47, %parallel_loop3A_997 : vector<16xi32>
        %parallel_loop3A_999 = arith.select %parallel_loop3A_995, %parallel_loop3A_998, %add3A_47 : vector<16xi1>, vector<16xi32>
        %parallel_loop3A_1000 = vector.shape_cast %parallel_loop3A_999 : vector<16xi32> to vector<16x1xi32>
        %parallel_loop3A_1001 = vector.shape_cast %parallel_loop3A_1000 : vector<16x1xi32> to vector<16xi32>
        %parallel_loop3A_1002 = tpu.dynamic_gather %parallel_loop3A_822[%parallel_loop3A_1001] in [0] : vector<16xf32>, vector<16xi32> -> vector<16xf32>
        %parallel_loop3A_1003 = arith.constant 14 : i32
        %parallel_loop3A_1004 = vector.broadcast %parallel_loop3A_1003 : i32 to vector<16xi32>
        %parallel_loop3A_1005 = arith.addi %parallel_loop3A_817, %parallel_loop3A_1004 : vector<16xi32>
        %parallel_loop3A_1006 = arith.mulf %parallel_loop3A_894, %parallel_loop3A_1002 : vector<16xf32>
        tpu.vector_store_idx %arg17[%parallel_loop3A_1005, %and3A_21], %parallel_loop3A_1006 : memref<256x8xf32, #tpu.memory_space<vmem>>[vector<16xi32>, vector<16xi32>], vector<16xf32>,
      } {sc.loop_unroll_factor = 4 : i64, sc.parallel_access}
      %get3A = arith.constant 0 : index
      %get3A_188 = tpu.vector_load %arg11[%get3A] {strides = array<i32>} : memref<256xi32, #tpu.memory_space<vmem>>, vector<16xi32>,
      %swap3A = arith.constant 0 : i32
      %swap3A_189 = arith.index_cast %swap3A : i32 to index
      %swap3A_190 = arith.constant 0 : index
      %swap3A_191 = tpu.vector_load %arg18[%swap3A_189, %swap3A_190] {strides = array<i32>} : memref<2x128xi32, #tpu.memory_space<vmem>>, vector<16xi32>,
      tpu.vector_store %arg18[%swap3A_189, %swap3A_190], %get3A_188 {strides = array<i32>} : memref<2x128xi32, #tpu.memory_space<vmem>>, vector<16xi32>,
      %get3A_192 = arith.constant 0 : index
      %get3A_193 = tpu.vector_load %arg13[%get3A_192] {strides = array<i32>} : memref<256xf32, #tpu.memory_space<vmem>>, vector<16xf32>,
      %mul3A_194 = arith.mulf %get3A_193, %mul3A_179 : vector<16xf32>
      %swap3A_195 = arith.constant 0 : i32
      %swap3A_196 = arith.index_cast %swap3A_195 : i32 to index
      %swap3A_197 = arith.constant 0 : index
      %swap3A_198 = tpu.vector_load %arg19[%swap3A_196, %swap3A_197] {strides = array<i32>} : memref<2x128xf32, #tpu.memory_space<vmem>>, vector<16xf32>,
      tpu.vector_store %arg19[%swap3A_196, %swap3A_197], %mul3A_194 {strides = array<i32>} : memref<2x128xf32, #tpu.memory_space<vmem>>, vector<16xf32>,
      %get3A_199 = arith.constant 16 : index
      %get3A_200 = tpu.vector_load %arg11[%get3A_199] {strides = array<i32>} : memref<256xi32, #tpu.memory_space<vmem>>, vector<16xi32>,
      %swap3A_201 = arith.constant 0 : i32
      %swap3A_202 = arith.index_cast %swap3A_201 : i32 to index
      %swap3A_203 = arith.constant 16 : index
      %swap3A_204 = tpu.vector_load %arg18[%swap3A_202, %swap3A_203] {strides = array<i32>} : memref<2x128xi32, #tpu.memory_space<vmem>>, vector<16xi32>,
      tpu.vector_store %arg18[%swap3A_202, %swap3A_203], %get3A_200 {strides = array<i32>} : memref<2x128xi32, #tpu.memory_space<vmem>>, vector<16xi32>,
      %get3A_205 = arith.constant 16 : index
      %get3A_206 = tpu.vector_load %arg13[%get3A_205] {strides = array<i32>} : memref<256xf32, #tpu.memory_space<vmem>>, vector<16xf32>,
      %mul3A_207 = arith.mulf %get3A_206, %mul3A_179 : vector<16xf32>
      %swap3A_208 = arith.constant 0 : i32
      %swap3A_209 = arith.index_cast %swap3A_208 : i32 to index
      %swap3A_210 = arith.constant 16 : index
      %swap3A_211 = tpu.vector_load %arg19[%swap3A_209, %swap3A_210] {strides = array<i32>} : memref<2x128xf32, #tpu.memory_space<vmem>>, vector<16xf32>,
      tpu.vector_store %arg19[%swap3A_209, %swap3A_210], %mul3A_207 {strides = array<i32>} : memref<2x128xf32, #tpu.memory_space<vmem>>, vector<16xf32>,
      %get3A_212 = arith.constant 32 : index
      %get3A_213 = tpu.vector_load %arg11[%get3A_212] {strides = array<i32>} : memref<256xi32, #tpu.memory_space<vmem>>, vector<16xi32>,
      %swap3A_214 = arith.constant 0 : i32
      %swap3A_215 = arith.index_cast %swap3A_214 : i32 to index
      %swap3A_216 = arith.constant 32 : index
      %swap3A_217 = tpu.vector_load %arg18[%swap3A_215, %swap3A_216] {strides = array<i32>} : memref<2x128xi32, #tpu.memory_space<vmem>>, vector<16xi32>,
      tpu.vector_store %arg18[%swap3A_215, %swap3A_216], %get3A_213 {strides = array<i32>} : memref<2x128xi32, #tpu.memory_space<vmem>>, vector<16xi32>,
      %get3A_218 = arith.constant 32 : index
      %get3A_219 = tpu.vector_load %arg13[%get3A_218] {strides = array<i32>} : memref<256xf32, #tpu.memory_space<vmem>>, vector<16xf32>,
      %mul3A_220 = arith.mulf %get3A_219, %mul3A_179 : vector<16xf32>
      %swap3A_221 = arith.constant 0 : i32
      %swap3A_222 = arith.index_cast %swap3A_221 : i32 to index
      %swap3A_223 = arith.constant 32 : index
      %swap3A_224 = tpu.vector_load %arg19[%swap3A_222, %swap3A_223] {strides = array<i32>} : memref<2x128xf32, #tpu.memory_space<vmem>>, vector<16xf32>,
      tpu.vector_store %arg19[%swap3A_222, %swap3A_223], %mul3A_220 {strides = array<i32>} : memref<2x128xf32, #tpu.memory_space<vmem>>, vector<16xf32>,
      %get3A_225 = arith.constant 48 : index
      %get3A_226 = tpu.vector_load %arg11[%get3A_225] {strides = array<i32>} : memref<256xi32, #tpu.memory_space<vmem>>, vector<16xi32>,
      %swap3A_227 = arith.constant 0 : i32
      %swap3A_228 = arith.index_cast %swap3A_227 : i32 to index
      %swap3A_229 = arith.constant 48 : index
      %swap3A_230 = tpu.vector_load %arg18[%swap3A_228, %swap3A_229] {strides = array<i32>} : memref<2x128xi32, #tpu.memory_space<vmem>>, vector<16xi32>,
      tpu.vector_store %arg18[%swap3A_228, %swap3A_229], %get3A_226 {strides = array<i32>} : memref<2x128xi32, #tpu.memory_space<vmem>>, vector<16xi32>,
      %get3A_231 = arith.constant 48 : index
      %get3A_232 = tpu.vector_load %arg13[%get3A_231] {strides = array<i32>} : memref<256xf32, #tpu.memory_space<vmem>>, vector<16xf32>,
      %mul3A_233 = arith.mulf %get3A_232, %mul3A_179 : vector<16xf32>
      %swap3A_234 = arith.constant 0 : i32
      %swap3A_235 = arith.index_cast %swap3A_234 : i32 to index
      %swap3A_236 = arith.constant 48 : index
      %swap3A_237 = tpu.vector_load %arg19[%swap3A_235, %swap3A_236] {strides = array<i32>} : memref<2x128xf32, #tpu.memory_space<vmem>>, vector<16xf32>,
      tpu.vector_store %arg19[%swap3A_235, %swap3A_236], %mul3A_233 {strides = array<i32>} : memref<2x128xf32, #tpu.memory_space<vmem>>, vector<16xf32>,
      %get3A_238 = arith.constant 64 : index
      %get3A_239 = tpu.vector_load %arg11[%get3A_238] {strides = array<i32>} : memref<256xi32, #tpu.memory_space<vmem>>, vector<16xi32>,
      %swap3A_240 = arith.constant 0 : i32
      %swap3A_241 = arith.index_cast %swap3A_240 : i32 to index
      %swap3A_242 = arith.constant 64 : index
      %swap3A_243 = tpu.vector_load %arg18[%swap3A_241, %swap3A_242] {strides = array<i32>} : memref<2x128xi32, #tpu.memory_space<vmem>>, vector<16xi32>,
      tpu.vector_store %arg18[%swap3A_241, %swap3A_242], %get3A_239 {strides = array<i32>} : memref<2x128xi32, #tpu.memory_space<vmem>>, vector<16xi32>,
      %get3A_244 = arith.constant 64 : index
      %get3A_245 = tpu.vector_load %arg13[%get3A_244] {strides = array<i32>} : memref<256xf32, #tpu.memory_space<vmem>>, vector<16xf32>,
      %mul3A_246 = arith.mulf %get3A_245, %mul3A_179 : vector<16xf32>
      %swap3A_247 = arith.constant 0 : i32
      %swap3A_248 = arith.index_cast %swap3A_247 : i32 to index
      %swap3A_249 = arith.constant 64 : index
      %swap3A_250 = tpu.vector_load %arg19[%swap3A_248, %swap3A_249] {strides = array<i32>} : memref<2x128xf32, #tpu.memory_space<vmem>>, vector<16xf32>,
      tpu.vector_store %arg19[%swap3A_248, %swap3A_249], %mul3A_246 {strides = array<i32>} : memref<2x128xf32, #tpu.memory_space<vmem>>, vector<16xf32>,
      %get3A_251 = arith.constant 80 : index
      %get3A_252 = tpu.vector_load %arg11[%get3A_251] {strides = array<i32>} : memref<256xi32, #tpu.memory_space<vmem>>, vector<16xi32>,
      %swap3A_253 = arith.constant 0 : i32
      %swap3A_254 = arith.index_cast %swap3A_253 : i32 to index
      %swap3A_255 = arith.constant 80 : index
      %swap3A_256 = tpu.vector_load %arg18[%swap3A_254, %swap3A_255] {strides = array<i32>} : memref<2x128xi32, #tpu.memory_space<vmem>>, vector<16xi32>,
      tpu.vector_store %arg18[%swap3A_254, %swap3A_255], %get3A_252 {strides = array<i32>} : memref<2x128xi32, #tpu.memory_space<vmem>>, vector<16xi32>,
      %get3A_257 = arith.constant 80 : index
      %get3A_258 = tpu.vector_load %arg13[%get3A_257] {strides = array<i32>} : memref<256xf32, #tpu.memory_space<vmem>>, vector<16xf32>,
      %mul3A_259 = arith.mulf %get3A_258, %mul3A_179 : vector<16xf32>
      %swap3A_260 = arith.constant 0 : i32
      %swap3A_261 = arith.index_cast %swap3A_260 : i32 to index
      %swap3A_262 = arith.constant 80 : index
      %swap3A_263 = tpu.vector_load %arg19[%swap3A_261, %swap3A_262] {strides = array<i32>} : memref<2x128xf32, #tpu.memory_space<vmem>>, vector<16xf32>,
      tpu.vector_store %arg19[%swap3A_261, %swap3A_262], %mul3A_259 {strides = array<i32>} : memref<2x128xf32, #tpu.memory_space<vmem>>, vector<16xf32>,
      %get3A_264 = arith.constant 96 : index
      %get3A_265 = tpu.vector_load %arg11[%get3A_264] {strides = array<i32>} : memref<256xi32, #tpu.memory_space<vmem>>, vector<16xi32>,
      %swap3A_266 = arith.constant 0 : i32
      %swap3A_267 = arith.index_cast %swap3A_266 : i32 to index
      %swap3A_268 = arith.constant 96 : index
      %swap3A_269 = tpu.vector_load %arg18[%swap3A_267, %swap3A_268] {strides = array<i32>} : memref<2x128xi32, #tpu.memory_space<vmem>>, vector<16xi32>,
      tpu.vector_store %arg18[%swap3A_267, %swap3A_268], %get3A_265 {strides = array<i32>} : memref<2x128xi32, #tpu.memory_space<vmem>>, vector<16xi32>,
      %get3A_270 = arith.constant 96 : index
      %get3A_271 = tpu.vector_load %arg13[%get3A_270] {strides = array<i32>} : memref<256xf32, #tpu.memory_space<vmem>>, vector<16xf32>,
      %mul3A_272 = arith.mulf %get3A_271, %mul3A_179 : vector<16xf32>
      %swap3A_273 = arith.constant 0 : i32
      %swap3A_274 = arith.index_cast %swap3A_273 : i32 to index
      %swap3A_275 = arith.constant 96 : index
      %swap3A_276 = tpu.vector_load %arg19[%swap3A_274, %swap3A_275] {strides = array<i32>} : memref<2x128xf32, #tpu.memory_space<vmem>>, vector<16xf32>,
      tpu.vector_store %arg19[%swap3A_274, %swap3A_275], %mul3A_272 {strides = array<i32>} : memref<2x128xf32, #tpu.memory_space<vmem>>, vector<16xf32>,
      %get3A_277 = arith.constant 112 : index
      %get3A_278 = tpu.vector_load %arg11[%get3A_277] {strides = array<i32>} : memref<256xi32, #tpu.memory_space<vmem>>, vector<16xi32>,
      %swap3A_279 = arith.constant 0 : i32
      %swap3A_280 = arith.index_cast %swap3A_279 : i32 to index
      %swap3A_281 = arith.constant 112 : index
      %swap3A_282 = tpu.vector_load %arg18[%swap3A_280, %swap3A_281] {strides = array<i32>} : memref<2x128xi32, #tpu.memory_space<vmem>>, vector<16xi32>,
      tpu.vector_store %arg18[%swap3A_280, %swap3A_281], %get3A_278 {strides = array<i32>} : memref<2x128xi32, #tpu.memory_space<vmem>>, vector<16xi32>,
      %get3A_283 = arith.constant 112 : index
      %get3A_284 = tpu.vector_load %arg13[%get3A_283] {strides = array<i32>} : memref<256xf32, #tpu.memory_space<vmem>>, vector<16xf32>,
      %mul3A_285 = arith.mulf %get3A_284, %mul3A_179 : vector<16xf32>
      %swap3A_286 = arith.constant 0 : i32
      %swap3A_287 = arith.index_cast %swap3A_286 : i32 to index
      %swap3A_288 = arith.constant 112 : index
      %swap3A_289 = tpu.vector_load %arg19[%swap3A_287, %swap3A_288] {strides = array<i32>} : memref<2x128xf32, #tpu.memory_space<vmem>>, vector<16xf32>,
      tpu.vector_store %arg19[%swap3A_287, %swap3A_288], %mul3A_285 {strides = array<i32>} : memref<2x128xf32, #tpu.memory_space<vmem>>, vector<16xf32>,
      %dma_start3A_290 = arith.constant 0 : i32
      %dma_start3A_291 = arith.constant 0 : i32
      %dma_start3A_292 = arith.constant 0 : i32
      %dma_start3A_293 = tpu.memref_slice %arg17[%dma_start3A_291, %dma_start3A_292] : memref<256x8xf32, #tpu.memory_space<vmem>> -> memref<128x8xf32, #tpu.memory_space<vmem>>
      %dma_start3A_294 = arith.constant 0 : i32
      %dma_start3A_295 = tpu.memref_slice %arg18[%dma_start3A_290, %dma_start3A_294] : memref<2x128xi32, #tpu.memory_space<vmem>> -> memref<1x128xi32, #tpu.memory_space<vmem>>
      %dma_start3A_296 = tpu.memref_squeeze %dma_start3A_295 : memref<1x128xi32, #tpu.memory_space<vmem>> -> memref<128xi32, #tpu.memory_space<vmem>>
      %dma_start3A_297 = arith.constant 0 : i32
      %dma_start3A_298 = arith.constant 0 : i32
      %dma_start3A_299 = tpu.memref_slice %arg29[%dma_start3A_297, %dma_start3A_298] : memref<100000x8xf32, #tpu.memory_space<vmem_shared>> -> memref<100000x8xf32, #tpu.memory_space<vmem_shared>>
      tpu.enqueue_indirect_dma source(%dma_start3A_293 : memref<128x8xf32, #tpu.memory_space<vmem>>) target(%dma_start3A_299 : memref<100000x8xf32, #tpu.memory_space<vmem_shared>>) offsets(%dma_start3A_296 : memref<128xi32, #tpu.memory_space<vmem>>) semaphore(%arg36 : memref<!tpu.dma_semaphore, #tpu.memory_space<semaphore_mem>>) {add = true}
      %dma_start3A_300 = arith.constant 0 : i32
      %dma_start3A_301 = arith.constant 0 : i32
      %dma_start3A_302 = arith.constant 0 : i32
      %dma_start3A_303 = tpu.memref_slice %arg19[%dma_start3A_300, %dma_start3A_302] : memref<2x128xf32, #tpu.memory_space<vmem>> -> memref<1x128xf32, #tpu.memory_space<vmem>>
      %dma_start3A_304 = tpu.memref_squeeze %dma_start3A_303 : memref<1x128xf32, #tpu.memory_space<vmem>> -> memref<128xf32, #tpu.memory_space<vmem>>
      %dma_start3A_305 = arith.constant 0 : i32
      %dma_start3A_306 = tpu.memref_slice %arg18[%dma_start3A_301, %dma_start3A_305] : memref<2x128xi32, #tpu.memory_space<vmem>> -> memref<1x128xi32, #tpu.memory_space<vmem>>
      %dma_start3A_307 = tpu.memref_squeeze %dma_start3A_306 : memref<1x128xi32, #tpu.memory_space<vmem>> -> memref<128xi32, #tpu.memory_space<vmem>>
      %dma_start3A_308 = arith.constant 0 : i32
      %dma_start3A_309 = tpu.memref_slice %arg30[%dma_start3A_308] : memref<100000xf32, #tpu.memory_space<vmem_shared>> -> memref<100000xf32, #tpu.memory_space<vmem_shared>>
      tpu.enqueue_indirect_dma source(%dma_start3A_304 : memref<128xf32, #tpu.memory_space<vmem>>) target(%dma_start3A_309 : memref<100000xf32, #tpu.memory_space<vmem_shared>>) offsets(%dma_start3A_307 : memref<128xi32, #tpu.memory_space<vmem>>) semaphore(%arg36 : memref<!tpu.dma_semaphore, #tpu.memory_space<semaphore_mem>>) {add = true}
      %get3A_310 = arith.constant 128 : index
      %get3A_311 = tpu.vector_load %arg11[%get3A_310] {strides = array<i32>} : memref<256xi32, #tpu.memory_space<vmem>>, vector<16xi32>,
      %swap3A_312 = arith.constant 1 : i32
      %swap3A_313 = arith.index_cast %swap3A_312 : i32 to index
      %swap3A_314 = arith.constant 0 : index
      %swap3A_315 = tpu.vector_load %arg18[%swap3A_313, %swap3A_314] {strides = array<i32>} : memref<2x128xi32, #tpu.memory_space<vmem>>, vector<16xi32>,
      tpu.vector_store %arg18[%swap3A_313, %swap3A_314], %get3A_311 {strides = array<i32>} : memref<2x128xi32, #tpu.memory_space<vmem>>, vector<16xi32>,
      %get3A_316 = arith.constant 128 : index
      %get3A_317 = tpu.vector_load %arg13[%get3A_316] {strides = array<i32>} : memref<256xf32, #tpu.memory_space<vmem>>, vector<16xf32>,
      %mul3A_318 = arith.mulf %get3A_317, %mul3A_179 : vector<16xf32>
      %swap3A_319 = arith.constant 1 : i32
      %swap3A_320 = arith.index_cast %swap3A_319 : i32 to index
      %swap3A_321 = arith.constant 0 : index
      %swap3A_322 = tpu.vector_load %arg19[%swap3A_320, %swap3A_321] {strides = array<i32>} : memref<2x128xf32, #tpu.memory_space<vmem>>, vector<16xf32>,
      tpu.vector_store %arg19[%swap3A_320, %swap3A_321], %mul3A_318 {strides = array<i32>} : memref<2x128xf32, #tpu.memory_space<vmem>>, vector<16xf32>,
      %get3A_323 = arith.constant 144 : index
      %get3A_324 = tpu.vector_load %arg11[%get3A_323] {strides = array<i32>} : memref<256xi32, #tpu.memory_space<vmem>>, vector<16xi32>,
      %swap3A_325 = arith.constant 1 : i32
      %swap3A_326 = arith.index_cast %swap3A_325 : i32 to index
      %swap3A_327 = arith.constant 16 : index
      %swap3A_328 = tpu.vector_load %arg18[%swap3A_326, %swap3A_327] {strides = array<i32>} : memref<2x128xi32, #tpu.memory_space<vmem>>, vector<16xi32>,
      tpu.vector_store %arg18[%swap3A_326, %swap3A_327], %get3A_324 {strides = array<i32>} : memref<2x128xi32, #tpu.memory_space<vmem>>, vector<16xi32>,
      %get3A_329 = arith.constant 144 : index
      %get3A_330 = tpu.vector_load %arg13[%get3A_329] {strides = array<i32>} : memref<256xf32, #tpu.memory_space<vmem>>, vector<16xf32>,
      %mul3A_331 = arith.mulf %get3A_330, %mul3A_179 : vector<16xf32>
      %swap3A_332 = arith.constant 1 : i32
      %swap3A_333 = arith.index_cast %swap3A_332 : i32 to index
      %swap3A_334 = arith.constant 16 : index
      %swap3A_335 = tpu.vector_load %arg19[%swap3A_333, %swap3A_334] {strides = array<i32>} : memref<2x128xf32, #tpu.memory_space<vmem>>, vector<16xf32>,
      tpu.vector_store %arg19[%swap3A_333, %swap3A_334], %mul3A_331 {strides = array<i32>} : memref<2x128xf32, #tpu.memory_space<vmem>>, vector<16xf32>,
      %get3A_336 = arith.constant 160 : index
      %get3A_337 = tpu.vector_load %arg11[%get3A_336] {strides = array<i32>} : memref<256xi32, #tpu.memory_space<vmem>>, vector<16xi32>,
      %swap3A_338 = arith.constant 1 : i32
      %swap3A_339 = arith.index_cast %swap3A_338 : i32 to index
      %swap3A_340 = arith.constant 32 : index
      %swap3A_341 = tpu.vector_load %arg18[%swap3A_339, %swap3A_340] {strides = array<i32>} : memref<2x128xi32, #tpu.memory_space<vmem>>, vector<16xi32>,
      tpu.vector_store %arg18[%swap3A_339, %swap3A_340], %get3A_337 {strides = array<i32>} : memref<2x128xi32, #tpu.memory_space<vmem>>, vector<16xi32>,
      %get3A_342 = arith.constant 160 : index
      %get3A_343 = tpu.vector_load %arg13[%get3A_342] {strides = array<i32>} : memref<256xf32, #tpu.memory_space<vmem>>, vector<16xf32>,
      %mul3A_344 = arith.mulf %get3A_343, %mul3A_179 : vector<16xf32>
      %swap3A_345 = arith.constant 1 : i32
      %swap3A_346 = arith.index_cast %swap3A_345 : i32 to index
      %swap3A_347 = arith.constant 32 : index
      %swap3A_348 = tpu.vector_load %arg19[%swap3A_346, %swap3A_347] {strides = array<i32>} : memref<2x128xf32, #tpu.memory_space<vmem>>, vector<16xf32>,
      tpu.vector_store %arg19[%swap3A_346, %swap3A_347], %mul3A_344 {strides = array<i32>} : memref<2x128xf32, #tpu.memory_space<vmem>>, vector<16xf32>,
      %get3A_349 = arith.constant 176 : index
      %get3A_350 = tpu.vector_load %arg11[%get3A_349] {strides = array<i32>} : memref<256xi32, #tpu.memory_space<vmem>>, vector<16xi32>,
      %swap3A_351 = arith.constant 1 : i32
      %swap3A_352 = arith.index_cast %swap3A_351 : i32 to index
      %swap3A_353 = arith.constant 48 : index
      %swap3A_354 = tpu.vector_load %arg18[%swap3A_352, %swap3A_353] {strides = array<i32>} : memref<2x128xi32, #tpu.memory_space<vmem>>, vector<16xi32>,
      tpu.vector_store %arg18[%swap3A_352, %swap3A_353], %get3A_350 {strides = array<i32>} : memref<2x128xi32, #tpu.memory_space<vmem>>, vector<16xi32>,
      %get3A_355 = arith.constant 176 : index
      %get3A_356 = tpu.vector_load %arg13[%get3A_355] {strides = array<i32>} : memref<256xf32, #tpu.memory_space<vmem>>, vector<16xf32>,
      %mul3A_357 = arith.mulf %get3A_356, %mul3A_179 : vector<16xf32>
      %swap3A_358 = arith.constant 1 : i32
      %swap3A_359 = arith.index_cast %swap3A_358 : i32 to index
      %swap3A_360 = arith.constant 48 : index
      %swap3A_361 = tpu.vector_load %arg19[%swap3A_359, %swap3A_360] {strides = array<i32>} : memref<2x128xf32, #tpu.memory_space<vmem>>, vector<16xf32>,
      tpu.vector_store %arg19[%swap3A_359, %swap3A_360], %mul3A_357 {strides = array<i32>} : memref<2x128xf32, #tpu.memory_space<vmem>>, vector<16xf32>,
      %get3A_362 = arith.constant 192 : index
      %get3A_363 = tpu.vector_load %arg11[%get3A_362] {strides = array<i32>} : memref<256xi32, #tpu.memory_space<vmem>>, vector<16xi32>,
      %swap3A_364 = arith.constant 1 : i32
      %swap3A_365 = arith.index_cast %swap3A_364 : i32 to index
      %swap3A_366 = arith.constant 64 : index
      %swap3A_367 = tpu.vector_load %arg18[%swap3A_365, %swap3A_366] {strides = array<i32>} : memref<2x128xi32, #tpu.memory_space<vmem>>, vector<16xi32>,
      tpu.vector_store %arg18[%swap3A_365, %swap3A_366], %get3A_363 {strides = array<i32>} : memref<2x128xi32, #tpu.memory_space<vmem>>, vector<16xi32>,
      %get3A_368 = arith.constant 192 : index
      %get3A_369 = tpu.vector_load %arg13[%get3A_368] {strides = array<i32>} : memref<256xf32, #tpu.memory_space<vmem>>, vector<16xf32>,
      %mul3A_370 = arith.mulf %get3A_369, %mul3A_179 : vector<16xf32>
      %swap3A_371 = arith.constant 1 : i32
      %swap3A_372 = arith.index_cast %swap3A_371 : i32 to index
      %swap3A_373 = arith.constant 64 : index
      %swap3A_374 = tpu.vector_load %arg19[%swap3A_372, %swap3A_373] {strides = array<i32>} : memref<2x128xf32, #tpu.memory_space<vmem>>, vector<16xf32>,
      tpu.vector_store %arg19[%swap3A_372, %swap3A_373], %mul3A_370 {strides = array<i32>} : memref<2x128xf32, #tpu.memory_space<vmem>>, vector<16xf32>,
      %get3A_375 = arith.constant 208 : index
      %get3A_376 = tpu.vector_load %arg11[%get3A_375] {strides = array<i32>} : memref<256xi32, #tpu.memory_space<vmem>>, vector<16xi32>,
      %swap3A_377 = arith.constant 1 : i32
      %swap3A_378 = arith.index_cast %swap3A_377 : i32 to index
      %swap3A_379 = arith.constant 80 : index
      %swap3A_380 = tpu.vector_load %arg18[%swap3A_378, %swap3A_379] {strides = array<i32>} : memref<2x128xi32, #tpu.memory_space<vmem>>, vector<16xi32>,
      tpu.vector_store %arg18[%swap3A_378, %swap3A_379], %get3A_376 {strides = array<i32>} : memref<2x128xi32, #tpu.memory_space<vmem>>, vector<16xi32>,
      %get3A_381 = arith.constant 208 : index
      %get3A_382 = tpu.vector_load %arg13[%get3A_381] {strides = array<i32>} : memref<256xf32, #tpu.memory_space<vmem>>, vector<16xf32>,
      %mul3A_383 = arith.mulf %get3A_382, %mul3A_179 : vector<16xf32>
      %swap3A_384 = arith.constant 1 : i32
      %swap3A_385 = arith.index_cast %swap3A_384 : i32 to index
      %swap3A_386 = arith.constant 80 : index
      %swap3A_387 = tpu.vector_load %arg19[%swap3A_385, %swap3A_386] {strides = array<i32>} : memref<2x128xf32, #tpu.memory_space<vmem>>, vector<16xf32>,
      tpu.vector_store %arg19[%swap3A_385, %swap3A_386], %mul3A_383 {strides = array<i32>} : memref<2x128xf32, #tpu.memory_space<vmem>>, vector<16xf32>,
      %get3A_388 = arith.constant 224 : index
      %get3A_389 = tpu.vector_load %arg11[%get3A_388] {strides = array<i32>} : memref<256xi32, #tpu.memory_space<vmem>>, vector<16xi32>,
      %swap3A_390 = arith.constant 1 : i32
      %swap3A_391 = arith.index_cast %swap3A_390 : i32 to index
      %swap3A_392 = arith.constant 96 : index
      %swap3A_393 = tpu.vector_load %arg18[%swap3A_391, %swap3A_392] {strides = array<i32>} : memref<2x128xi32, #tpu.memory_space<vmem>>, vector<16xi32>,
      tpu.vector_store %arg18[%swap3A_391, %swap3A_392], %get3A_389 {strides = array<i32>} : memref<2x128xi32, #tpu.memory_space<vmem>>, vector<16xi32>,
      %get3A_394 = arith.constant 224 : index
      %get3A_395 = tpu.vector_load %arg13[%get3A_394] {strides = array<i32>} : memref<256xf32, #tpu.memory_space<vmem>>, vector<16xf32>,
      %mul3A_396 = arith.mulf %get3A_395, %mul3A_179 : vector<16xf32>
      %swap3A_397 = arith.constant 1 : i32
      %swap3A_398 = arith.index_cast %swap3A_397 : i32 to index
      %swap3A_399 = arith.constant 96 : index
      %swap3A_400 = tpu.vector_load %arg19[%swap3A_398, %swap3A_399] {strides = array<i32>} : memref<2x128xf32, #tpu.memory_space<vmem>>, vector<16xf32>,
      tpu.vector_store %arg19[%swap3A_398, %swap3A_399], %mul3A_396 {strides = array<i32>} : memref<2x128xf32, #tpu.memory_space<vmem>>, vector<16xf32>,
      %get3A_401 = arith.constant 240 : index
      %get3A_402 = tpu.vector_load %arg11[%get3A_401] {strides = array<i32>} : memref<256xi32, #tpu.memory_space<vmem>>, vector<16xi32>,
      %swap3A_403 = arith.constant 1 : i32
      %swap3A_404 = arith.index_cast %swap3A_403 : i32 to index
      %swap3A_405 = arith.constant 112 : index
      %swap3A_406 = tpu.vector_load %arg18[%swap3A_404, %swap3A_405] {strides = array<i32>} : memref<2x128xi32, #tpu.memory_space<vmem>>, vector<16xi32>,
      tpu.vector_store %arg18[%swap3A_404, %swap3A_405], %get3A_402 {strides = array<i32>} : memref<2x128xi32, #tpu.memory_space<vmem>>, vector<16xi32>,
      %get3A_407 = arith.constant 240 : index
      %get3A_408 = tpu.vector_load %arg13[%get3A_407] {strides = array<i32>} : memref<256xf32, #tpu.memory_space<vmem>>, vector<16xf32>,
      %mul3A_409 = arith.mulf %get3A_408, %mul3A_179 : vector<16xf32>
      %swap3A_410 = arith.constant 1 : i32
      %swap3A_411 = arith.index_cast %swap3A_410 : i32 to index
      %swap3A_412 = arith.constant 112 : index
      %swap3A_413 = tpu.vector_load %arg19[%swap3A_411, %swap3A_412] {strides = array<i32>} : memref<2x128xf32, #tpu.memory_space<vmem>>, vector<16xf32>,
      tpu.vector_store %arg19[%swap3A_411, %swap3A_412], %mul3A_409 {strides = array<i32>} : memref<2x128xf32, #tpu.memory_space<vmem>>, vector<16xf32>,
      %dma_start3A_414 = arith.constant 1 : i32
      %dma_start3A_415 = arith.constant 128 : i32
      %dma_start3A_416 = arith.constant 0 : i32
      %dma_start3A_417 = tpu.memref_slice %arg17[%dma_start3A_415, %dma_start3A_416] : memref<256x8xf32, #tpu.memory_space<vmem>> -> memref<128x8xf32, #tpu.memory_space<vmem>>
      %dma_start3A_418 = arith.constant 0 : i32
      %dma_start3A_419 = tpu.memref_slice %arg18[%dma_start3A_414, %dma_start3A_418] : memref<2x128xi32, #tpu.memory_space<vmem>> -> memref<1x128xi32, #tpu.memory_space<vmem>>
      %dma_start3A_420 = tpu.memref_squeeze %dma_start3A_419 : memref<1x128xi32, #tpu.memory_space<vmem>> -> memref<128xi32, #tpu.memory_space<vmem>>
      %dma_start3A_421 = arith.constant 0 : i32
      %dma_start3A_422 = arith.constant 0 : i32
      %dma_start3A_423 = tpu.memref_slice %arg29[%dma_start3A_421, %dma_start3A_422] : memref<100000x8xf32, #tpu.memory_space<vmem_shared>> -> memref<100000x8xf32, #tpu.memory_space<vmem_shared>>
      tpu.enqueue_indirect_dma source(%dma_start3A_417 : memref<128x8xf32, #tpu.memory_space<vmem>>) target(%dma_start3A_423 : memref<100000x8xf32, #tpu.memory_space<vmem_shared>>) offsets(%dma_start3A_420 : memref<128xi32, #tpu.memory_space<vmem>>) semaphore(%arg36 : memref<!tpu.dma_semaphore, #tpu.memory_space<semaphore_mem>>) {add = true}
      %dma_start3A_424 = arith.constant 1 : i32
      %dma_start3A_425 = arith.constant 1 : i32
      %dma_start3A_426 = arith.constant 0 : i32
      %dma_start3A_427 = tpu.memref_slice %arg19[%dma_start3A_424, %dma_start3A_426] : memref<2x128xf32, #tpu.memory_space<vmem>> -> memref<1x128xf32, #tpu.memory_space<vmem>>
      %dma_start3A_428 = tpu.memref_squeeze %dma_start3A_427 : memref<1x128xf32, #tpu.memory_space<vmem>> -> memref<128xf32, #tpu.memory_space<vmem>>
      %dma_start3A_429 = arith.constant 0 : i32
      %dma_start3A_430 = tpu.memref_slice %arg18[%dma_start3A_425, %dma_start3A_429] : memref<2x128xi32, #tpu.memory_space<vmem>> -> memref<1x128xi32, #tpu.memory_space<vmem>>
      %dma_start3A_431 = tpu.memref_squeeze %dma_start3A_430 : memref<1x128xi32, #tpu.memory_space<vmem>> -> memref<128xi32, #tpu.memory_space<vmem>>
      %dma_start3A_432 = arith.constant 0 : i32
      %dma_start3A_433 = tpu.memref_slice %arg30[%dma_start3A_432] : memref<100000xf32, #tpu.memory_space<vmem_shared>> -> memref<100000xf32, #tpu.memory_space<vmem_shared>>
      tpu.enqueue_indirect_dma source(%dma_start3A_428 : memref<128xf32, #tpu.memory_space<vmem>>) target(%dma_start3A_433 : memref<100000xf32, #tpu.memory_space<vmem_shared>>) offsets(%dma_start3A_431 : memref<128xi32, #tpu.memory_space<vmem>>) semaphore(%arg36 : memref<!tpu.dma_semaphore, #tpu.memory_space<semaphore_mem>>) {add = true}
      %add3A_434 = arith.constant 2 : i32
      %add3A_435 = arith.addi %mul3A_128, %add3A_434 : i32
      %add3A_436 = arith.addi %add3A_14, %add3A_435 : i32
      %min3A_437 = arith.constant 12499 : i32
      %min3A_438 = arith.minsi %add3A_436, %min3A_437 : i32
      %mul3A_439 = arith.constant 2 : i32
      %mul3A_440 = arith.muli %min3A_438, %mul3A_439 : i32
      %mul3A_441 = arith.constant 128 : i32
      %mul3A_442 = arith.muli %mul3A_440, %mul3A_441 : i32
      %dma_start3A_443 = tpu.memref_slice %arg3[%mul3A_442] : memref<3200000xi32, #tpu.memory_space<hbm>> -> memref<256xi32, #tpu.memory_space<hbm>>
      %dma_start3A_444 = tpu.memref_slice %arg3[%mul3A_442] : memref<3200000xi32, #tpu.memory_space<hbm>> -> memref<256xi32, #tpu.memory_space<hbm>>
      tpu.enqueue_dma source(%dma_start3A_444 : memref<256xi32, #tpu.memory_space<hbm>>) target(%arg11 : memref<256xi32, #tpu.memory_space<vmem>>) target_semaphore(%arg32 : memref<!tpu.dma_semaphore, #tpu.memory_space<semaphore_mem>>)
      %dma_start3A_445 = tpu.memref_slice %arg4[%mul3A_442] : memref<3200000xi32, #tpu.memory_space<hbm>> -> memref<256xi32, #tpu.memory_space<hbm>>
      %dma_start3A_446 = tpu.memref_slice %arg4[%mul3A_442] : memref<3200000xi32, #tpu.memory_space<hbm>> -> memref<256xi32, #tpu.memory_space<hbm>>
      tpu.enqueue_dma source(%dma_start3A_446 : memref<256xi32, #tpu.memory_space<hbm>>) target(%arg12 : memref<256xi32, #tpu.memory_space<vmem>>) target_semaphore(%arg32 : memref<!tpu.dma_semaphore, #tpu.memory_space<semaphore_mem>>)
      %dma_start3A_447 = tpu.memref_slice %arg5[%mul3A_442] : memref<3200000xf32, #tpu.memory_space<hbm>> -> memref<256xf32, #tpu.memory_space<hbm>>
      %dma_start3A_448 = tpu.memref_slice %arg5[%mul3A_442] : memref<3200000xf32, #tpu.memory_space<hbm>> -> memref<256xf32, #tpu.memory_space<hbm>>
      tpu.enqueue_dma source(%dma_start3A_448 : memref<256xf32, #tpu.memory_space<hbm>>) target(%arg13 : memref<256xf32, #tpu.memory_space<vmem>>) target_semaphore(%arg32 : memref<!tpu.dma_semaphore, #tpu.memory_space<semaphore_mem>>)
      %dma_start3A_449 = tpu.memref_slice %arg6[%mul3A_442] : memref<3200000xf32, #tpu.memory_space<hbm>> -> memref<256xf32, #tpu.memory_space<hbm>>
      %dma_start3A_450 = tpu.memref_slice %arg6[%mul3A_442] : memref<3200000xf32, #tpu.memory_space<hbm>> -> memref<256xf32, #tpu.memory_space<hbm>>
      tpu.enqueue_dma source(%dma_start3A_450 : memref<256xf32, #tpu.memory_space<hbm>>) target(%arg14 : memref<256xf32, #tpu.memory_space<vmem>>) target_semaphore(%arg32 : memref<!tpu.dma_semaphore, #tpu.memory_space<semaphore_mem>>)
      %lt3A_451 = arith.cmpi slt, %add3A_130, %add3A_19 : i32
      %jit3A_452 = arith.constant 1.000000e+00 : f32
      %jit3A_453 = arith.constant 0.000000e+00 : f32
      %select_n3A_454 = arith.select %lt3A_451, %jit3A_452, %jit3A_453 : f32
      %broadcast_in_dim3A_455 = arith.constant 1.000000e+00 : f32
      %broadcast_in_dim3A_456 = vector.broadcast %broadcast_in_dim3A_455 : f32 to vector<16xf32>
      %mul3A_457 = vector.broadcast %select_n3A_454 : f32 to vector<16xf32>
      %mul3A_458 = arith.mulf %broadcast_in_dim3A_456, %mul3A_457 : vector<16xf32>
      %dma_wait3A_459 = arith.constant 0 : i32
      %dma_wait3A_460 = arith.constant 0 : i32
      %dma_wait3A_461 = tpu.memref_slice %arg31[%dma_wait3A_459, %dma_wait3A_460] : memref<100000x8xf32, #tpu.memory_space<vmem_shared>> -> memref<100000x8xf32, #tpu.memory_space<vmem_shared>>
      tpu.wait_indirect_dma semaphore(%arg35 : memref<!tpu.dma_semaphore, #tpu.memory_space<semaphore_mem>>) src(%dma_wait3A_461 : memref<100000x8xf32, #tpu.memory_space<vmem_shared>>) dst(%arg24 : memref<256x8xf32, #tpu.memory_space<vmem>>)
      %dma_wait3A_462 = arith.constant 0 : i32
      %dma_wait3A_463 = arith.constant 0 : i32
      %dma_wait3A_464 = tpu.memref_slice %arg31[%dma_wait3A_462, %dma_wait3A_463] : memref<100000x8xf32, #tpu.memory_space<vmem_shared>> -> memref<100000x8xf32, #tpu.memory_space<vmem_shared>>
      tpu.wait_indirect_dma semaphore(%arg35 : memref<!tpu.dma_semaphore, #tpu.memory_space<semaphore_mem>>) src(%dma_wait3A_464 : memref<100000x8xf32, #tpu.memory_space<vmem_shared>>) dst(%arg25 : memref<256x8xf32, #tpu.memory_space<vmem>>)
      %parallel_loop3A_465 = arith.constant 0 : i32
      %parallel_loop3A_466 = arith.constant 16 : i32
      %parallel_loop3A_467 = arith.constant 1 : i32
      scf.for %parallel_loop3A_813 = %parallel_loop3A_465 to %parallel_loop3A_466 step %parallel_loop3A_467  : i32 {
        %parallel_loop3A_814 = arith.constant 16 : i32
        %parallel_loop3A_815 = arith.muli %parallel_loop3A_814, %parallel_loop3A_813 : i32
        %parallel_loop3A_816 = vector.broadcast %parallel_loop3A_815 : i32 to vector<16xi32>
        %parallel_loop3A_817 = arith.addi %shift_right_arithmetic3A_23, %parallel_loop3A_816 : vector<16xi32>
        %parallel_loop3A_818 = arith.constant 16 : i32
        %parallel_loop3A_819 = arith.muli %parallel_loop3A_818, %parallel_loop3A_813 : i32
        %parallel_loop3A_820 = arith.index_cast %parallel_loop3A_819 : i32 to index
        %parallel_loop3A_821 = tpu.vector_load %arg23[%parallel_loop3A_820] {strides = array<i32>} : memref<256xf32, #tpu.memory_space<vmem>>, vector<16xf32>,
        %parallel_loop3A_822 = arith.mulf %parallel_loop3A_821, %mul3A_458 : vector<16xf32>
        %parallel_loop3A_823 = arith.constant 0 : i32
        %parallel_loop3A_824 = vector.broadcast %parallel_loop3A_823 : i32 to vector<16xi32>
        %parallel_loop3A_825 = arith.addi %parallel_loop3A_817, %parallel_loop3A_824 : vector<16xi32>
        %parallel_loop3A_826 = tpu.vector_load_idx %arg24[%parallel_loop3A_825, %and3A_21] : memref<256x8xf32, #tpu.memory_space<vmem>>[vector<16xi32>, vector<16xi32>], vector<16xf32>,
        %parallel_loop3A_827 = tpu.vector_load_idx %arg25[%parallel_loop3A_825, %and3A_21] : memref<256x8xf32, #tpu.memory_space<vmem>>[vector<16xi32>, vector<16xi32>], vector<16xf32>,
        %parallel_loop3A_828 = arith.subf %parallel_loop3A_826, %parallel_loop3A_827 : vector<16xf32>
        %parallel_loop3A_829 = arith.constant 0.000000e+00 : f32
        %parallel_loop3A_830 = vector.broadcast %parallel_loop3A_829 : f32 to vector<16xf32>
        %parallel_loop3A_831 = arith.maximumf %parallel_loop3A_828, %parallel_loop3A_830 : vector<16xf32>
        %parallel_loop3A_832 = arith.constant 2 : i32
        %parallel_loop3A_833 = vector.broadcast %parallel_loop3A_832 : i32 to vector<16xi32>
        %parallel_loop3A_834 = arith.addi %parallel_loop3A_817, %parallel_loop3A_833 : vector<16xi32>
        %parallel_loop3A_835 = tpu.vector_load_idx %arg24[%parallel_loop3A_834, %and3A_21] : memref<256x8xf32, #tpu.memory_space<vmem>>[vector<16xi32>, vector<16xi32>], vector<16xf32>,
        %parallel_loop3A_836 = tpu.vector_load_idx %arg25[%parallel_loop3A_834, %and3A_21] : memref<256x8xf32, #tpu.memory_space<vmem>>[vector<16xi32>, vector<16xi32>], vector<16xf32>,
        %parallel_loop3A_837 = arith.subf %parallel_loop3A_835, %parallel_loop3A_836 : vector<16xf32>
        %parallel_loop3A_838 = arith.constant 0.000000e+00 : f32
        %parallel_loop3A_839 = vector.broadcast %parallel_loop3A_838 : f32 to vector<16xf32>
        %parallel_loop3A_840 = arith.maximumf %parallel_loop3A_837, %parallel_loop3A_839 : vector<16xf32>
        %parallel_loop3A_841 = arith.constant 4 : i32
        %parallel_loop3A_842 = vector.broadcast %parallel_loop3A_841 : i32 to vector<16xi32>
        %parallel_loop3A_843 = arith.addi %parallel_loop3A_817, %parallel_loop3A_842 : vector<16xi32>
        %parallel_loop3A_844 = tpu.vector_load_idx %arg24[%parallel_loop3A_843, %and3A_21] : memref<256x8xf32, #tpu.memory_space<vmem>>[vector<16xi32>, vector<16xi32>], vector<16xf32>,
        %parallel_loop3A_845 = tpu.vector_load_idx %arg25[%parallel_loop3A_843, %and3A_21] : memref<256x8xf32, #tpu.memory_space<vmem>>[vector<16xi32>, vector<16xi32>], vector<16xf32>,
        %parallel_loop3A_846 = arith.subf %parallel_loop3A_844, %parallel_loop3A_845 : vector<16xf32>
        %parallel_loop3A_847 = arith.constant 0.000000e+00 : f32
        %parallel_loop3A_848 = vector.broadcast %parallel_loop3A_847 : f32 to vector<16xf32>
        %parallel_loop3A_849 = arith.maximumf %parallel_loop3A_846, %parallel_loop3A_848 : vector<16xf32>
        %parallel_loop3A_850 = arith.constant 6 : i32
        %parallel_loop3A_851 = vector.broadcast %parallel_loop3A_850 : i32 to vector<16xi32>
        %parallel_loop3A_852 = arith.addi %parallel_loop3A_817, %parallel_loop3A_851 : vector<16xi32>
        %parallel_loop3A_853 = tpu.vector_load_idx %arg24[%parallel_loop3A_852, %and3A_21] : memref<256x8xf32, #tpu.memory_space<vmem>>[vector<16xi32>, vector<16xi32>], vector<16xf32>,
        %parallel_loop3A_854 = tpu.vector_load_idx %arg25[%parallel_loop3A_852, %and3A_21] : memref<256x8xf32, #tpu.memory_space<vmem>>[vector<16xi32>, vector<16xi32>], vector<16xf32>,
        %parallel_loop3A_855 = arith.subf %parallel_loop3A_853, %parallel_loop3A_854 : vector<16xf32>
        %parallel_loop3A_856 = arith.constant 0.000000e+00 : f32
        %parallel_loop3A_857 = vector.broadcast %parallel_loop3A_856 : f32 to vector<16xf32>
        %parallel_loop3A_858 = arith.maximumf %parallel_loop3A_855, %parallel_loop3A_857 : vector<16xf32>
        %parallel_loop3A_859 = arith.constant 8 : i32
        %parallel_loop3A_860 = vector.broadcast %parallel_loop3A_859 : i32 to vector<16xi32>
        %parallel_loop3A_861 = arith.addi %parallel_loop3A_817, %parallel_loop3A_860 : vector<16xi32>
        %parallel_loop3A_862 = tpu.vector_load_idx %arg24[%parallel_loop3A_861, %and3A_21] : memref<256x8xf32, #tpu.memory_space<vmem>>[vector<16xi32>, vector<16xi32>], vector<16xf32>,
        %parallel_loop3A_863 = tpu.vector_load_idx %arg25[%parallel_loop3A_861, %and3A_21] : memref<256x8xf32, #tpu.memory_space<vmem>>[vector<16xi32>, vector<16xi32>], vector<16xf32>,
        %parallel_loop3A_864 = arith.subf %parallel_loop3A_862, %parallel_loop3A_863 : vector<16xf32>
        %parallel_loop3A_865 = arith.constant 0.000000e+00 : f32
        %parallel_loop3A_866 = vector.broadcast %parallel_loop3A_865 : f32 to vector<16xf32>
        %parallel_loop3A_867 = arith.maximumf %parallel_loop3A_864, %parallel_loop3A_866 : vector<16xf32>
        %parallel_loop3A_868 = arith.constant 10 : i32
        %parallel_loop3A_869 = vector.broadcast %parallel_loop3A_868 : i32 to vector<16xi32>
        %parallel_loop3A_870 = arith.addi %parallel_loop3A_817, %parallel_loop3A_869 : vector<16xi32>
        %parallel_loop3A_871 = tpu.vector_load_idx %arg24[%parallel_loop3A_870, %and3A_21] : memref<256x8xf32, #tpu.memory_space<vmem>>[vector<16xi32>, vector<16xi32>], vector<16xf32>,
        %parallel_loop3A_872 = tpu.vector_load_idx %arg25[%parallel_loop3A_870, %and3A_21] : memref<256x8xf32, #tpu.memory_space<vmem>>[vector<16xi32>, vector<16xi32>], vector<16xf32>,
        %parallel_loop3A_873 = arith.subf %parallel_loop3A_871, %parallel_loop3A_872 : vector<16xf32>
        %parallel_loop3A_874 = arith.constant 0.000000e+00 : f32
        %parallel_loop3A_875 = vector.broadcast %parallel_loop3A_874 : f32 to vector<16xf32>
        %parallel_loop3A_876 = arith.maximumf %parallel_loop3A_873, %parallel_loop3A_875 : vector<16xf32>
        %parallel_loop3A_877 = arith.constant 12 : i32
        %parallel_loop3A_878 = vector.broadcast %parallel_loop3A_877 : i32 to vector<16xi32>
        %parallel_loop3A_879 = arith.addi %parallel_loop3A_817, %parallel_loop3A_878 : vector<16xi32>
        %parallel_loop3A_880 = tpu.vector_load_idx %arg24[%parallel_loop3A_879, %and3A_21] : memref<256x8xf32, #tpu.memory_space<vmem>>[vector<16xi32>, vector<16xi32>], vector<16xf32>,
        %parallel_loop3A_881 = tpu.vector_load_idx %arg25[%parallel_loop3A_879, %and3A_21] : memref<256x8xf32, #tpu.memory_space<vmem>>[vector<16xi32>, vector<16xi32>], vector<16xf32>,
        %parallel_loop3A_882 = arith.subf %parallel_loop3A_880, %parallel_loop3A_881 : vector<16xf32>
        %parallel_loop3A_883 = arith.constant 0.000000e+00 : f32
        %parallel_loop3A_884 = vector.broadcast %parallel_loop3A_883 : f32 to vector<16xf32>
        %parallel_loop3A_885 = arith.maximumf %parallel_loop3A_882, %parallel_loop3A_884 : vector<16xf32>
        %parallel_loop3A_886 = arith.constant 14 : i32
        %parallel_loop3A_887 = vector.broadcast %parallel_loop3A_886 : i32 to vector<16xi32>
        %parallel_loop3A_888 = arith.addi %parallel_loop3A_817, %parallel_loop3A_887 : vector<16xi32>
        %parallel_loop3A_889 = tpu.vector_load_idx %arg24[%parallel_loop3A_888, %and3A_21] : memref<256x8xf32, #tpu.memory_space<vmem>>[vector<16xi32>, vector<16xi32>], vector<16xf32>,
        %parallel_loop3A_890 = tpu.vector_load_idx %arg25[%parallel_loop3A_888, %and3A_21] : memref<256x8xf32, #tpu.memory_space<vmem>>[vector<16xi32>, vector<16xi32>], vector<16xf32>,
        %parallel_loop3A_891 = arith.subf %parallel_loop3A_889, %parallel_loop3A_890 : vector<16xf32>
        %parallel_loop3A_892 = arith.constant 0.000000e+00 : f32
        %parallel_loop3A_893 = vector.broadcast %parallel_loop3A_892 : f32 to vector<16xf32>
        %parallel_loop3A_894 = arith.maximumf %parallel_loop3A_891, %parallel_loop3A_893 : vector<16xf32>
        %parallel_loop3A_895 = arith.constant 0 : i32
        %parallel_loop3A_896 = vector.broadcast %parallel_loop3A_895 : i32 to vector<16xi32>
        %parallel_loop3A_897 = arith.cmpi slt, %add3A_26, %parallel_loop3A_896 : vector<16xi32>
        %parallel_loop3A_898 = arith.constant 16 : i32
        %parallel_loop3A_899 = vector.broadcast %parallel_loop3A_898 : i32 to vector<16xi32>
        %parallel_loop3A_900 = arith.addi %add3A_26, %parallel_loop3A_899 : vector<16xi32>
        %parallel_loop3A_901 = arith.select %parallel_loop3A_897, %parallel_loop3A_900, %add3A_26 : vector<16xi1>, vector<16xi32>
        %parallel_loop3A_902 = vector.shape_cast %parallel_loop3A_901 : vector<16xi32> to vector<16x1xi32>
        %parallel_loop3A_903 = vector.shape_cast %parallel_loop3A_902 : vector<16x1xi32> to vector<16xi32>
        %parallel_loop3A_904 = tpu.dynamic_gather %parallel_loop3A_822[%parallel_loop3A_903] in [0] : vector<16xf32>, vector<16xi32> -> vector<16xf32>
        %parallel_loop3A_905 = arith.constant 0 : i32
        %parallel_loop3A_906 = vector.broadcast %parallel_loop3A_905 : i32 to vector<16xi32>
        %parallel_loop3A_907 = arith.addi %parallel_loop3A_817, %parallel_loop3A_906 : vector<16xi32>
        %parallel_loop3A_908 = arith.mulf %parallel_loop3A_831, %parallel_loop3A_904 : vector<16xf32>
        tpu.vector_store_idx %arg26[%parallel_loop3A_907, %and3A_21], %parallel_loop3A_908 : memref<256x8xf32, #tpu.memory_space<vmem>>[vector<16xi32>, vector<16xi32>], vector<16xf32>,
        %parallel_loop3A_909 = arith.constant 0 : i32
        %parallel_loop3A_910 = vector.broadcast %parallel_loop3A_909 : i32 to vector<16xi32>
        %parallel_loop3A_911 = arith.cmpi slt, %add3A_29, %parallel_loop3A_910 : vector<16xi32>
        %parallel_loop3A_912 = arith.constant 16 : i32
        %parallel_loop3A_913 = vector.broadcast %parallel_loop3A_912 : i32 to vector<16xi32>
        %parallel_loop3A_914 = arith.addi %add3A_29, %parallel_loop3A_913 : vector<16xi32>
        %parallel_loop3A_915 = arith.select %parallel_loop3A_911, %parallel_loop3A_914, %add3A_29 : vector<16xi1>, vector<16xi32>
        %parallel_loop3A_916 = vector.shape_cast %parallel_loop3A_915 : vector<16xi32> to vector<16x1xi32>
        %parallel_loop3A_917 = vector.shape_cast %parallel_loop3A_916 : vector<16x1xi32> to vector<16xi32>
        %parallel_loop3A_918 = tpu.dynamic_gather %parallel_loop3A_822[%parallel_loop3A_917] in [0] : vector<16xf32>, vector<16xi32> -> vector<16xf32>
        %parallel_loop3A_919 = arith.constant 2 : i32
        %parallel_loop3A_920 = vector.broadcast %parallel_loop3A_919 : i32 to vector<16xi32>
        %parallel_loop3A_921 = arith.addi %parallel_loop3A_817, %parallel_loop3A_920 : vector<16xi32>
        %parallel_loop3A_922 = arith.mulf %parallel_loop3A_840, %parallel_loop3A_918 : vector<16xf32>
        tpu.vector_store_idx %arg26[%parallel_loop3A_921, %and3A_21], %parallel_loop3A_922 : memref<256x8xf32, #tpu.memory_space<vmem>>[vector<16xi32>, vector<16xi32>], vector<16xf32>,
        %parallel_loop3A_923 = arith.constant 0 : i32
        %parallel_loop3A_924 = vector.broadcast %parallel_loop3A_923 : i32 to vector<16xi32>
        %parallel_loop3A_925 = arith.cmpi slt, %add3A_32, %parallel_loop3A_924 : vector<16xi32>
        %parallel_loop3A_926 = arith.constant 16 : i32
        %parallel_loop3A_927 = vector.broadcast %parallel_loop3A_926 : i32 to vector<16xi32>
        %parallel_loop3A_928 = arith.addi %add3A_32, %parallel_loop3A_927 : vector<16xi32>
        %parallel_loop3A_929 = arith.select %parallel_loop3A_925, %parallel_loop3A_928, %add3A_32 : vector<16xi1>, vector<16xi32>
        %parallel_loop3A_930 = vector.shape_cast %parallel_loop3A_929 : vector<16xi32> to vector<16x1xi32>
        %parallel_loop3A_931 = vector.shape_cast %parallel_loop3A_930 : vector<16x1xi32> to vector<16xi32>
        %parallel_loop3A_932 = tpu.dynamic_gather %parallel_loop3A_822[%parallel_loop3A_931] in [0] : vector<16xf32>, vector<16xi32> -> vector<16xf32>
        %parallel_loop3A_933 = arith.constant 4 : i32
        %parallel_loop3A_934 = vector.broadcast %parallel_loop3A_933 : i32 to vector<16xi32>
        %parallel_loop3A_935 = arith.addi %parallel_loop3A_817, %parallel_loop3A_934 : vector<16xi32>
        %parallel_loop3A_936 = arith.mulf %parallel_loop3A_849, %parallel_loop3A_932 : vector<16xf32>
        tpu.vector_store_idx %arg26[%parallel_loop3A_935, %and3A_21], %parallel_loop3A_936 : memref<256x8xf32, #tpu.memory_space<vmem>>[vector<16xi32>, vector<16xi32>], vector<16xf32>,
        %parallel_loop3A_937 = arith.constant 0 : i32
        %parallel_loop3A_938 = vector.broadcast %parallel_loop3A_937 : i32 to vector<16xi32>
        %parallel_loop3A_939 = arith.cmpi slt, %add3A_35, %parallel_loop3A_938 : vector<16xi32>
        %parallel_loop3A_940 = arith.constant 16 : i32
        %parallel_loop3A_941 = vector.broadcast %parallel_loop3A_940 : i32 to vector<16xi32>
        %parallel_loop3A_942 = arith.addi %add3A_35, %parallel_loop3A_941 : vector<16xi32>
        %parallel_loop3A_943 = arith.select %parallel_loop3A_939, %parallel_loop3A_942, %add3A_35 : vector<16xi1>, vector<16xi32>
        %parallel_loop3A_944 = vector.shape_cast %parallel_loop3A_943 : vector<16xi32> to vector<16x1xi32>
        %parallel_loop3A_945 = vector.shape_cast %parallel_loop3A_944 : vector<16x1xi32> to vector<16xi32>
        %parallel_loop3A_946 = tpu.dynamic_gather %parallel_loop3A_822[%parallel_loop3A_945] in [0] : vector<16xf32>, vector<16xi32> -> vector<16xf32>
        %parallel_loop3A_947 = arith.constant 6 : i32
        %parallel_loop3A_948 = vector.broadcast %parallel_loop3A_947 : i32 to vector<16xi32>
        %parallel_loop3A_949 = arith.addi %parallel_loop3A_817, %parallel_loop3A_948 : vector<16xi32>
        %parallel_loop3A_950 = arith.mulf %parallel_loop3A_858, %parallel_loop3A_946 : vector<16xf32>
        tpu.vector_store_idx %arg26[%parallel_loop3A_949, %and3A_21], %parallel_loop3A_950 : memref<256x8xf32, #tpu.memory_space<vmem>>[vector<16xi32>, vector<16xi32>], vector<16xf32>,
        %parallel_loop3A_951 = arith.constant 0 : i32
        %parallel_loop3A_952 = vector.broadcast %parallel_loop3A_951 : i32 to vector<16xi32>
        %parallel_loop3A_953 = arith.cmpi slt, %add3A_38, %parallel_loop3A_952 : vector<16xi32>
        %parallel_loop3A_954 = arith.constant 16 : i32
        %parallel_loop3A_955 = vector.broadcast %parallel_loop3A_954 : i32 to vector<16xi32>
        %parallel_loop3A_956 = arith.addi %add3A_38, %parallel_loop3A_955 : vector<16xi32>
        %parallel_loop3A_957 = arith.select %parallel_loop3A_953, %parallel_loop3A_956, %add3A_38 : vector<16xi1>, vector<16xi32>
        %parallel_loop3A_958 = vector.shape_cast %parallel_loop3A_957 : vector<16xi32> to vector<16x1xi32>
        %parallel_loop3A_959 = vector.shape_cast %parallel_loop3A_958 : vector<16x1xi32> to vector<16xi32>
        %parallel_loop3A_960 = tpu.dynamic_gather %parallel_loop3A_822[%parallel_loop3A_959] in [0] : vector<16xf32>, vector<16xi32> -> vector<16xf32>
        %parallel_loop3A_961 = arith.constant 8 : i32
        %parallel_loop3A_962 = vector.broadcast %parallel_loop3A_961 : i32 to vector<16xi32>
        %parallel_loop3A_963 = arith.addi %parallel_loop3A_817, %parallel_loop3A_962 : vector<16xi32>
        %parallel_loop3A_964 = arith.mulf %parallel_loop3A_867, %parallel_loop3A_960 : vector<16xf32>
        tpu.vector_store_idx %arg26[%parallel_loop3A_963, %and3A_21], %parallel_loop3A_964 : memref<256x8xf32, #tpu.memory_space<vmem>>[vector<16xi32>, vector<16xi32>], vector<16xf32>,
        %parallel_loop3A_965 = arith.constant 0 : i32
        %parallel_loop3A_966 = vector.broadcast %parallel_loop3A_965 : i32 to vector<16xi32>
        %parallel_loop3A_967 = arith.cmpi slt, %add3A_41, %parallel_loop3A_966 : vector<16xi32>
        %parallel_loop3A_968 = arith.constant 16 : i32
        %parallel_loop3A_969 = vector.broadcast %parallel_loop3A_968 : i32 to vector<16xi32>
        %parallel_loop3A_970 = arith.addi %add3A_41, %parallel_loop3A_969 : vector<16xi32>
        %parallel_loop3A_971 = arith.select %parallel_loop3A_967, %parallel_loop3A_970, %add3A_41 : vector<16xi1>, vector<16xi32>
        %parallel_loop3A_972 = vector.shape_cast %parallel_loop3A_971 : vector<16xi32> to vector<16x1xi32>
        %parallel_loop3A_973 = vector.shape_cast %parallel_loop3A_972 : vector<16x1xi32> to vector<16xi32>
        %parallel_loop3A_974 = tpu.dynamic_gather %parallel_loop3A_822[%parallel_loop3A_973] in [0] : vector<16xf32>, vector<16xi32> -> vector<16xf32>
        %parallel_loop3A_975 = arith.constant 10 : i32
        %parallel_loop3A_976 = vector.broadcast %parallel_loop3A_975 : i32 to vector<16xi32>
        %parallel_loop3A_977 = arith.addi %parallel_loop3A_817, %parallel_loop3A_976 : vector<16xi32>
        %parallel_loop3A_978 = arith.mulf %parallel_loop3A_876, %parallel_loop3A_974 : vector<16xf32>
        tpu.vector_store_idx %arg26[%parallel_loop3A_977, %and3A_21], %parallel_loop3A_978 : memref<256x8xf32, #tpu.memory_space<vmem>>[vector<16xi32>, vector<16xi32>], vector<16xf32>,
        %parallel_loop3A_979 = arith.constant 0 : i32
        %parallel_loop3A_980 = vector.broadcast %parallel_loop3A_979 : i32 to vector<16xi32>
        %parallel_loop3A_981 = arith.cmpi slt, %add3A_44, %parallel_loop3A_980 : vector<16xi32>
        %parallel_loop3A_982 = arith.constant 16 : i32
        %parallel_loop3A_983 = vector.broadcast %parallel_loop3A_982 : i32 to vector<16xi32>
        %parallel_loop3A_984 = arith.addi %add3A_44, %parallel_loop3A_983 : vector<16xi32>
        %parallel_loop3A_985 = arith.select %parallel_loop3A_981, %parallel_loop3A_984, %add3A_44 : vector<16xi1>, vector<16xi32>
        %parallel_loop3A_986 = vector.shape_cast %parallel_loop3A_985 : vector<16xi32> to vector<16x1xi32>
        %parallel_loop3A_987 = vector.shape_cast %parallel_loop3A_986 : vector<16x1xi32> to vector<16xi32>
        %parallel_loop3A_988 = tpu.dynamic_gather %parallel_loop3A_822[%parallel_loop3A_987] in [0] : vector<16xf32>, vector<16xi32> -> vector<16xf32>
        %parallel_loop3A_989 = arith.constant 12 : i32
        %parallel_loop3A_990 = vector.broadcast %parallel_loop3A_989 : i32 to vector<16xi32>
        %parallel_loop3A_991 = arith.addi %parallel_loop3A_817, %parallel_loop3A_990 : vector<16xi32>
        %parallel_loop3A_992 = arith.mulf %parallel_loop3A_885, %parallel_loop3A_988 : vector<16xf32>
        tpu.vector_store_idx %arg26[%parallel_loop3A_991, %and3A_21], %parallel_loop3A_992 : memref<256x8xf32, #tpu.memory_space<vmem>>[vector<16xi32>, vector<16xi32>], vector<16xf32>,
        %parallel_loop3A_993 = arith.constant 0 : i32
        %parallel_loop3A_994 = vector.broadcast %parallel_loop3A_993 : i32 to vector<16xi32>
        %parallel_loop3A_995 = arith.cmpi slt, %add3A_47, %parallel_loop3A_994 : vector<16xi32>
        %parallel_loop3A_996 = arith.constant 16 : i32
        %parallel_loop3A_997 = vector.broadcast %parallel_loop3A_996 : i32 to vector<16xi32>
        %parallel_loop3A_998 = arith.addi %add3A_47, %parallel_loop3A_997 : vector<16xi32>
        %parallel_loop3A_999 = arith.select %parallel_loop3A_995, %parallel_loop3A_998, %add3A_47 : vector<16xi1>, vector<16xi32>
        %parallel_loop3A_1000 = vector.shape_cast %parallel_loop3A_999 : vector<16xi32> to vector<16x1xi32>
        %parallel_loop3A_1001 = vector.shape_cast %parallel_loop3A_1000 : vector<16x1xi32> to vector<16xi32>
        %parallel_loop3A_1002 = tpu.dynamic_gather %parallel_loop3A_822[%parallel_loop3A_1001] in [0] : vector<16xf32>, vector<16xi32> -> vector<16xf32>
        %parallel_loop3A_1003 = arith.constant 14 : i32
        %parallel_loop3A_1004 = vector.broadcast %parallel_loop3A_1003 : i32 to vector<16xi32>
        %parallel_loop3A_1005 = arith.addi %parallel_loop3A_817, %parallel_loop3A_1004 : vector<16xi32>
        %parallel_loop3A_1006 = arith.mulf %parallel_loop3A_894, %parallel_loop3A_1002 : vector<16xf32>
        tpu.vector_store_idx %arg26[%parallel_loop3A_1005, %and3A_21], %parallel_loop3A_1006 : memref<256x8xf32, #tpu.memory_space<vmem>>[vector<16xi32>, vector<16xi32>], vector<16xf32>,
      } {sc.loop_unroll_factor = 4 : i64, sc.parallel_access}
      %get3A_468 = arith.constant 0 : index
      %get3A_469 = tpu.vector_load %arg20[%get3A_468] {strides = array<i32>} : memref<256xi32, #tpu.memory_space<vmem>>, vector<16xi32>,
      %swap3A_470 = arith.constant 0 : i32
      %swap3A_471 = arith.index_cast %swap3A_470 : i32 to index
      %swap3A_472 = arith.constant 0 : index
      %swap3A_473 = tpu.vector_load %arg27[%swap3A_471, %swap3A_472] {strides = array<i32>} : memref<2x128xi32, #tpu.memory_space<vmem>>, vector<16xi32>,
      tpu.vector_store %arg27[%swap3A_471, %swap3A_472], %get3A_469 {strides = array<i32>} : memref<2x128xi32, #tpu.memory_space<vmem>>, vector<16xi32>,
      %get3A_474 = arith.constant 0 : index
      %get3A_475 = tpu.vector_load %arg22[%get3A_474] {strides = array<i32>} : memref<256xf32, #tpu.memory_space<vmem>>, vector<16xf32>,
      %mul3A_476 = arith.mulf %get3A_475, %mul3A_458 : vector<16xf32>
      %swap3A_477 = arith.constant 0 : i32
      %swap3A_478 = arith.index_cast %swap3A_477 : i32 to index
      %swap3A_479 = arith.constant 0 : index
      %swap3A_480 = tpu.vector_load %arg28[%swap3A_478, %swap3A_479] {strides = array<i32>} : memref<2x128xf32, #tpu.memory_space<vmem>>, vector<16xf32>,
      tpu.vector_store %arg28[%swap3A_478, %swap3A_479], %mul3A_476 {strides = array<i32>} : memref<2x128xf32, #tpu.memory_space<vmem>>, vector<16xf32>,
      %get3A_481 = arith.constant 16 : index
      %get3A_482 = tpu.vector_load %arg20[%get3A_481] {strides = array<i32>} : memref<256xi32, #tpu.memory_space<vmem>>, vector<16xi32>,
      %swap3A_483 = arith.constant 0 : i32
      %swap3A_484 = arith.index_cast %swap3A_483 : i32 to index
      %swap3A_485 = arith.constant 16 : index
      %swap3A_486 = tpu.vector_load %arg27[%swap3A_484, %swap3A_485] {strides = array<i32>} : memref<2x128xi32, #tpu.memory_space<vmem>>, vector<16xi32>,
      tpu.vector_store %arg27[%swap3A_484, %swap3A_485], %get3A_482 {strides = array<i32>} : memref<2x128xi32, #tpu.memory_space<vmem>>, vector<16xi32>,
      %get3A_487 = arith.constant 16 : index
      %get3A_488 = tpu.vector_load %arg22[%get3A_487] {strides = array<i32>} : memref<256xf32, #tpu.memory_space<vmem>>, vector<16xf32>,
      %mul3A_489 = arith.mulf %get3A_488, %mul3A_458 : vector<16xf32>
      %swap3A_490 = arith.constant 0 : i32
      %swap3A_491 = arith.index_cast %swap3A_490 : i32 to index
      %swap3A_492 = arith.constant 16 : index
      %swap3A_493 = tpu.vector_load %arg28[%swap3A_491, %swap3A_492] {strides = array<i32>} : memref<2x128xf32, #tpu.memory_space<vmem>>, vector<16xf32>,
      tpu.vector_store %arg28[%swap3A_491, %swap3A_492], %mul3A_489 {strides = array<i32>} : memref<2x128xf32, #tpu.memory_space<vmem>>, vector<16xf32>,
      %get3A_494 = arith.constant 32 : index
      %get3A_495 = tpu.vector_load %arg20[%get3A_494] {strides = array<i32>} : memref<256xi32, #tpu.memory_space<vmem>>, vector<16xi32>,
      %swap3A_496 = arith.constant 0 : i32
      %swap3A_497 = arith.index_cast %swap3A_496 : i32 to index
      %swap3A_498 = arith.constant 32 : index
      %swap3A_499 = tpu.vector_load %arg27[%swap3A_497, %swap3A_498] {strides = array<i32>} : memref<2x128xi32, #tpu.memory_space<vmem>>, vector<16xi32>,
      tpu.vector_store %arg27[%swap3A_497, %swap3A_498], %get3A_495 {strides = array<i32>} : memref<2x128xi32, #tpu.memory_space<vmem>>, vector<16xi32>,
      %get3A_500 = arith.constant 32 : index
      %get3A_501 = tpu.vector_load %arg22[%get3A_500] {strides = array<i32>} : memref<256xf32, #tpu.memory_space<vmem>>, vector<16xf32>,
      %mul3A_502 = arith.mulf %get3A_501, %mul3A_458 : vector<16xf32>
      %swap3A_503 = arith.constant 0 : i32
      %swap3A_504 = arith.index_cast %swap3A_503 : i32 to index
      %swap3A_505 = arith.constant 32 : index
      %swap3A_506 = tpu.vector_load %arg28[%swap3A_504, %swap3A_505] {strides = array<i32>} : memref<2x128xf32, #tpu.memory_space<vmem>>, vector<16xf32>,
      tpu.vector_store %arg28[%swap3A_504, %swap3A_505], %mul3A_502 {strides = array<i32>} : memref<2x128xf32, #tpu.memory_space<vmem>>, vector<16xf32>,
      %get3A_507 = arith.constant 48 : index
      %get3A_508 = tpu.vector_load %arg20[%get3A_507] {strides = array<i32>} : memref<256xi32, #tpu.memory_space<vmem>>, vector<16xi32>,
      %swap3A_509 = arith.constant 0 : i32
      %swap3A_510 = arith.index_cast %swap3A_509 : i32 to index
      %swap3A_511 = arith.constant 48 : index
      %swap3A_512 = tpu.vector_load %arg27[%swap3A_510, %swap3A_511] {strides = array<i32>} : memref<2x128xi32, #tpu.memory_space<vmem>>, vector<16xi32>,
      tpu.vector_store %arg27[%swap3A_510, %swap3A_511], %get3A_508 {strides = array<i32>} : memref<2x128xi32, #tpu.memory_space<vmem>>, vector<16xi32>,
      %get3A_513 = arith.constant 48 : index
      %get3A_514 = tpu.vector_load %arg22[%get3A_513] {strides = array<i32>} : memref<256xf32, #tpu.memory_space<vmem>>, vector<16xf32>,
      %mul3A_515 = arith.mulf %get3A_514, %mul3A_458 : vector<16xf32>
      %swap3A_516 = arith.constant 0 : i32
      %swap3A_517 = arith.index_cast %swap3A_516 : i32 to index
      %swap3A_518 = arith.constant 48 : index
      %swap3A_519 = tpu.vector_load %arg28[%swap3A_517, %swap3A_518] {strides = array<i32>} : memref<2x128xf32, #tpu.memory_space<vmem>>, vector<16xf32>,
      tpu.vector_store %arg28[%swap3A_517, %swap3A_518], %mul3A_515 {strides = array<i32>} : memref<2x128xf32, #tpu.memory_space<vmem>>, vector<16xf32>,
      %get3A_520 = arith.constant 64 : index
      %get3A_521 = tpu.vector_load %arg20[%get3A_520] {strides = array<i32>} : memref<256xi32, #tpu.memory_space<vmem>>, vector<16xi32>,
      %swap3A_522 = arith.constant 0 : i32
      %swap3A_523 = arith.index_cast %swap3A_522 : i32 to index
      %swap3A_524 = arith.constant 64 : index
      %swap3A_525 = tpu.vector_load %arg27[%swap3A_523, %swap3A_524] {strides = array<i32>} : memref<2x128xi32, #tpu.memory_space<vmem>>, vector<16xi32>,
      tpu.vector_store %arg27[%swap3A_523, %swap3A_524], %get3A_521 {strides = array<i32>} : memref<2x128xi32, #tpu.memory_space<vmem>>, vector<16xi32>,
      %get3A_526 = arith.constant 64 : index
      %get3A_527 = tpu.vector_load %arg22[%get3A_526] {strides = array<i32>} : memref<256xf32, #tpu.memory_space<vmem>>, vector<16xf32>,
      %mul3A_528 = arith.mulf %get3A_527, %mul3A_458 : vector<16xf32>
      %swap3A_529 = arith.constant 0 : i32
      %swap3A_530 = arith.index_cast %swap3A_529 : i32 to index
      %swap3A_531 = arith.constant 64 : index
      %swap3A_532 = tpu.vector_load %arg28[%swap3A_530, %swap3A_531] {strides = array<i32>} : memref<2x128xf32, #tpu.memory_space<vmem>>, vector<16xf32>,
      tpu.vector_store %arg28[%swap3A_530, %swap3A_531], %mul3A_528 {strides = array<i32>} : memref<2x128xf32, #tpu.memory_space<vmem>>, vector<16xf32>,
      %get3A_533 = arith.constant 80 : index
      %get3A_534 = tpu.vector_load %arg20[%get3A_533] {strides = array<i32>} : memref<256xi32, #tpu.memory_space<vmem>>, vector<16xi32>,
      %swap3A_535 = arith.constant 0 : i32
      %swap3A_536 = arith.index_cast %swap3A_535 : i32 to index
      %swap3A_537 = arith.constant 80 : index
      %swap3A_538 = tpu.vector_load %arg27[%swap3A_536, %swap3A_537] {strides = array<i32>} : memref<2x128xi32, #tpu.memory_space<vmem>>, vector<16xi32>,
      tpu.vector_store %arg27[%swap3A_536, %swap3A_537], %get3A_534 {strides = array<i32>} : memref<2x128xi32, #tpu.memory_space<vmem>>, vector<16xi32>,
      %get3A_539 = arith.constant 80 : index
      %get3A_540 = tpu.vector_load %arg22[%get3A_539] {strides = array<i32>} : memref<256xf32, #tpu.memory_space<vmem>>, vector<16xf32>,
      %mul3A_541 = arith.mulf %get3A_540, %mul3A_458 : vector<16xf32>
      %swap3A_542 = arith.constant 0 : i32
      %swap3A_543 = arith.index_cast %swap3A_542 : i32 to index
      %swap3A_544 = arith.constant 80 : index
      %swap3A_545 = tpu.vector_load %arg28[%swap3A_543, %swap3A_544] {strides = array<i32>} : memref<2x128xf32, #tpu.memory_space<vmem>>, vector<16xf32>,
      tpu.vector_store %arg28[%swap3A_543, %swap3A_544], %mul3A_541 {strides = array<i32>} : memref<2x128xf32, #tpu.memory_space<vmem>>, vector<16xf32>,
      %get3A_546 = arith.constant 96 : index
      %get3A_547 = tpu.vector_load %arg20[%get3A_546] {strides = array<i32>} : memref<256xi32, #tpu.memory_space<vmem>>, vector<16xi32>,
      %swap3A_548 = arith.constant 0 : i32
      %swap3A_549 = arith.index_cast %swap3A_548 : i32 to index
      %swap3A_550 = arith.constant 96 : index
      %swap3A_551 = tpu.vector_load %arg27[%swap3A_549, %swap3A_550] {strides = array<i32>} : memref<2x128xi32, #tpu.memory_space<vmem>>, vector<16xi32>,
      tpu.vector_store %arg27[%swap3A_549, %swap3A_550], %get3A_547 {strides = array<i32>} : memref<2x128xi32, #tpu.memory_space<vmem>>, vector<16xi32>,
      %get3A_552 = arith.constant 96 : index
      %get3A_553 = tpu.vector_load %arg22[%get3A_552] {strides = array<i32>} : memref<256xf32, #tpu.memory_space<vmem>>, vector<16xf32>,
      %mul3A_554 = arith.mulf %get3A_553, %mul3A_458 : vector<16xf32>
      %swap3A_555 = arith.constant 0 : i32
      %swap3A_556 = arith.index_cast %swap3A_555 : i32 to index
      %swap3A_557 = arith.constant 96 : index
      %swap3A_558 = tpu.vector_load %arg28[%swap3A_556, %swap3A_557] {strides = array<i32>} : memref<2x128xf32, #tpu.memory_space<vmem>>, vector<16xf32>,
      tpu.vector_store %arg28[%swap3A_556, %swap3A_557], %mul3A_554 {strides = array<i32>} : memref<2x128xf32, #tpu.memory_space<vmem>>, vector<16xf32>,
      %get3A_559 = arith.constant 112 : index
      %get3A_560 = tpu.vector_load %arg20[%get3A_559] {strides = array<i32>} : memref<256xi32, #tpu.memory_space<vmem>>, vector<16xi32>,
      %swap3A_561 = arith.constant 0 : i32
      %swap3A_562 = arith.index_cast %swap3A_561 : i32 to index
      %swap3A_563 = arith.constant 112 : index
      %swap3A_564 = tpu.vector_load %arg27[%swap3A_562, %swap3A_563] {strides = array<i32>} : memref<2x128xi32, #tpu.memory_space<vmem>>, vector<16xi32>,
      tpu.vector_store %arg27[%swap3A_562, %swap3A_563], %get3A_560 {strides = array<i32>} : memref<2x128xi32, #tpu.memory_space<vmem>>, vector<16xi32>,
      %get3A_565 = arith.constant 112 : index
      %get3A_566 = tpu.vector_load %arg22[%get3A_565] {strides = array<i32>} : memref<256xf32, #tpu.memory_space<vmem>>, vector<16xf32>,
      %mul3A_567 = arith.mulf %get3A_566, %mul3A_458 : vector<16xf32>
      %swap3A_568 = arith.constant 0 : i32
      %swap3A_569 = arith.index_cast %swap3A_568 : i32 to index
      %swap3A_570 = arith.constant 112 : index
      %swap3A_571 = tpu.vector_load %arg28[%swap3A_569, %swap3A_570] {strides = array<i32>} : memref<2x128xf32, #tpu.memory_space<vmem>>, vector<16xf32>,
      tpu.vector_store %arg28[%swap3A_569, %swap3A_570], %mul3A_567 {strides = array<i32>} : memref<2x128xf32, #tpu.memory_space<vmem>>, vector<16xf32>,
      %dma_start3A_572 = arith.constant 0 : i32
      %dma_start3A_573 = arith.constant 0 : i32
      %dma_start3A_574 = arith.constant 0 : i32
      %dma_start3A_575 = tpu.memref_slice %arg26[%dma_start3A_573, %dma_start3A_574] : memref<256x8xf32, #tpu.memory_space<vmem>> -> memref<128x8xf32, #tpu.memory_space<vmem>>
      %dma_start3A_576 = arith.constant 0 : i32
      %dma_start3A_577 = tpu.memref_slice %arg27[%dma_start3A_572, %dma_start3A_576] : memref<2x128xi32, #tpu.memory_space<vmem>> -> memref<1x128xi32, #tpu.memory_space<vmem>>
      %dma_start3A_578 = tpu.memref_squeeze %dma_start3A_577 : memref<1x128xi32, #tpu.memory_space<vmem>> -> memref<128xi32, #tpu.memory_space<vmem>>
      %dma_start3A_579 = arith.constant 0 : i32
      %dma_start3A_580 = arith.constant 0 : i32
      %dma_start3A_581 = tpu.memref_slice %arg29[%dma_start3A_579, %dma_start3A_580] : memref<100000x8xf32, #tpu.memory_space<vmem_shared>> -> memref<100000x8xf32, #tpu.memory_space<vmem_shared>>
      tpu.enqueue_indirect_dma source(%dma_start3A_575 : memref<128x8xf32, #tpu.memory_space<vmem>>) target(%dma_start3A_581 : memref<100000x8xf32, #tpu.memory_space<vmem_shared>>) offsets(%dma_start3A_578 : memref<128xi32, #tpu.memory_space<vmem>>) semaphore(%arg37 : memref<!tpu.dma_semaphore, #tpu.memory_space<semaphore_mem>>) {add = true}
      %dma_start3A_582 = arith.constant 0 : i32
      %dma_start3A_583 = arith.constant 0 : i32
      %dma_start3A_584 = arith.constant 0 : i32
      %dma_start3A_585 = tpu.memref_slice %arg28[%dma_start3A_582, %dma_start3A_584] : memref<2x128xf32, #tpu.memory_space<vmem>> -> memref<1x128xf32, #tpu.memory_space<vmem>>
      %dma_start3A_586 = tpu.memref_squeeze %dma_start3A_585 : memref<1x128xf32, #tpu.memory_space<vmem>> -> memref<128xf32, #tpu.memory_space<vmem>>
      %dma_start3A_587 = arith.constant 0 : i32
      %dma_start3A_588 = tpu.memref_slice %arg27[%dma_start3A_583, %dma_start3A_587] : memref<2x128xi32, #tpu.memory_space<vmem>> -> memref<1x128xi32, #tpu.memory_space<vmem>>
      %dma_start3A_589 = tpu.memref_squeeze %dma_start3A_588 : memref<1x128xi32, #tpu.memory_space<vmem>> -> memref<128xi32, #tpu.memory_space<vmem>>
      %dma_start3A_590 = arith.constant 0 : i32
      %dma_start3A_591 = tpu.memref_slice %arg30[%dma_start3A_590] : memref<100000xf32, #tpu.memory_space<vmem_shared>> -> memref<100000xf32, #tpu.memory_space<vmem_shared>>
      tpu.enqueue_indirect_dma source(%dma_start3A_586 : memref<128xf32, #tpu.memory_space<vmem>>) target(%dma_start3A_591 : memref<100000xf32, #tpu.memory_space<vmem_shared>>) offsets(%dma_start3A_589 : memref<128xi32, #tpu.memory_space<vmem>>) semaphore(%arg37 : memref<!tpu.dma_semaphore, #tpu.memory_space<semaphore_mem>>) {add = true}
      %get3A_592 = arith.constant 128 : index
      %get3A_593 = tpu.vector_load %arg20[%get3A_592] {strides = array<i32>} : memref<256xi32, #tpu.memory_space<vmem>>, vector<16xi32>,
      %swap3A_594 = arith.constant 1 : i32
      %swap3A_595 = arith.index_cast %swap3A_594 : i32 to index
      %swap3A_596 = arith.constant 0 : index
      %swap3A_597 = tpu.vector_load %arg27[%swap3A_595, %swap3A_596] {strides = array<i32>} : memref<2x128xi32, #tpu.memory_space<vmem>>, vector<16xi32>,
      tpu.vector_store %arg27[%swap3A_595, %swap3A_596], %get3A_593 {strides = array<i32>} : memref<2x128xi32, #tpu.memory_space<vmem>>, vector<16xi32>,
      %get3A_598 = arith.constant 128 : index
      %get3A_599 = tpu.vector_load %arg22[%get3A_598] {strides = array<i32>} : memref<256xf32, #tpu.memory_space<vmem>>, vector<16xf32>,
      %mul3A_600 = arith.mulf %get3A_599, %mul3A_458 : vector<16xf32>
      %swap3A_601 = arith.constant 1 : i32
      %swap3A_602 = arith.index_cast %swap3A_601 : i32 to index
      %swap3A_603 = arith.constant 0 : index
      %swap3A_604 = tpu.vector_load %arg28[%swap3A_602, %swap3A_603] {strides = array<i32>} : memref<2x128xf32, #tpu.memory_space<vmem>>, vector<16xf32>,
      tpu.vector_store %arg28[%swap3A_602, %swap3A_603], %mul3A_600 {strides = array<i32>} : memref<2x128xf32, #tpu.memory_space<vmem>>, vector<16xf32>,
      %get3A_605 = arith.constant 144 : index
      %get3A_606 = tpu.vector_load %arg20[%get3A_605] {strides = array<i32>} : memref<256xi32, #tpu.memory_space<vmem>>, vector<16xi32>,
      %swap3A_607 = arith.constant 1 : i32
      %swap3A_608 = arith.index_cast %swap3A_607 : i32 to index
      %swap3A_609 = arith.constant 16 : index
      %swap3A_610 = tpu.vector_load %arg27[%swap3A_608, %swap3A_609] {strides = array<i32>} : memref<2x128xi32, #tpu.memory_space<vmem>>, vector<16xi32>,
      tpu.vector_store %arg27[%swap3A_608, %swap3A_609], %get3A_606 {strides = array<i32>} : memref<2x128xi32, #tpu.memory_space<vmem>>, vector<16xi32>,
      %get3A_611 = arith.constant 144 : index
      %get3A_612 = tpu.vector_load %arg22[%get3A_611] {strides = array<i32>} : memref<256xf32, #tpu.memory_space<vmem>>, vector<16xf32>,
      %mul3A_613 = arith.mulf %get3A_612, %mul3A_458 : vector<16xf32>
      %swap3A_614 = arith.constant 1 : i32
      %swap3A_615 = arith.index_cast %swap3A_614 : i32 to index
      %swap3A_616 = arith.constant 16 : index
      %swap3A_617 = tpu.vector_load %arg28[%swap3A_615, %swap3A_616] {strides = array<i32>} : memref<2x128xf32, #tpu.memory_space<vmem>>, vector<16xf32>,
      tpu.vector_store %arg28[%swap3A_615, %swap3A_616], %mul3A_613 {strides = array<i32>} : memref<2x128xf32, #tpu.memory_space<vmem>>, vector<16xf32>,
      %get3A_618 = arith.constant 160 : index
      %get3A_619 = tpu.vector_load %arg20[%get3A_618] {strides = array<i32>} : memref<256xi32, #tpu.memory_space<vmem>>, vector<16xi32>,
      %swap3A_620 = arith.constant 1 : i32
      %swap3A_621 = arith.index_cast %swap3A_620 : i32 to index
      %swap3A_622 = arith.constant 32 : index
      %swap3A_623 = tpu.vector_load %arg27[%swap3A_621, %swap3A_622] {strides = array<i32>} : memref<2x128xi32, #tpu.memory_space<vmem>>, vector<16xi32>,
      tpu.vector_store %arg27[%swap3A_621, %swap3A_622], %get3A_619 {strides = array<i32>} : memref<2x128xi32, #tpu.memory_space<vmem>>, vector<16xi32>,
      %get3A_624 = arith.constant 160 : index
      %get3A_625 = tpu.vector_load %arg22[%get3A_624] {strides = array<i32>} : memref<256xf32, #tpu.memory_space<vmem>>, vector<16xf32>,
      %mul3A_626 = arith.mulf %get3A_625, %mul3A_458 : vector<16xf32>
      %swap3A_627 = arith.constant 1 : i32
      %swap3A_628 = arith.index_cast %swap3A_627 : i32 to index
      %swap3A_629 = arith.constant 32 : index
      %swap3A_630 = tpu.vector_load %arg28[%swap3A_628, %swap3A_629] {strides = array<i32>} : memref<2x128xf32, #tpu.memory_space<vmem>>, vector<16xf32>,
      tpu.vector_store %arg28[%swap3A_628, %swap3A_629], %mul3A_626 {strides = array<i32>} : memref<2x128xf32, #tpu.memory_space<vmem>>, vector<16xf32>,
      %get3A_631 = arith.constant 176 : index
      %get3A_632 = tpu.vector_load %arg20[%get3A_631] {strides = array<i32>} : memref<256xi32, #tpu.memory_space<vmem>>, vector<16xi32>,
      %swap3A_633 = arith.constant 1 : i32
      %swap3A_634 = arith.index_cast %swap3A_633 : i32 to index
      %swap3A_635 = arith.constant 48 : index
      %swap3A_636 = tpu.vector_load %arg27[%swap3A_634, %swap3A_635] {strides = array<i32>} : memref<2x128xi32, #tpu.memory_space<vmem>>, vector<16xi32>,
      tpu.vector_store %arg27[%swap3A_634, %swap3A_635], %get3A_632 {strides = array<i32>} : memref<2x128xi32, #tpu.memory_space<vmem>>, vector<16xi32>,
      %get3A_637 = arith.constant 176 : index
      %get3A_638 = tpu.vector_load %arg22[%get3A_637] {strides = array<i32>} : memref<256xf32, #tpu.memory_space<vmem>>, vector<16xf32>,
      %mul3A_639 = arith.mulf %get3A_638, %mul3A_458 : vector<16xf32>
      %swap3A_640 = arith.constant 1 : i32
      %swap3A_641 = arith.index_cast %swap3A_640 : i32 to index
      %swap3A_642 = arith.constant 48 : index
      %swap3A_643 = tpu.vector_load %arg28[%swap3A_641, %swap3A_642] {strides = array<i32>} : memref<2x128xf32, #tpu.memory_space<vmem>>, vector<16xf32>,
      tpu.vector_store %arg28[%swap3A_641, %swap3A_642], %mul3A_639 {strides = array<i32>} : memref<2x128xf32, #tpu.memory_space<vmem>>, vector<16xf32>,
      %get3A_644 = arith.constant 192 : index
      %get3A_645 = tpu.vector_load %arg20[%get3A_644] {strides = array<i32>} : memref<256xi32, #tpu.memory_space<vmem>>, vector<16xi32>,
      %swap3A_646 = arith.constant 1 : i32
      %swap3A_647 = arith.index_cast %swap3A_646 : i32 to index
      %swap3A_648 = arith.constant 64 : index
      %swap3A_649 = tpu.vector_load %arg27[%swap3A_647, %swap3A_648] {strides = array<i32>} : memref<2x128xi32, #tpu.memory_space<vmem>>, vector<16xi32>,
      tpu.vector_store %arg27[%swap3A_647, %swap3A_648], %get3A_645 {strides = array<i32>} : memref<2x128xi32, #tpu.memory_space<vmem>>, vector<16xi32>,
      %get3A_650 = arith.constant 192 : index
      %get3A_651 = tpu.vector_load %arg22[%get3A_650] {strides = array<i32>} : memref<256xf32, #tpu.memory_space<vmem>>, vector<16xf32>,
      %mul3A_652 = arith.mulf %get3A_651, %mul3A_458 : vector<16xf32>
      %swap3A_653 = arith.constant 1 : i32
      %swap3A_654 = arith.index_cast %swap3A_653 : i32 to index
      %swap3A_655 = arith.constant 64 : index
      %swap3A_656 = tpu.vector_load %arg28[%swap3A_654, %swap3A_655] {strides = array<i32>} : memref<2x128xf32, #tpu.memory_space<vmem>>, vector<16xf32>,
      tpu.vector_store %arg28[%swap3A_654, %swap3A_655], %mul3A_652 {strides = array<i32>} : memref<2x128xf32, #tpu.memory_space<vmem>>, vector<16xf32>,
      %get3A_657 = arith.constant 208 : index
      %get3A_658 = tpu.vector_load %arg20[%get3A_657] {strides = array<i32>} : memref<256xi32, #tpu.memory_space<vmem>>, vector<16xi32>,
      %swap3A_659 = arith.constant 1 : i32
      %swap3A_660 = arith.index_cast %swap3A_659 : i32 to index
      %swap3A_661 = arith.constant 80 : index
      %swap3A_662 = tpu.vector_load %arg27[%swap3A_660, %swap3A_661] {strides = array<i32>} : memref<2x128xi32, #tpu.memory_space<vmem>>, vector<16xi32>,
      tpu.vector_store %arg27[%swap3A_660, %swap3A_661], %get3A_658 {strides = array<i32>} : memref<2x128xi32, #tpu.memory_space<vmem>>, vector<16xi32>,
      %get3A_663 = arith.constant 208 : index
      %get3A_664 = tpu.vector_load %arg22[%get3A_663] {strides = array<i32>} : memref<256xf32, #tpu.memory_space<vmem>>, vector<16xf32>,
      %mul3A_665 = arith.mulf %get3A_664, %mul3A_458 : vector<16xf32>
      %swap3A_666 = arith.constant 1 : i32
      %swap3A_667 = arith.index_cast %swap3A_666 : i32 to index
      %swap3A_668 = arith.constant 80 : index
      %swap3A_669 = tpu.vector_load %arg28[%swap3A_667, %swap3A_668] {strides = array<i32>} : memref<2x128xf32, #tpu.memory_space<vmem>>, vector<16xf32>,
      tpu.vector_store %arg28[%swap3A_667, %swap3A_668], %mul3A_665 {strides = array<i32>} : memref<2x128xf32, #tpu.memory_space<vmem>>, vector<16xf32>,
      %get3A_670 = arith.constant 224 : index
      %get3A_671 = tpu.vector_load %arg20[%get3A_670] {strides = array<i32>} : memref<256xi32, #tpu.memory_space<vmem>>, vector<16xi32>,
      %swap3A_672 = arith.constant 1 : i32
      %swap3A_673 = arith.index_cast %swap3A_672 : i32 to index
      %swap3A_674 = arith.constant 96 : index
      %swap3A_675 = tpu.vector_load %arg27[%swap3A_673, %swap3A_674] {strides = array<i32>} : memref<2x128xi32, #tpu.memory_space<vmem>>, vector<16xi32>,
      tpu.vector_store %arg27[%swap3A_673, %swap3A_674], %get3A_671 {strides = array<i32>} : memref<2x128xi32, #tpu.memory_space<vmem>>, vector<16xi32>,
      %get3A_676 = arith.constant 224 : index
      %get3A_677 = tpu.vector_load %arg22[%get3A_676] {strides = array<i32>} : memref<256xf32, #tpu.memory_space<vmem>>, vector<16xf32>,
      %mul3A_678 = arith.mulf %get3A_677, %mul3A_458 : vector<16xf32>
      %swap3A_679 = arith.constant 1 : i32
      %swap3A_680 = arith.index_cast %swap3A_679 : i32 to index
      %swap3A_681 = arith.constant 96 : index
      %swap3A_682 = tpu.vector_load %arg28[%swap3A_680, %swap3A_681] {strides = array<i32>} : memref<2x128xf32, #tpu.memory_space<vmem>>, vector<16xf32>,
      tpu.vector_store %arg28[%swap3A_680, %swap3A_681], %mul3A_678 {strides = array<i32>} : memref<2x128xf32, #tpu.memory_space<vmem>>, vector<16xf32>,
      %get3A_683 = arith.constant 240 : index
      %get3A_684 = tpu.vector_load %arg20[%get3A_683] {strides = array<i32>} : memref<256xi32, #tpu.memory_space<vmem>>, vector<16xi32>,
      %swap3A_685 = arith.constant 1 : i32
      %swap3A_686 = arith.index_cast %swap3A_685 : i32 to index
      %swap3A_687 = arith.constant 112 : index
      %swap3A_688 = tpu.vector_load %arg27[%swap3A_686, %swap3A_687] {strides = array<i32>} : memref<2x128xi32, #tpu.memory_space<vmem>>, vector<16xi32>,
      tpu.vector_store %arg27[%swap3A_686, %swap3A_687], %get3A_684 {strides = array<i32>} : memref<2x128xi32, #tpu.memory_space<vmem>>, vector<16xi32>,
      %get3A_689 = arith.constant 240 : index
      %get3A_690 = tpu.vector_load %arg22[%get3A_689] {strides = array<i32>} : memref<256xf32, #tpu.memory_space<vmem>>, vector<16xf32>,
      %mul3A_691 = arith.mulf %get3A_690, %mul3A_458 : vector<16xf32>
      %swap3A_692 = arith.constant 1 : i32
      %swap3A_693 = arith.index_cast %swap3A_692 : i32 to index
      %swap3A_694 = arith.constant 112 : index
      %swap3A_695 = tpu.vector_load %arg28[%swap3A_693, %swap3A_694] {strides = array<i32>} : memref<2x128xf32, #tpu.memory_space<vmem>>, vector<16xf32>,
      tpu.vector_store %arg28[%swap3A_693, %swap3A_694], %mul3A_691 {strides = array<i32>} : memref<2x128xf32, #tpu.memory_space<vmem>>, vector<16xf32>,
      %dma_start3A_696 = arith.constant 1 : i32
      %dma_start3A_697 = arith.constant 128 : i32
      %dma_start3A_698 = arith.constant 0 : i32
      %dma_start3A_699 = tpu.memref_slice %arg26[%dma_start3A_697, %dma_start3A_698] : memref<256x8xf32, #tpu.memory_space<vmem>> -> memref<128x8xf32, #tpu.memory_space<vmem>>
      %dma_start3A_700 = arith.constant 0 : i32
      %dma_start3A_701 = tpu.memref_slice %arg27[%dma_start3A_696, %dma_start3A_700] : memref<2x128xi32, #tpu.memory_space<vmem>> -> memref<1x128xi32, #tpu.memory_space<vmem>>
      %dma_start3A_702 = tpu.memref_squeeze %dma_start3A_701 : memref<1x128xi32, #tpu.memory_space<vmem>> -> memref<128xi32, #tpu.memory_space<vmem>>
      %dma_start3A_703 = arith.constant 0 : i32
      %dma_start3A_704 = arith.constant 0 : i32
      %dma_start3A_705 = tpu.memref_slice %arg29[%dma_start3A_703, %dma_start3A_704] : memref<100000x8xf32, #tpu.memory_space<vmem_shared>> -> memref<100000x8xf32, #tpu.memory_space<vmem_shared>>
      tpu.enqueue_indirect_dma source(%dma_start3A_699 : memref<128x8xf32, #tpu.memory_space<vmem>>) target(%dma_start3A_705 : memref<100000x8xf32, #tpu.memory_space<vmem_shared>>) offsets(%dma_start3A_702 : memref<128xi32, #tpu.memory_space<vmem>>) semaphore(%arg37 : memref<!tpu.dma_semaphore, #tpu.memory_space<semaphore_mem>>) {add = true}
      %dma_start3A_706 = arith.constant 1 : i32
      %dma_start3A_707 = arith.constant 1 : i32
      %dma_start3A_708 = arith.constant 0 : i32
      %dma_start3A_709 = tpu.memref_slice %arg28[%dma_start3A_706, %dma_start3A_708] : memref<2x128xf32, #tpu.memory_space<vmem>> -> memref<1x128xf32, #tpu.memory_space<vmem>>
      %dma_start3A_710 = tpu.memref_squeeze %dma_start3A_709 : memref<1x128xf32, #tpu.memory_space<vmem>> -> memref<128xf32, #tpu.memory_space<vmem>>
      %dma_start3A_711 = arith.constant 0 : i32
      %dma_start3A_712 = tpu.memref_slice %arg27[%dma_start3A_707, %dma_start3A_711] : memref<2x128xi32, #tpu.memory_space<vmem>> -> memref<1x128xi32, #tpu.memory_space<vmem>>
      %dma_start3A_713 = tpu.memref_squeeze %dma_start3A_712 : memref<1x128xi32, #tpu.memory_space<vmem>> -> memref<128xi32, #tpu.memory_space<vmem>>
      %dma_start3A_714 = arith.constant 0 : i32
      %dma_start3A_715 = tpu.memref_slice %arg30[%dma_start3A_714] : memref<100000xf32, #tpu.memory_space<vmem_shared>> -> memref<100000xf32, #tpu.memory_space<vmem_shared>>
      tpu.enqueue_indirect_dma source(%dma_start3A_710 : memref<128xf32, #tpu.memory_space<vmem>>) target(%dma_start3A_715 : memref<100000xf32, #tpu.memory_space<vmem_shared>>) offsets(%dma_start3A_713 : memref<128xi32, #tpu.memory_space<vmem>>) semaphore(%arg37 : memref<!tpu.dma_semaphore, #tpu.memory_space<semaphore_mem>>) {add = true}
      %add3A_716 = arith.constant 2 : i32
      %add3A_717 = arith.addi %add3A_130, %add3A_716 : i32
      %add3A_718 = arith.addi %add3A_14, %add3A_717 : i32
      %min3A_719 = arith.constant 12499 : i32
      %min3A_720 = arith.minsi %add3A_718, %min3A_719 : i32
      %mul3A_721 = arith.constant 2 : i32
      %mul3A_722 = arith.muli %min3A_720, %mul3A_721 : i32
      %mul3A_723 = arith.constant 128 : i32
      %mul3A_724 = arith.muli %mul3A_722, %mul3A_723 : i32
      %dma_start3A_725 = tpu.memref_slice %arg3[%mul3A_724] : memref<3200000xi32, #tpu.memory_space<hbm>> -> memref<256xi32, #tpu.memory_space<hbm>>
      %dma_start3A_726 = tpu.memref_slice %arg3[%mul3A_724] : memref<3200000xi32, #tpu.memory_space<hbm>> -> memref<256xi32, #tpu.memory_space<hbm>>
      tpu.enqueue_dma source(%dma_start3A_726 : memref<256xi32, #tpu.memory_space<hbm>>) target(%arg20 : memref<256xi32, #tpu.memory_space<vmem>>) target_semaphore(%arg33 : memref<!tpu.dma_semaphore, #tpu.memory_space<semaphore_mem>>)
      %dma_start3A_727 = tpu.memref_slice %arg4[%mul3A_724] : memref<3200000xi32, #tpu.memory_space<hbm>> -> memref<256xi32, #tpu.memory_space<hbm>>
      %dma_start3A_728 = tpu.memref_slice %arg4[%mul3A_724] : memref<3200000xi32, #tpu.memory_space<hbm>> -> memref<256xi32, #tpu.memory_space<hbm>>
      tpu.enqueue_dma source(%dma_start3A_728 : memref<256xi32, #tpu.memory_space<hbm>>) target(%arg21 : memref<256xi32, #tpu.memory_space<vmem>>) target_semaphore(%arg33 : memref<!tpu.dma_semaphore, #tpu.memory_space<semaphore_mem>>)
      %dma_start3A_729 = tpu.memref_slice %arg5[%mul3A_724] : memref<3200000xf32, #tpu.memory_space<hbm>> -> memref<256xf32, #tpu.memory_space<hbm>>
      %dma_start3A_730 = tpu.memref_slice %arg5[%mul3A_724] : memref<3200000xf32, #tpu.memory_space<hbm>> -> memref<256xf32, #tpu.memory_space<hbm>>
      tpu.enqueue_dma source(%dma_start3A_730 : memref<256xf32, #tpu.memory_space<hbm>>) target(%arg22 : memref<256xf32, #tpu.memory_space<vmem>>) target_semaphore(%arg33 : memref<!tpu.dma_semaphore, #tpu.memory_space<semaphore_mem>>)
      %dma_start3A_731 = tpu.memref_slice %arg6[%mul3A_724] : memref<3200000xf32, #tpu.memory_space<hbm>> -> memref<256xf32, #tpu.memory_space<hbm>>
      %dma_start3A_732 = tpu.memref_slice %arg6[%mul3A_724] : memref<3200000xf32, #tpu.memory_space<hbm>> -> memref<256xf32, #tpu.memory_space<hbm>>
      tpu.enqueue_dma source(%dma_start3A_732 : memref<256xf32, #tpu.memory_space<hbm>>) target(%arg23 : memref<256xf32, #tpu.memory_space<vmem>>) target_semaphore(%arg33 : memref<!tpu.dma_semaphore, #tpu.memory_space<semaphore_mem>>)
      %dma_wait3A_733 = arith.constant 0 : i32
      %dma_wait3A_734 = arith.constant 0 : i32
      %dma_wait3A_735 = arith.constant 0 : i32
      %dma_wait3A_736 = tpu.memref_slice %arg17[%dma_wait3A_734, %dma_wait3A_735] : memref<256x8xf32, #tpu.memory_space<vmem>> -> memref<128x8xf32, #tpu.memory_space<vmem>>
      %dma_wait3A_737 = arith.constant 0 : i32
      %dma_wait3A_738 = tpu.memref_slice %arg18[%dma_wait3A_733, %dma_wait3A_737] : memref<2x128xi32, #tpu.memory_space<vmem>> -> memref<1x128xi32, #tpu.memory_space<vmem>>
      %dma_wait3A_739 = tpu.memref_squeeze %dma_wait3A_738 : memref<1x128xi32, #tpu.memory_space<vmem>> -> memref<128xi32, #tpu.memory_space<vmem>>
      %dma_wait3A_740 = arith.constant 0 : i32
      %dma_wait3A_741 = arith.constant 0 : i32
      %dma_wait3A_742 = tpu.memref_slice %arg29[%dma_wait3A_740, %dma_wait3A_741] : memref<100000x8xf32, #tpu.memory_space<vmem_shared>> -> memref<100000x8xf32, #tpu.memory_space<vmem_shared>>
      tpu.wait_indirect_dma semaphore(%arg36 : memref<!tpu.dma_semaphore, #tpu.memory_space<semaphore_mem>>) src(%dma_wait3A_736 : memref<128x8xf32, #tpu.memory_space<vmem>>) dst(%dma_wait3A_742 : memref<100000x8xf32, #tpu.memory_space<vmem_shared>>)
      %dma_wait3A_743 = arith.constant 0 : i32
      %dma_wait3A_744 = arith.constant 0 : i32
      %dma_wait3A_745 = arith.constant 0 : i32
      %dma_wait3A_746 = tpu.memref_slice %arg19[%dma_wait3A_743, %dma_wait3A_745] : memref<2x128xf32, #tpu.memory_space<vmem>> -> memref<1x128xf32, #tpu.memory_space<vmem>>
      %dma_wait3A_747 = tpu.memref_squeeze %dma_wait3A_746 : memref<1x128xf32, #tpu.memory_space<vmem>> -> memref<128xf32, #tpu.memory_space<vmem>>
      %dma_wait3A_748 = arith.constant 0 : i32
      %dma_wait3A_749 = tpu.memref_slice %arg18[%dma_wait3A_744, %dma_wait3A_748] : memref<2x128xi32, #tpu.memory_space<vmem>> -> memref<1x128xi32, #tpu.memory_space<vmem>>
      %dma_wait3A_750 = tpu.memref_squeeze %dma_wait3A_749 : memref<1x128xi32, #tpu.memory_space<vmem>> -> memref<128xi32, #tpu.memory_space<vmem>>
      %dma_wait3A_751 = arith.constant 0 : i32
      %dma_wait3A_752 = tpu.memref_slice %arg30[%dma_wait3A_751] : memref<100000xf32, #tpu.memory_space<vmem_shared>> -> memref<100000xf32, #tpu.memory_space<vmem_shared>>
      tpu.wait_indirect_dma semaphore(%arg36 : memref<!tpu.dma_semaphore, #tpu.memory_space<semaphore_mem>>) src(%dma_wait3A_747 : memref<128xf32, #tpu.memory_space<vmem>>) dst(%dma_wait3A_752 : memref<100000xf32, #tpu.memory_space<vmem_shared>>)
      %dma_wait3A_753 = arith.constant 1 : i32
      %dma_wait3A_754 = arith.constant 128 : i32
      %dma_wait3A_755 = arith.constant 0 : i32
      %dma_wait3A_756 = tpu.memref_slice %arg17[%dma_wait3A_754, %dma_wait3A_755] : memref<256x8xf32, #tpu.memory_space<vmem>> -> memref<128x8xf32, #tpu.memory_space<vmem>>
      %dma_wait3A_757 = arith.constant 0 : i32
      %dma_wait3A_758 = tpu.memref_slice %arg18[%dma_wait3A_753, %dma_wait3A_757] : memref<2x128xi32, #tpu.memory_space<vmem>> -> memref<1x128xi32, #tpu.memory_space<vmem>>
      %dma_wait3A_759 = tpu.memref_squeeze %dma_wait3A_758 : memref<1x128xi32, #tpu.memory_space<vmem>> -> memref<128xi32, #tpu.memory_space<vmem>>
      %dma_wait3A_760 = arith.constant 0 : i32
      %dma_wait3A_761 = arith.constant 0 : i32
      %dma_wait3A_762 = tpu.memref_slice %arg29[%dma_wait3A_760, %dma_wait3A_761] : memref<100000x8xf32, #tpu.memory_space<vmem_shared>> -> memref<100000x8xf32, #tpu.memory_space<vmem_shared>>
      tpu.wait_indirect_dma semaphore(%arg36 : memref<!tpu.dma_semaphore, #tpu.memory_space<semaphore_mem>>) src(%dma_wait3A_756 : memref<128x8xf32, #tpu.memory_space<vmem>>) dst(%dma_wait3A_762 : memref<100000x8xf32, #tpu.memory_space<vmem_shared>>)
      %dma_wait3A_763 = arith.constant 1 : i32
      %dma_wait3A_764 = arith.constant 1 : i32
      %dma_wait3A_765 = arith.constant 0 : i32
      %dma_wait3A_766 = tpu.memref_slice %arg19[%dma_wait3A_763, %dma_wait3A_765] : memref<2x128xf32, #tpu.memory_space<vmem>> -> memref<1x128xf32, #tpu.memory_space<vmem>>
      %dma_wait3A_767 = tpu.memref_squeeze %dma_wait3A_766 : memref<1x128xf32, #tpu.memory_space<vmem>> -> memref<128xf32, #tpu.memory_space<vmem>>
      %dma_wait3A_768 = arith.constant 0 : i32
      %dma_wait3A_769 = tpu.memref_slice %arg18[%dma_wait3A_764, %dma_wait3A_768] : memref<2x128xi32, #tpu.memory_space<vmem>> -> memref<1x128xi32, #tpu.memory_space<vmem>>
      %dma_wait3A_770 = tpu.memref_squeeze %dma_wait3A_769 : memref<1x128xi32, #tpu.memory_space<vmem>> -> memref<128xi32, #tpu.memory_space<vmem>>
      %dma_wait3A_771 = arith.constant 0 : i32
      %dma_wait3A_772 = tpu.memref_slice %arg30[%dma_wait3A_771] : memref<100000xf32, #tpu.memory_space<vmem_shared>> -> memref<100000xf32, #tpu.memory_space<vmem_shared>>
      tpu.wait_indirect_dma semaphore(%arg36 : memref<!tpu.dma_semaphore, #tpu.memory_space<semaphore_mem>>) src(%dma_wait3A_767 : memref<128xf32, #tpu.memory_space<vmem>>) dst(%dma_wait3A_772 : memref<100000xf32, #tpu.memory_space<vmem_shared>>)
      %dma_wait3A_773 = arith.constant 0 : i32
      %dma_wait3A_774 = arith.constant 0 : i32
      %dma_wait3A_775 = arith.constant 0 : i32
      %dma_wait3A_776 = tpu.memref_slice %arg26[%dma_wait3A_774, %dma_wait3A_775] : memref<256x8xf32, #tpu.memory_space<vmem>> -> memref<128x8xf32, #tpu.memory_space<vmem>>
      %dma_wait3A_777 = arith.constant 0 : i32
      %dma_wait3A_778 = tpu.memref_slice %arg27[%dma_wait3A_773, %dma_wait3A_777] : memref<2x128xi32, #tpu.memory_space<vmem>> -> memref<1x128xi32, #tpu.memory_space<vmem>>
      %dma_wait3A_779 = tpu.memref_squeeze %dma_wait3A_778 : memref<1x128xi32, #tpu.memory_space<vmem>> -> memref<128xi32, #tpu.memory_space<vmem>>
      %dma_wait3A_780 = arith.constant 0 : i32
      %dma_wait3A_781 = arith.constant 0 : i32
      %dma_wait3A_782 = tpu.memref_slice %arg29[%dma_wait3A_780, %dma_wait3A_781] : memref<100000x8xf32, #tpu.memory_space<vmem_shared>> -> memref<100000x8xf32, #tpu.memory_space<vmem_shared>>
      tpu.wait_indirect_dma semaphore(%arg37 : memref<!tpu.dma_semaphore, #tpu.memory_space<semaphore_mem>>) src(%dma_wait3A_776 : memref<128x8xf32, #tpu.memory_space<vmem>>) dst(%dma_wait3A_782 : memref<100000x8xf32, #tpu.memory_space<vmem_shared>>)
      %dma_wait3A_783 = arith.constant 0 : i32
      %dma_wait3A_784 = arith.constant 0 : i32
      %dma_wait3A_785 = arith.constant 0 : i32
      %dma_wait3A_786 = tpu.memref_slice %arg28[%dma_wait3A_783, %dma_wait3A_785] : memref<2x128xf32, #tpu.memory_space<vmem>> -> memref<1x128xf32, #tpu.memory_space<vmem>>
      %dma_wait3A_787 = tpu.memref_squeeze %dma_wait3A_786 : memref<1x128xf32, #tpu.memory_space<vmem>> -> memref<128xf32, #tpu.memory_space<vmem>>
      %dma_wait3A_788 = arith.constant 0 : i32
      %dma_wait3A_789 = tpu.memref_slice %arg27[%dma_wait3A_784, %dma_wait3A_788] : memref<2x128xi32, #tpu.memory_space<vmem>> -> memref<1x128xi32, #tpu.memory_space<vmem>>
      %dma_wait3A_790 = tpu.memref_squeeze %dma_wait3A_789 : memref<1x128xi32, #tpu.memory_space<vmem>> -> memref<128xi32, #tpu.memory_space<vmem>>
      %dma_wait3A_791 = arith.constant 0 : i32
      %dma_wait3A_792 = tpu.memref_slice %arg30[%dma_wait3A_791] : memref<100000xf32, #tpu.memory_space<vmem_shared>> -> memref<100000xf32, #tpu.memory_space<vmem_shared>>
      tpu.wait_indirect_dma semaphore(%arg37 : memref<!tpu.dma_semaphore, #tpu.memory_space<semaphore_mem>>) src(%dma_wait3A_787 : memref<128xf32, #tpu.memory_space<vmem>>) dst(%dma_wait3A_792 : memref<100000xf32, #tpu.memory_space<vmem_shared>>)
      %dma_wait3A_793 = arith.constant 1 : i32
      %dma_wait3A_794 = arith.constant 128 : i32
      %dma_wait3A_795 = arith.constant 0 : i32
      %dma_wait3A_796 = tpu.memref_slice %arg26[%dma_wait3A_794, %dma_wait3A_795] : memref<256x8xf32, #tpu.memory_space<vmem>> -> memref<128x8xf32, #tpu.memory_space<vmem>>
      %dma_wait3A_797 = arith.constant 0 : i32
      %dma_wait3A_798 = tpu.memref_slice %arg27[%dma_wait3A_793, %dma_wait3A_797] : memref<2x128xi32, #tpu.memory_space<vmem>> -> memref<1x128xi32, #tpu.memory_space<vmem>>
      %dma_wait3A_799 = tpu.memref_squeeze %dma_wait3A_798 : memref<1x128xi32, #tpu.memory_space<vmem>> -> memref<128xi32, #tpu.memory_space<vmem>>
      %dma_wait3A_800 = arith.constant 0 : i32
      %dma_wait3A_801 = arith.constant 0 : i32
      %dma_wait3A_802 = tpu.memref_slice %arg29[%dma_wait3A_800, %dma_wait3A_801] : memref<100000x8xf32, #tpu.memory_space<vmem_shared>> -> memref<100000x8xf32, #tpu.memory_space<vmem_shared>>
      tpu.wait_indirect_dma semaphore(%arg37 : memref<!tpu.dma_semaphore, #tpu.memory_space<semaphore_mem>>) src(%dma_wait3A_796 : memref<128x8xf32, #tpu.memory_space<vmem>>) dst(%dma_wait3A_802 : memref<100000x8xf32, #tpu.memory_space<vmem_shared>>)
      %dma_wait3A_803 = arith.constant 1 : i32
      %dma_wait3A_804 = arith.constant 1 : i32
      %dma_wait3A_805 = arith.constant 0 : i32
      %dma_wait3A_806 = tpu.memref_slice %arg28[%dma_wait3A_803, %dma_wait3A_805] : memref<2x128xf32, #tpu.memory_space<vmem>> -> memref<1x128xf32, #tpu.memory_space<vmem>>
      %dma_wait3A_807 = tpu.memref_squeeze %dma_wait3A_806 : memref<1x128xf32, #tpu.memory_space<vmem>> -> memref<128xf32, #tpu.memory_space<vmem>>
      %dma_wait3A_808 = arith.constant 0 : i32
      %dma_wait3A_809 = tpu.memref_slice %arg27[%dma_wait3A_804, %dma_wait3A_808] : memref<2x128xi32, #tpu.memory_space<vmem>> -> memref<1x128xi32, #tpu.memory_space<vmem>>
      %dma_wait3A_810 = tpu.memref_squeeze %dma_wait3A_809 : memref<1x128xi32, #tpu.memory_space<vmem>> -> memref<128xi32, #tpu.memory_space<vmem>>
      %dma_wait3A_811 = arith.constant 0 : i32
      %dma_wait3A_812 = tpu.memref_slice %arg30[%dma_wait3A_811] : memref<100000xf32, #tpu.memory_space<vmem_shared>> -> memref<100000xf32, #tpu.memory_space<vmem_shared>>
      tpu.wait_indirect_dma semaphore(%arg37 : memref<!tpu.dma_semaphore, #tpu.memory_space<semaphore_mem>>) src(%dma_wait3A_807 : memref<128xf32, #tpu.memory_space<vmem>>) dst(%dma_wait3A_812 : memref<100000xf32, #tpu.memory_space<vmem_shared>>)
    }
    %scan3A_83 = arith.constant 196 : i32
    %add3A_84 = arith.constant 392 : i32
    %add3A_85 = arith.addi %add3A_14, %add3A_84 : i32
    %min3A_86 = arith.constant 12499 : i32
    %min3A_87 = arith.minsi %add3A_85, %min3A_86 : i32
    %mul3A_88 = arith.constant 2 : i32
    %mul3A_89 = arith.muli %min3A_87, %mul3A_88 : i32
    %mul3A_90 = arith.constant 128 : i32
    %mul3A_91 = arith.muli %mul3A_89, %mul3A_90 : i32
    %dma_wait3A = tpu.memref_slice %arg3[%mul3A_91] : memref<3200000xi32, #tpu.memory_space<hbm>> -> memref<256xi32, #tpu.memory_space<hbm>>
    %dma_wait3A_92 = tpu.memref_slice %arg3[%mul3A_91] : memref<3200000xi32, #tpu.memory_space<hbm>> -> memref<256xi32, #tpu.memory_space<hbm>>
    tpu.wait_dma2 semaphore(%arg32 : memref<!tpu.dma_semaphore, #tpu.memory_space<semaphore_mem>>) src(%dma_wait3A_92 : memref<256xi32, #tpu.memory_space<hbm>>) dst(%arg11 : memref<256xi32, #tpu.memory_space<vmem>>)
    %dma_wait3A_93 = tpu.memref_slice %arg4[%mul3A_91] : memref<3200000xi32, #tpu.memory_space<hbm>> -> memref<256xi32, #tpu.memory_space<hbm>>
    %dma_wait3A_94 = tpu.memref_slice %arg4[%mul3A_91] : memref<3200000xi32, #tpu.memory_space<hbm>> -> memref<256xi32, #tpu.memory_space<hbm>>
    tpu.wait_dma2 semaphore(%arg32 : memref<!tpu.dma_semaphore, #tpu.memory_space<semaphore_mem>>) src(%dma_wait3A_94 : memref<256xi32, #tpu.memory_space<hbm>>) dst(%arg12 : memref<256xi32, #tpu.memory_space<vmem>>)
    %dma_wait3A_95 = tpu.memref_slice %arg5[%mul3A_91] : memref<3200000xf32, #tpu.memory_space<hbm>> -> memref<256xf32, #tpu.memory_space<hbm>>
    %dma_wait3A_96 = tpu.memref_slice %arg5[%mul3A_91] : memref<3200000xf32, #tpu.memory_space<hbm>> -> memref<256xf32, #tpu.memory_space<hbm>>
    tpu.wait_dma2 semaphore(%arg32 : memref<!tpu.dma_semaphore, #tpu.memory_space<semaphore_mem>>) src(%dma_wait3A_96 : memref<256xf32, #tpu.memory_space<hbm>>) dst(%arg13 : memref<256xf32, #tpu.memory_space<vmem>>)
    %dma_wait3A_97 = tpu.memref_slice %arg6[%mul3A_91] : memref<3200000xf32, #tpu.memory_space<hbm>> -> memref<256xf32, #tpu.memory_space<hbm>>
    %dma_wait3A_98 = tpu.memref_slice %arg6[%mul3A_91] : memref<3200000xf32, #tpu.memory_space<hbm>> -> memref<256xf32, #tpu.memory_space<hbm>>
    tpu.wait_dma2 semaphore(%arg32 : memref<!tpu.dma_semaphore, #tpu.memory_space<semaphore_mem>>) src(%dma_wait3A_98 : memref<256xf32, #tpu.memory_space<hbm>>) dst(%arg14 : memref<256xf32, #tpu.memory_space<vmem>>)
    %add3A_99 = arith.constant 393 : i32
    %add3A_100 = arith.addi %add3A_14, %add3A_99 : i32
    %min3A_101 = arith.constant 12499 : i32
    %min3A_102 = arith.minsi %add3A_100, %min3A_101 : i32
    %mul3A_103 = arith.constant 2 : i32
    %mul3A_104 = arith.muli %min3A_102, %mul3A_103 : i32
    %mul3A_105 = arith.constant 128 : i32
    %mul3A_106 = arith.muli %mul3A_104, %mul3A_105 : i32
    %dma_wait3A_107 = tpu.memref_slice %arg3[%mul3A_106] : memref<3200000xi32, #tpu.memory_space<hbm>> -> memref<256xi32, #tpu.memory_space<hbm>>
    %dma_wait3A_108 = tpu.memref_slice %arg3[%mul3A_106] : memref<3200000xi32, #tpu.memory_space<hbm>> -> memref<256xi32, #tpu.memory_space<hbm>>
    tpu.wait_dma2 semaphore(%arg33 : memref<!tpu.dma_semaphore, #tpu.memory_space<semaphore_mem>>) src(%dma_wait3A_108 : memref<256xi32, #tpu.memory_space<hbm>>) dst(%arg20 : memref<256xi32, #tpu.memory_space<vmem>>)
    %dma_wait3A_109 = tpu.memref_slice %arg4[%mul3A_106] : memref<3200000xi32, #tpu.memory_space<hbm>> -> memref<256xi32, #tpu.memory_space<hbm>>
    %dma_wait3A_110 = tpu.memref_slice %arg4[%mul3A_106] : memref<3200000xi32, #tpu.memory_space<hbm>> -> memref<256xi32, #tpu.memory_space<hbm>>
    tpu.wait_dma2 semaphore(%arg33 : memref<!tpu.dma_semaphore, #tpu.memory_space<semaphore_mem>>) src(%dma_wait3A_110 : memref<256xi32, #tpu.memory_space<hbm>>) dst(%arg21 : memref<256xi32, #tpu.memory_space<vmem>>)
    %dma_wait3A_111 = tpu.memref_slice %arg5[%mul3A_106] : memref<3200000xf32, #tpu.memory_space<hbm>> -> memref<256xf32, #tpu.memory_space<hbm>>
    %dma_wait3A_112 = tpu.memref_slice %arg5[%mul3A_106] : memref<3200000xf32, #tpu.memory_space<hbm>> -> memref<256xf32, #tpu.memory_space<hbm>>
    tpu.wait_dma2 semaphore(%arg33 : memref<!tpu.dma_semaphore, #tpu.memory_space<semaphore_mem>>) src(%dma_wait3A_112 : memref<256xf32, #tpu.memory_space<hbm>>) dst(%arg22 : memref<256xf32, #tpu.memory_space<vmem>>)
    %dma_wait3A_113 = tpu.memref_slice %arg6[%mul3A_106] : memref<3200000xf32, #tpu.memory_space<hbm>> -> memref<256xf32, #tpu.memory_space<hbm>>
    %dma_wait3A_114 = tpu.memref_slice %arg6[%mul3A_106] : memref<3200000xf32, #tpu.memory_space<hbm>> -> memref<256xf32, #tpu.memory_space<hbm>>
    tpu.wait_dma2 semaphore(%arg33 : memref<!tpu.dma_semaphore, #tpu.memory_space<semaphore_mem>>) src(%dma_wait3A_114 : memref<256xf32, #tpu.memory_space<hbm>>) dst(%arg23 : memref<256xf32, #tpu.memory_space<vmem>>)
    %barrier3A_115 = arith.constant 0 : index
    tpu.barrier barrier_id(%barrier3A_115)
    "tpu.region"() ({
      %run_scoped3A = tpu.sem_alloc : memref<!tpu.dma_semaphore, #tpu.memory_space<semaphore_mem>>
      %dma_start3A_126 = arith.constant 0 : i32
      %dma_start3A_127 = tpu.memref_slice %arg9[%arg0, %mul3A_2, %dma_start3A_126] : memref<2x100000x8xf32, #tpu.memory_space<hbm>> -> memref<1x6250x8xf32, #tpu.memory_space<hbm>>
      %dma_start3A_128 = tpu.memref_squeeze %dma_start3A_127 : memref<1x6250x8xf32, #tpu.memory_space<hbm>> -> memref<6250x8xf32, #tpu.memory_space<hbm>>
      %dma_start3A_129 = arith.constant 0 : i32
      %dma_start3A_130 = tpu.memref_slice %arg29[%mul3A_2, %dma_start3A_129] : memref<100000x8xf32, #tpu.memory_space<vmem_shared>> -> memref<6250x8xf32, #tpu.memory_space<vmem_shared>>
      tpu.enqueue_dma source(%dma_start3A_130 : memref<6250x8xf32, #tpu.memory_space<vmem_shared>>) target(%dma_start3A_128 : memref<6250x8xf32, #tpu.memory_space<hbm>>) target_semaphore(%run_scoped3A : memref<!tpu.dma_semaphore, #tpu.memory_space<semaphore_mem>>)
      %dma_wait3A_131 = arith.constant 0 : i32
      %dma_wait3A_132 = tpu.memref_slice %arg9[%arg0, %mul3A_2, %dma_wait3A_131] : memref<2x100000x8xf32, #tpu.memory_space<hbm>> -> memref<1x6250x8xf32, #tpu.memory_space<hbm>>
      %dma_wait3A_133 = tpu.memref_squeeze %dma_wait3A_132 : memref<1x6250x8xf32, #tpu.memory_space<hbm>> -> memref<6250x8xf32, #tpu.memory_space<hbm>>
      %dma_wait3A_134 = arith.constant 0 : i32
      %dma_wait3A_135 = tpu.memref_slice %arg29[%mul3A_2, %dma_wait3A_134] : memref<100000x8xf32, #tpu.memory_space<vmem_shared>> -> memref<6250x8xf32, #tpu.memory_space<vmem_shared>>
      tpu.wait_dma2 semaphore(%run_scoped3A : memref<!tpu.dma_semaphore, #tpu.memory_space<semaphore_mem>>) src(%dma_wait3A_135 : memref<6250x8xf32, #tpu.memory_space<vmem_shared>>) dst(%dma_wait3A_133 : memref<6250x8xf32, #tpu.memory_space<hbm>>)
      tpu.yield
    }) : () -> ()
    %lt3A_116 = arith.constant 15 : i32
    %lt3A_117 = arith.cmpi slt, %arg1, %lt3A_116 : i32
    %convert_element_type3A_118 = arith.extui %lt3A_117 : i1 to i32
    %cond3A_119 = arith.constant 0 : i32
    %cond3A_120 = arith.cmpi ne, %convert_element_type3A_118, %cond3A_119 : i32
    scf.if %cond3A_120 {
      "tpu.region"() ({
        %run_scoped3A = tpu.sem_alloc : memref<!tpu.dma_semaphore, #tpu.memory_space<semaphore_mem>>
        %dma_start3A_126 = tpu.memref_slice %arg10[%arg0, %mul3A_4] : memref<2x100000xf32, #tpu.memory_space<hbm>> -> memref<1x6248xf32, #tpu.memory_space<hbm>>
        %dma_start3A_127 = tpu.memref_squeeze %dma_start3A_126 : memref<1x6248xf32, #tpu.memory_space<hbm>> -> memref<6248xf32, #tpu.memory_space<hbm>>
        %dma_start3A_128 = tpu.memref_slice %arg30[%mul3A_4] : memref<100000xf32, #tpu.memory_space<vmem_shared>> -> memref<6248xf32, #tpu.memory_space<vmem_shared>>
        tpu.enqueue_dma source(%dma_start3A_128 : memref<6248xf32, #tpu.memory_space<vmem_shared>>) target(%dma_start3A_127 : memref<6248xf32, #tpu.memory_space<hbm>>) target_semaphore(%run_scoped3A : memref<!tpu.dma_semaphore, #tpu.memory_space<semaphore_mem>>)
        %dma_wait3A_129 = tpu.memref_slice %arg10[%arg0, %mul3A_4] : memref<2x100000xf32, #tpu.memory_space<hbm>> -> memref<1x6248xf32, #tpu.memory_space<hbm>>
        %dma_wait3A_130 = tpu.memref_squeeze %dma_wait3A_129 : memref<1x6248xf32, #tpu.memory_space<hbm>> -> memref<6248xf32, #tpu.memory_space<hbm>>
        %dma_wait3A_131 = tpu.memref_slice %arg30[%mul3A_4] : memref<100000xf32, #tpu.memory_space<vmem_shared>> -> memref<6248xf32, #tpu.memory_space<vmem_shared>>
        tpu.wait_dma2 semaphore(%run_scoped3A : memref<!tpu.dma_semaphore, #tpu.memory_space<semaphore_mem>>) src(%dma_wait3A_131 : memref<6248xf32, #tpu.memory_space<vmem_shared>>) dst(%dma_wait3A_130 : memref<6248xf32, #tpu.memory_space<hbm>>)
        tpu.yield
      }) : () -> ()
    } else {
    }
    %eq3A_121 = arith.constant 15 : i32
    %eq3A_122 = arith.cmpi eq, %arg1, %eq3A_121 : i32
    %convert_element_type3A_123 = arith.extui %eq3A_122 : i1 to i32
    %cond3A_124 = arith.constant 0 : i32
    %cond3A_125 = arith.cmpi ne, %convert_element_type3A_123, %cond3A_124 : i32
    scf.if %cond3A_125 {
      "tpu.region"() ({
        %run_scoped3A = tpu.sem_alloc : memref<!tpu.dma_semaphore, #tpu.memory_space<semaphore_mem>>
        %dma_start3A_126 = tpu.memref_slice %arg10[%arg0, %mul3A_4] : memref<2x100000xf32, #tpu.memory_space<hbm>> -> memref<1x6280xf32, #tpu.memory_space<hbm>>
        %dma_start3A_127 = tpu.memref_squeeze %dma_start3A_126 : memref<1x6280xf32, #tpu.memory_space<hbm>> -> memref<6280xf32, #tpu.memory_space<hbm>>
        %dma_start3A_128 = tpu.memref_slice %arg30[%mul3A_4] : memref<100000xf32, #tpu.memory_space<vmem_shared>> -> memref<6280xf32, #tpu.memory_space<vmem_shared>>
        tpu.enqueue_dma source(%dma_start3A_128 : memref<6280xf32, #tpu.memory_space<vmem_shared>>) target(%dma_start3A_127 : memref<6280xf32, #tpu.memory_space<hbm>>) target_semaphore(%run_scoped3A : memref<!tpu.dma_semaphore, #tpu.memory_space<semaphore_mem>>)
        %dma_wait3A_129 = tpu.memref_slice %arg10[%arg0, %mul3A_4] : memref<2x100000xf32, #tpu.memory_space<hbm>> -> memref<1x6280xf32, #tpu.memory_space<hbm>>
        %dma_wait3A_130 = tpu.memref_squeeze %dma_wait3A_129 : memref<1x6280xf32, #tpu.memory_space<hbm>> -> memref<6280xf32, #tpu.memory_space<hbm>>
        %dma_wait3A_131 = tpu.memref_slice %arg30[%mul3A_4] : memref<100000xf32, #tpu.memory_space<vmem_shared>> -> memref<6280xf32, #tpu.memory_space<vmem_shared>>
        tpu.wait_dma2 semaphore(%run_scoped3A : memref<!tpu.dma_semaphore, #tpu.memory_space<semaphore_mem>>) src(%dma_wait3A_131 : memref<6280xf32, #tpu.memory_space<vmem_shared>>) dst(%dma_wait3A_130 : memref<6280xf32, #tpu.memory_space<hbm>>)
        tpu.yield
      }) : () -> ()
    } else {
    }
    return
  }
}

</mosaic_0001>

<sc_bundles>
// kernel: kernel.3.cloned.1.call-start
scs
__scs_entry_jumppad:
0x0: {  	(pc) =	sbr.rel $0x88, $3  }
0x1: {  	(tag) =	ssettag $0x0;
	lr =	simm.s32 $0x1  }
0x2: {  	[smem:$0x3F9D] =	sst lr;
	_ =	strace $0xD0000000  }
0x3: {  	_ = 	snop  }
0x4: {  	_ = 	snop  }
0x5: {  	_ = 	snop  }
0x6: {  	_ = 	snop  }
0x7: {  	_ = 	snop  }
__scs_overlays_trampoline_lowered:
0x8: {  	[smem:$0x3FAC] =	sst s0  }
0x9: {  	[smem:$0x3FAD] =	sst s1  }
0xa: {  	[smem:$0x3FAE] =	sst s2  }
0xb: {  	[smem:$0x3FAF] =	sst s3  }
0xc: {  	[smem:$0x3FB0] =	sst s4  }
0xd: {  	[smem:$0x3FB1] =	sst s5  }
0xe: {  	[smem:$0x3FB2] =	sst s6  }
0xf: {  	[smem:$0x3FB3] =	sst s7  }
0x10: {  	[smem:$0x3FB4] =	sst s8  }
0x11: {  	[smem:$0x3FB5] =	sst s9;
	s0 =	simm.s32 @!p0 $0x0  }
0x12: {  	s1 =	sld [smem:$0x3F9B];
	s0 =	simm.s32 @p0 $0x1  }
0x13: {  	[smem:$0x3FB6] =	sst s0;
	s0 =	simm.s32 @!p1 $0x0  }
0x14: {  	s2 =	sld [smem:$0x3F9A];
	s0 =	simm.s32 @p1 $0x1  }
0x15: {  	[smem:$0x3FB7] =	sst s0;
	s0 =	simm.s32 @!p2 $0x0  }
0x16: {  	s3 =	sld [smem:$0x3FDB];
	s0 =	simm.s32 @p2 $0x1  }
0x17: {  	s4 =	simm.s32 $0x1BF5;
	[smem:$0x3FB9] =	sst s0  }
0x18: {  	s0 =	sld [smem:$0x3F9C];
	_ =	swait.ge [sflag:s4], $0x0  }
0x19: {  	s7 =	sld [smem:$0x3F9D]  }
0x1a: {  	s8 =	sadd.s32 $0xFFFFE003, lr  }
0x1b: {  	s9 =	sadd.s32 $0xFFFFFEF7, lr;
	s5 =	simm.s32 $0xFFFFFFFF;
	p2 =	slt.u32 s8, $0xFFFFF086  }
0x1c: {  	p1 =	slt.u32 s9, $0xF7A;
	s5 =	simm.s32 @!p2 $0x0  }
0x1d: {  	s5 =	simm.s32 @p1 $0x1;
	p0 =	seq.s32 s7, s2  }
0x1e: {  	s7 =	smul.u32 @!p0 $0xF7A, s2;
	p2 =	seq.s32 @!p0 s5, $0x0  }
0x1f: {  	s9 =	smul.u32 $0xF7A, s1;
	s8 =	simm.s32 @!p0 $0x1BF5;
	p2 =	por !p2, p0  }
0x20: {  	[sflag:s8] =	ssyncset.s32 @!p0 $0xFFFFF086;
	s6 =	sadd.s32 @!p0 s3, s7;
	s7 =	simm.s32 @!p0 $0x108  }
0x21: {  	s3 =	sadd.s32 s3, s9;
	s6 =	sadd.s32 @!p0 $0x88, s6;
	s7 =	simm.s32 @p2 $0x1082  }
0x22: {  	[simem:s7], [sflag:s8] =	dma.local @!p0 [hbm:s6], $0xF7A  }
0x23: {  	s9 =	sor.u32 $0xD0000000, s2;
	s6 =	simm.s32 $0x108;
	_ =	swait.ge @!p0 [sflag:s8], $0x0  }
0x24: {  	s3 =	sadd.s32 $0x88, s3;
	s6 =	simm.s32 @!p1 $0x1082;
	[sflag:s4] =	ssyncset.s32 $0xFFFFF086  }
0x25: {  	[simem:s6], [sflag:s4] =	dma.local [hbm:s3], $0xF7A  }
0x26: {  	[smem:$0x3F9D] =	sst s1;
	(tag) =	ssettag s2;
	_ =	strace s9  }
0x27: {  	s1 =	sld [smem:$0x3FAD]  }
0x28: {  	s2 =	sld [smem:$0x3FAE]  }
0x29: {  	s4 =	sld [smem:$0x3FB0]  }
0x2a: {  	p0 =	seq.s32 s5, $0x0;
	s5 =	sld [smem:$0x3FB1]  }
0x2b: {  	s6 =	sld [smem:$0x3FB2]  }
0x2c: {  	s7 =	sld [smem:$0x3FB3]  }
0x2d: {  	s3 =	simm.s32 $0x108;
	s8 =	sld [smem:$0x3FB4]  }
0x2e: {  	s3 =	simm.s32 @!p0 $0x1082;
	s9 =	sld [smem:$0x3FB5]  }
0x2f: {  	lr =	sadd.s32 s0, s3;
	s0 =	sld [smem:$0x3FAC]  }
0x30: {  	s3 =	sld [smem:$0x3FAF]  }
0x31: {  	[smem:$0x3FB8] =	sst s10  }
0x32: {  	s10 =	sld [smem:$0x3FB6];
	_ =	sdelay $0x3  }
0x33: {  	p0 =	seq.s32 s10, $0x1;
	s10 =	sld [smem:$0x3FB8];
	_ =	sdelay $0x3  }
0x34: {  	[smem:$0x3FB8] =	sst s10  }
0x35: {  	s10 =	sld [smem:$0x3FB7];
	_ =	sdelay $0x3  }
0x36: {  	p1 =	seq.s32 s10, $0x1;
	s10 =	sld [smem:$0x3FB8];
	_ =	sdelay $0x3  }
0x37: {  	[smem:$0x3FB8] =	sst s10  }
0x38: {  	s10 =	sld [smem:$0x3FB9]  }
0x39: {  	_ = 	snop;
	(pc) =	sbr.ind lr, $3  }
0x3a: {  	_ = 	snop  }
0x3b: {  	_ = 	snop  }
0x3c: {  	p2 =	seq.s32 s10, $0x1;
	s10 =	sld [smem:$0x3FB8]  }
0x3d: {  	_ =	shalt  }
0x3e: {  	_ =	shalt  }
0x3f: {  	_ =	shalt  }
0x40: {  	_ =	shalt  }
0x41: {  	_ =	shalt  }
0x42: {  	_ =	shalt  }
0x43: {  	_ =	shalt  }
0x44: {  	_ =	shalt  }
0x45: {  	_ =	shalt  }
0x46: {  	_ =	shalt  }
0x47: {  	_ =	shalt  }
0x48: {  	_ =	shalt  }
0x49: {  	_ =	shalt  }
0x4a: {  	_ =	shalt  }
0x4b: {  	_ =	shalt  }
0x4c: {  	_ =	shalt  }
0x4d: {  	_ =	shalt  }
0x4e: {  	_ =	shalt  }
0x4f: {  	_ =	shalt  }
0x50: {  	_ =	shalt  }
0x51: {  	_ =	shalt  }
0x52: {  	_ =	shalt  }
0x53: {  	_ =	shalt  }
0x54: {  	_ =	shalt  }
0x55: {  	_ =	shalt  }
0x56: {  	_ =	shalt  }
0x57: {  	_ =	shalt  }
0x58: {  	_ =	shalt  }
0x59: {  	_ =	shalt  }
0x5a: {  	_ =	shalt  }
0x5b: {  	_ =	shalt  }
0x5c: {  	_ =	shalt  }
0x5d: {  	_ =	shalt  }
0x5e: {  	_ =	shalt  }
0x5f: {  	_ =	shalt  }
0x60: {  	_ =	shalt  }
0x61: {  	_ =	shalt  }
0x62: {  	_ =	shalt  }
0x63: {  	_ =	shalt  }
0x64: {  	_ =	shalt  }
0x65: {  	_ =	shalt  }
0x66: {  	_ =	shalt  }
0x67: {  	_ =	shalt  }
0x68: {  	_ =	shalt  }
0x69: {  	_ =	shalt  }
0x6a: {  	_ =	shalt  }
0x6b: {  	_ =	shalt  }
0x6c: {  	_ =	shalt  }
0x6d: {  	_ =	shalt  }
0x6e: {  	_ =	shalt  }
0x6f: {  	_ =	shalt  }
0x70: {  	_ =	shalt  }
0x71: {  	_ =	shalt  }
0x72: {  	_ =	shalt  }
0x73: {  	_ =	shalt  }
0x74: {  	_ =	shalt  }
0x75: {  	_ =	shalt  }
0x76: {  	_ =	shalt  }
0x77: {  	_ =	shalt  }
0x78: {  	_ =	shalt  }
0x79: {  	_ =	shalt  }
0x7a: {  	_ =	shalt  }
0x7b: {  	_ =	shalt  }
0x7c: {  	_ =	shalt  }
0x7d: {  	_ =	shalt  }
0x7e: {  	_ =	shalt  }
0x7f: {  	_ =	shalt  }
0x80: {  	_ =	shalt  }
0x81: {  	_ =	shalt  }
0x82: {  	_ =	shalt  }
0x83: {  	_ =	shalt  }
0x84: {  	_ =	shalt  }
0x85: {  	_ =	shalt  }
0x86: {  	_ =	shalt  }
0x87: {  	_ =	shalt  }
.Lfunc_end0:
.L_simem_size_0:
called_computation_lowered:
.L_overlay_start_0:
0x88: {  	s2 =	sld [smem:$0x3FD9]  }
0x89: {  	s3 =	sld [smem:$0x3FFE];
	_ =	sdelay $0x1  }
0x8a: {  	s1 =	srdreg.scid  }
0x8b: {  	s0 =	sand.u32 $0x1, s1  }
0x8c: {  	s17 =	sshll.u32 s0, $0xA;
	s2 =	sadd.s32 s3, s2  }
0x8d: {  	s2 =	sadd.s32 s2, s17  }
0x8e: {  	[smem:$0x3FC4] =	sst s2  }
0x8f: {  	_ = 	snop  }
0x90: {  	s2 =	sld [smem:$0x3FC7]  }
0x91: {  	s18 =	sld [smem:$0x3FC6]  }
0x92: {  	s4 =	sld [smem:$0x3FD0];
	(tm) =	ssettm $0x1  }
0x93: {  	s5 =	sld [smem:$0x3FFB];
	_ =	sdelay $0x3  }
0x94: {  	_ =	strace s5  }
0x95: {  	s5 =	sld [smem:$0x3FFC];
	_ =	sdelay $0x3  }
0x96: {  	_ =	strace s5  }
0x97: {  	s5 =	sld [smem:$0x3FFD];
	_ =	sdelay $0x3  }
0x98: {  	_ =	strace s5  }
0x99: {  	_ =	strace $0x8FFFFFFF  }
0x9a: {  	s19 =	sld [smem:$0x3FDB];
	_ =	sdelay $0x1  }
0x9b: {  	s6 =	simm.s32 $_scs_section_size  }
0x9c: {  	s7 =	simm.s32 $_size__tile_overlayer_lowered;
	s8 =	simm.s32 $_tile_overlayer_lowered  }
0x9d: {  	s22 =	simm.s32 $0x1BFF;
	s21 =	sshll.u32 s8, $0x1;
	s5 =	sadd.s32 s6, s19  }
0x9e: {  	s9 =	simm.s32 $0x0;
	s20 =	sshll.u32 s7, $0x1;
	s7 =	sadd.s32 s21, s5  }
0x9f: {  	[timem:s9], [sflag:s22] =	dma.local [hbm:s7], s20  }
0xa0: {  	_ =	swait.ge [sflag:s22], s20  }
0xa1: {  	s6 =	ssub.s32 $0x0, s20;
	[sflag:s22] =	ssyncset.done $0x0  }
0xa2: {  	[sflag:s22] =	ssyncadd.s32 s6;
	_ =	sdelay $0x1  }
0xa3: {  	s23 =	simm.s32 $0x1B8B  }
0xa4: {  	_ =	swait.ge [sflag:s23], $0x1  }
0xa5: {  	[sflag:s23] =	ssyncset.done $0x0  }
0xa6: {  	s25 =	simm.s32 $0x1B8E;
	s24 =	sld [smem:$0x3FFE];
	[sflag:s23] =	ssyncadd.s32 $0xFFFFFFFF  }
0xa7: {  	s26 =	simm.s32 $execute0_lowered;
	[smem:$0x3FD2] =	sst s25  }
0xa8: {  	s7 =	sshll.u32 s26, $0x1;
	_ =	strace $0x80000046;
	[dreg:$0x1] =	wrdreg $0xFFFFFFFF  }
0xa9: {  	s28 =	simm.s32 $_size_execute0_lowered;
	s5 =	sadd.s32 s5, s7;
	[dreg:$0x0] =	wrdreg $0x0  }
0xaa: {  	s7 =	sshll.u32 s28, $0x1;
	[dreg:$0x2] =	wrdreg s5  }
0xab: {  	[dreg:$0x3] =	wrdreg s7  }
0xac: {  	[dreg:$0x4] =	wrdreg $0xC0  }
0xad: {  	_ =	task [dreg:s9], $0x5FFFF  }
0xae: {  	[dreg:$0x1] =	wrdreg $0xFFFFFFFF  }
0xaf: {  	[dreg:$0x0] =	wrdreg $0x60  }
0xb0: {  	[dreg:$0x2] =	wrdreg s4  }
0xb1: {  	[dreg:$0x3] =	wrdreg s24  }
0xb2: {  	[dreg:$0x4] =	wrdreg s2  }
0xb3: {  	[dreg:$0x5] =	wrdreg s18  }
0xb4: {  	[dreg:$0x6] =	wrdreg $0x117C00  }
0xb5: {  	[dreg:$0x7] =	wrdreg $0x3C000  }
0xb6: {  	[dreg:$0x8] =	wrdreg $0xFF500  }
0xb7: {  	[dreg:$0x9] =	wrdreg $0x9  }
0xb8: {  	_ =	task.clear_ibuf [dreg:s9], $0xAFFFF;
	_ =	strace $0x90000046  }
0xb9: {  	s29 =	simm.s32 $0x9;
	_ =	strace $0x80000048  }
0xba: {  	_ =	swait.ge [sflag:s29], $0x1  }
0xbb: {  	[sflag:s29] =	ssyncadd.s32 $0xFFFFFFFF  }
0xbc: {  	_ =	strace $0x90000048  }
0xbd: {  	_ =	sfence  }
0xbe: {  	s30 =	sld [smem:$0x0];
	_ =	sdelay $0x2  }
0xbf: {  	s31 =	sshll.u32 s1, $0xD;
	s1 =	sshrl.u32 s1, $0x2  }
0xc0: {  	s3 =	sand.u32 $0x4000, s31;
	s1 =	sadd.s32 s1, s30  }
0xc1: {  	s0 =	sor.u32 s3, s0;
	s1 =	sshll.u32 s1, $0x11  }
0xc2: {  	s0 =	sor.u32 s1, s0  }
0xc3: {  	s0 =	sadd.s32 $0x8F2B, s0  }
0xc4: {  	[sflag:s0] =	ssyncadd.remote.s32 $0x1  }
0xc5: {  	_ =	sfence.sel $0xFFFF  }
0xc6: {  	[dreg:$0x0] =	wrdreg $0xFFFFFFFF;
	(pc) =	sbr.abs _section_cstart, $3  }
0xc7: {  	[dreg:$0x1] =	wrdreg $0xFFFFFFFF  }
0xc8: {  	_ =	task.clear_ibuf [dreg:s9], $0x2FFFF;
	_ =	strace $0x9FFFFFFF  }
0xc9: {  	(tm) =	ssettm $0x7FFFFFFF  }
tec
execute0_lowered:
.L_overlay_start_1:
0x0: {  	(tag) =	ssettag $0x1  }
0x1: {  	s0 =	rddreg [dreg:$0x0]  }
0x2: {  	s1 =	rddreg [dreg:$0x1]  }
0x3: {  	s20 =	rddreg [dreg:$0x2]  }
0x4: {  	s21 =	rddreg [dreg:$0x3]  }
0x5: {  	s4 =	rddreg [dreg:$0x4]  }
0x6: {  	s5 =	rddreg [dreg:$0x5]  }
0x7: {  	s6 =	rddreg [dreg:$0x6];
	s22 =	stileid.u32  }
0x8: {  	s2 =	srdreg.scid;
	s7 =	simm.s32 $0x0;
	s28 =	simm.s32 $0x2A00  }
0x9: {  	s31 =	simm.s32 $0x3;
	s3 =	smul.u32 $0xC350, s22;
	s2 =	sand.u32 $0x1, s2  }
0xa: {  	[smem:$0x7FF] =	sst s7;
	s8 =	sadd.s32 $0x62600, s1;
	s11 =	smul.u32 $0x1868, s22  }
0xb: {  	s9 =	sadd.s32 $0xA00, s1;
	s16 =	sadd.s32 $0xDFC00, s1;
	s18 =	sshll.u32 s22, $0x1  }
0xc: {  	s25 =	sshll.u32 s22, $0x6;
	p0 =	slt.u32 s22, $0xA;
	s10 =	smul.u32 $0xC3500, s2  }
0xd: {  	_ =	strace $0x80000047;
	s15 =	ssub.s32 $0x2, s2;
	s24 =	sor.u32 s2, s18  }
0xe: {  	s2 =	smul.u32 $0x186A0, s2;
	s12 =	sshrl.u32 s3, $0x3;
	s14 =	sshrl.u32 s11, $0x3  }
0xf: {  	s17 =	sshrl.u32 s15, $0x1;
	s19 =	sadd.s32 s3, s4;
	s26 =	sadd.s32 s3, s5  }
0x10: {  	s30 =	smul.u32 $0x186, s24;
	s18 =	smin.u32 s24, $0x14;
	s10 =	sadd.s32 s3, s10  }
0x11: {  	s13 =	sadd.s32 s12, s1;
	s14 =	sadd.s32 s14, s1;
	s15 =	ssub.s32 s15, s17  }
0x12: {  	s0 =	sadd.s32 s0, s12;
	s12 =	sor.u32 $0x1C07, s25;
	[dreg:$0xa] =	wrdreg s26  }
0x13: {  	s24 =	sadd.s32 s11, s2;
	s2 =	sadd.s32 $0x16E18, s2;
	[dreg:$0x8] =	wrdreg s0  }
0x14: {  	s10 =	sshrl.u32 s10, $0x3;
	s29 =	sadd.s32 $0xC7400, s13;
	[dreg:$0x9] =	wrdreg s12  }
0x15: {  	s13 =	sadd.s32 s11, s6;
	s23 =	sadd.s32 $0xC4200, s14;
	[dreg:$0xb] =	wrdreg s29  }
0x16: {  	s0 =	sadd.s32 s18, s30;
	s3 =	sshrl.u32 s24, $0x3;
	[dreg:$0xc] =	wrdreg s13  }
0x17: {  	s2 =	sshrl.u32 s2, $0x3;
	[dreg:$0xd] =	wrdreg s23;
	s3 =	sadd.s32 s16, s3  }
0x18: {  	s11 =	simm.s32 $0x7;
	s2 =	sadd.s32 s16, s2;
	[dreg:$0xf] =	wrdreg s3  }
0x19: {  	s10 =	sadd.s32 s10, s1;
	s1 =	sadd.s32 $0xC6FC3, s1;
	[dreg:$0x10] =	wrdreg s2  }
0x1a: {  	v0 =	vlaneseq.u32;
	s13 =	simm.s32 $0x187;
	s23 =	sadd.s32 $0x2, s0;
	[dreg:$0x11] =	wrdreg s1  }
0x1b: {  	v1 =	vshrl.u32 v0, $0x3;
	s25 =	sshll.u32 s0, $0x5;
	s0 =	sadd.s32 $0x3, s0;
	[dreg:$0x1a] =	wrdreg s23  }
0x1c: {  	v9 =	vand.u32 $0x7, v0;
	v0 =	vor.u32 $0xA, v1;
	[tilespmem:$0x1FFB0] =	vst v1;
	s26 =	sadd.s32 $0x20, s25;
	s30 =	sadd.s32 s8, s25;
	[dreg:$0x1b] =	wrdreg s0  }
0x1d: {  	v2 =	vor.u32 $0x2, v1;
	[tilespmem:$0x1FF00] =	vst v0;
	s13 =	simm.s32 @!p0 $0x186;
	s3 =	sadd.s32 s9, s25;
	[dreg:$0x12] =	wrdreg s30  }
0x1e: {  	v3 =	vor.u32 $0x4, v1;
	[tilespmem:$0x1FFC0] =	vst v2;
	s14 =	sadd.s32 s20, s25;
	s16 =	sadd.s32 s21, s25;
	[dreg:$0x13] =	wrdreg s3  }
0x1f: {  	v5 =	vor.u32 $0x6, v1;
	[tilespmem:$0x1FFD0] =	vst v3;
	s24 =	sadd.s32 $0xE5E00, s10;
	s25 =	smax.u32 s15, $0x1;
	[dreg:$0x14] =	wrdreg s14  }
0x20: {  	v4 =	vor.u32 $0x8, v1;
	[tilespmem:$0x1FFE0] =	vst v5;
	p0 =	seq.s32 s22, $0xF;
	s22 =	simm.s32 $0x1;
	[dreg:$0x15] =	wrdreg s16  }
0x21: {  	v30 =	vmul.u32 $0x8, v1;
	v0 =	vor.u32 $0xC, v1;
	[tilespmem:$0x1FFF0] =	vst v4;
	s23 =	simm.s32 $0x400;
	s0 =	simm.s32 $0x1400;
	[dreg:$0x1c] =	wrdreg s24  }
0x22: {  	[tilespmem:$0x1FF10] =	vst v0;
	s15 =	simm.s32 $0x3200;
	s29 =	sand.u32 $0x1FFFFFE0, s26;
	[dreg:$0x1d] =	wrdreg s25  }
0x23: {  	v0 =	vor.u32 $0xE, v1;
	[tilespmem:$0x1FF30] =	vst v30;
	s26 =	sshrl.u32 s19, $0x3;
	[dreg:$0xe] =	wrdreg s13;
	s30 =	sadd.s32 $0xFFFFFFFF, s13  }
0x24: {  	v58 =	vor.u32 $0x70, v30;
	[tilespmem:$0x1FF20] =	vst v0;
	s14 =	simm.s32 $0x100;
	s19 =	simm.s32 $0x1F00;
	[dreg:$0x1e] =	wrdreg s26  }
0x25: {  	v54 =	vor.u32 $0x60, v30;
	[tilespmem:$0x1FF40] =	vst v58;
	s24 =	simm.s32 $0xC00;
	s17 =	sadd.s32 s8, s29;
	[smem:$0x7FD] =	sst s30  }
0x26: {  	v52 =	vor.u32 $0x50, v30;
	[tilespmem:$0x1FF50] =	vst v54;
	s25 =	simm.s32 $0x2;
	s18 =	sadd.s32 s9, s29;
	[dreg:$0x16] =	wrdreg s17  }
0x27: {  	v32 =	vor.u32 $0x40, v30;
	[tilespmem:$0x1FF60] =	vst v52;
	s3 =	simm.s32 $0x80;
	s20 =	sadd.s32 s20, s29;
	[dreg:$0x17] =	wrdreg s18  }
0x28: {  	v51 =	vor.u32 $0x30, v30;
	[tilespmem:$0x1FF70] =	vst v32;
	s13 =	simm.s32 $0x4;
	s1 =	sadd.s32 s21, s29;
	[dreg:$0x18] =	wrdreg s20  }
0x29: {  	v61 =	vor.u32 $0x20, v30;
	[tilespmem:$0x1FF80] =	vst v51;
	s16 =	simm.s32 $0x0;
	s29 =	sadd.s32 $0x16E18, s6;
	[dreg:$0x19] =	wrdreg s1  }
0x2a: {  	v59 =	vor.u32 $0x10, v30;
	[tilespmem:$0x1FF90] =	vst v61;
	s26 =	simm.s32 $0x2200;
	s21 =	simm.s32 $0x5;
	[dreg:$0x1f] =	wrdreg s29  }
0x2b: {  	[tilespmem:$0x1FFA0] =	vst v59;
	s18 =	simm.s32 $0x1E00;
	s20 =	simm.s32 $0x3A80;
	s1 =	simm.s32 $0x6  }
.LBB2_1:
0x2c: {  	[smem:$0x7F9] =	sst s16  }
0x2d: {  	s2 =	rddreg [dreg:$0x8]  }
0x2e: {  	s10 =	rddreg [dreg:$0x1e]  }
0x2f: {  	[spmem:s10], [sflag:s12] =	dma.local [hbm:s2], $0x186A  }
0x30: {  	_ =	swait.ge [sflag:s11], $0x186A  }
0x31: {  	s17 =	rddreg [dreg:$0xa]  }
0x32: {  	[sflag:s11] =	ssyncset.done $0x0;
	s30 =	rddreg [dreg:$0xb];
	s29 =	sshrl.u32 s17, $0x3  }
0x33: {  	[sflag:s11] =	ssyncadd.s32 $0xFFFFE796;
	[smem:$0x7FA] =	sst s29  }
0x34: {  	[spmem:s29], [sflag:s12] =	dma.local [hbm:s30], $0x186A  }
0x35: {  	_ =	swait.ge [sflag:s11], $0x186A  }
0x36: {  	s2 =	rddreg [dreg:$0x1f]  }
0x37: {  	[sflag:s11] =	ssyncset.done $0x0;
	s10 =	sshrl.u32 @p0 s2, $0x3;
	s2 =	rddreg [dreg:$0x11]  }
0x38: {  	[sflag:s11] =	ssyncadd.s32 $0xFFFFE796;
	[smem:$0x7FB] =	sst s10  }
0x39: {  	[spmem:s10], [sflag:s12] =	dma.local @p0 [hbm:s2], $0x311  }
0x3a: {  	s2 =	simm.s32 @p0 $0x7  }
0x3b: {  	_ =	swait.ge @p0 [sflag:s2], $0x311  }
0x3c: {  	[sflag:s2] =	ssyncset.done @p0 $0x0  }
0x3d: {  	[sflag:s2] =	ssyncadd.s32 @p0 $0xFFFFFCEF;
	s2 =	rddreg [dreg:$0xc]  }
0x3e: {  	s10 =	sshrl.u32 @!p0 s2, $0x3;
	s2 =	rddreg [dreg:$0xd]  }
0x3f: {  	[smem:$0x7FC] =	sst s10  }
0x40: {  	[spmem:s10], [sflag:s12] =	dma.local @!p0 [hbm:s2], $0x30D  }
0x41: {  	s2 =	simm.s32 @!p0 $0x7  }
0x42: {  	_ =	swait.ge @!p0 [sflag:s2], $0x30D  }
0x43: {  	[sflag:s2] =	ssyncset.done @!p0 $0x0  }
0x44: {  	[sflag:s2] =	ssyncadd.s32 @!p0 $0xFFFFFCF3  }
0x45: {  	[bflag:$0x0] =	sbarrier.arrive $0xFFFF  }
0x46: {  	s11 =	rddreg [dreg:$0x12]  }
0x47: {  	[tilespmem:s7], [sflag:$0x1] =	stream.linear.gather [hbm4b:s11+s7], $0x100, $0x38;
	[tilespmem:$0x1DB10] =	vst v63  }
0x48: {  	s12 =	rddreg [dreg:$0x13]  }
0x49: {  	[tilespmem:s14], [sflag:$0x1] =	stream.linear.gather [hbm4b:s12+s7], $0x100, $0x38;
	[tilespmem:$0x1DB10] =	vst v63  }
0x4a: {  	s17 =	simm.s32 $0x200;
	s16 =	rddreg [dreg:$0x14]  }
0x4b: {  	[tilespmem:s17], [sflag:$0x1] =	stream.linear.gather [hbm4b:s16+s7], $0x100, $0x38;
	[tilespmem:$0x1DB10] =	vst v63  }
0x4c: {  	s30 =	simm.s32 $0x300;
	s29 =	rddreg [dreg:$0x15]  }
0x4d: {  	[tilespmem:s30], [sflag:$0x1] =	stream.linear.gather [hbm4b:s29+s7], $0x100, $0x38;
	[tilespmem:$0x1DB10] =	vst v63  }
0x4e: {  	s11 =	rddreg [dreg:$0x16]  }
0x4f: {  	[tilespmem:s18], [sflag:$0x2] =	stream.linear.gather [hbm4b:s11+s7], $0x100, $0x38;
	[tilespmem:$0x1DB10] =	vst v63  }
0x50: {  	s12 =	rddreg [dreg:$0x17]  }
0x51: {  	[tilespmem:s19], [sflag:$0x2] =	stream.linear.gather [hbm4b:s12+s7], $0x100, $0x38;
	[tilespmem:$0x1DB10] =	vst v63  }
0x52: {  	s16 =	rddreg [dreg:$0x18];
	s17 =	simm.s32 $0x2000  }
0x53: {  	[tilespmem:s17], [sflag:$0x2] =	stream.linear.gather [hbm4b:s16+s7], $0x100, $0x38;
	[tilespmem:$0x1DB10] =	vst v63  }
0x54: {  	s2 =	simm.s32 $0x0;
	s29 =	rddreg [dreg:$0x19];
	s30 =	simm.s32 $0x2100  }
0x55: {  	[tilespmem:s30], [sflag:$0x2] =	stream.linear.gather [hbm4b:s29+s7], $0x100, $0x38;
	[tilespmem:$0x1DB10] =	vst v63  }
.LBB2_2:
0x56: {  	_ =	swait.ge [sflag:s22], $0x100  }
0x57: {  	[sflag:s22] =	ssyncset.done $0x0  }
0x58: {  	[sflag:s22] =	ssyncadd.s32 $0xFFFFFF00  }
0x59: {  	_ =	swait.ge [sflag:s22], $0x100  }
0x5a: {  	[sflag:s22] =	ssyncset.done $0x0  }
0x5b: {  	[sflag:s22] =	ssyncadd.s32 $0xFFFFFF00  }
0x5c: {  	_ =	swait.ge [sflag:s22], $0x100  }
0x5d: {  	[sflag:s22] =	ssyncset.done $0x0  }
0x5e: {  	[sflag:s22] =	ssyncadd.s32 $0xFFFFFF00  }
0x5f: {  	_ =	swait.ge [sflag:s22], $0x100  }
0x60: {  	[sflag:s22] =	ssyncset.done $0x0  }
0x61: {  	s12 =	simm.s32 $0x0;
	[sflag:s22] =	ssyncadd.s32 $0xFFFFFF00  }
0x62: {  	[tilespmem:s23], [sflag:$0x3] =	stream.indirect.gather [spmem:s4], $0x8, s12, s14, $0xb8;
	[tilespmem:$0x1DB10] =	vst v63  }
0x63: {  	_ = 	snop  }
0x64: {  	[tilespmem:s24], [sflag:$0x3] =	stream.indirect.gather [spmem:s4], $0x8, s14, s14, $0xb8;
	[tilespmem:$0x1DB10] =	vst v63  }
0x65: {  	_ =	swait.ge [sflag:s25], $0x100  }
0x66: {  	[sflag:s25] =	ssyncset.done $0x0  }
0x67: {  	[sflag:s25] =	ssyncadd.s32 $0xFFFFFF00  }
0x68: {  	_ =	swait.ge [sflag:s25], $0x100  }
0x69: {  	[sflag:s25] =	ssyncset.done $0x0  }
0x6a: {  	[sflag:s25] =	ssyncadd.s32 $0xFFFFFF00  }
0x6b: {  	_ =	swait.ge [sflag:s25], $0x100  }
0x6c: {  	[sflag:s25] =	ssyncset.done $0x0  }
0x6d: {  	[sflag:s25] =	ssyncadd.s32 $0xFFFFFF00  }
0x6e: {  	_ =	swait.ge [sflag:s25], $0x100  }
0x6f: {  	[sflag:s25] =	ssyncset.done $0x0  }
0x70: {  	[sflag:s25] =	ssyncadd.s32 $0xFFFFFF00  }
0x71: {  	[tilespmem:s26], [sflag:$0x4] =	stream.indirect.gather [spmem:s4], $0x8, s18, s14, $0xb8;
	[tilespmem:$0x1DB10] =	vst v63  }
0x72: {  	s16 =	simm.s32 $0x30  }
0x73: {  	v0 =	vmov s16;
	[tilespmem:s28], [sflag:$0x4] =	stream.indirect.gather [spmem:s4], $0x8, s19, s14, $0xb8;
	[tilespmem:$0x1DB10] =	vst v63  }
0x74: {  	v0 =	vshll.u32 v0, $0x3;
	_ =	swait.ge [sflag:s31], $0x800  }
0x75: {  	v39 =	vmov v1;
	v1 =	vor.u32 v30, v0;
	[sflag:s31] =	ssyncset.done $0x0  }
0x76: {  	v1 =	vor.u32 v9, v1;
	[sflag:s31] =	ssyncadd.s32 $0xFFFFF800  }
0x77: {  	v2 =	vor.u32 v59, v0;
	_ =	swait.ge [sflag:s31], $0x800  }
0x78: {  	v8 =	vor.u32 v9, v2;
	[sflag:s31] =	ssyncset.done $0x0  }
0x79: {  	s29 =	simm.s32 $0x320;
	v2 =	vor.u32 v61, v0;
	[sflag:s31] =	ssyncadd.s32 $0xFFFFF800  }
0x7a: {  	v17 =	vmov v3;
	v21 =	vor.u32 v9, v2;
	v3 =	vld [tilespmem:s29+$0x10]  }
0x7b: {  	v14 =	vmov v4;
	v4 =	vor.u32 v51, v0;
	v2 =	vld.idx.msk [tilespmem:v1+s23+$0x0], $0xffff  }
0x7c: {  	v23 =	vor.u32 v9, v4;
	v5 =	vld.idx.msk [tilespmem:v1+s24+$0x0], $0xffff  }
0x7d: {  	v4 =	vor.u32 v32, v0;
	v25 =	vld.idx.msk [tilespmem:v8+s23+$0x0], $0xffff  }
0x7e: {  	v18 =	vor.u32 v9, v4;
	v28 =	vld.idx.msk [tilespmem:v8+s24+$0x0], $0xffff  }
0x7f: {  	v4 =	vor.u32 v52, v0;
	v13 =	vld.idx.msk [tilespmem:v21+s23+$0x0], $0xffff  }
0x80: {  	v20 =	vor.u32 v9, v4;
	v30 =	vld.idx.msk [tilespmem:v21+s24+$0x0], $0xffff  }
0x81: {  	v32 =	vld.idx.msk [tilespmem:v23+s23+$0x0], $0xffff  }
0x82: {  	v4 =	vor.u32 v54, v0;
	v35 =	vld.idx.msk [tilespmem:v23+s24+$0x0], $0xffff  }
0x83: {  	s11 =	simm.s32 $0x10;
	v0 =	vor.u32 v58, v0;
	v19 =	vor.u32 v9, v4;
	v37 =	vld.idx.msk [tilespmem:v18+s23+$0x0], $0xffff  }
0x84: {  	v27 =	vor.u32 v9, v0;
	v0 =	vmov s11;
	v15 =	vld.idx.msk [tilespmem:v18+s24+$0x0], $0xffff  }
0x85: {  	v0 =	vshll.u32 v0, $0x3;
	v40 =	vld.idx.msk [tilespmem:v20+s23+$0x0], $0xffff  }
0x86: {  	v10 =	vor.u32 v59, v0;
	v41 =	vld.idx.msk [tilespmem:v20+s24+$0x0], $0xffff  }
0x87: {  	v22 =	vor.u32 v9, v10;
	v10 =	vld [tilespmem:s29+$0xFFFFFFE0]  }
0x88: {  	v42 =	vld.idx.msk [tilespmem:v19+s23+$0x0], $0xffff  }
0x89: {  	v43 =	vld.idx.msk [tilespmem:v19+s24+$0x0], $0xffff  }
0x8a: {  	v44 =	vld.idx.msk [tilespmem:v27+s23+$0x0], $0xffff  }
0x8b: {  	s16 =	sshll.u32 s2, $0x1;
	s10 =	rddreg [dreg:$0xe];
	v45 =	vld.idx.msk [tilespmem:v27+s24+$0x0], $0xffff  }
0x8c: {  	s30 =	simm.f32 $1.000000000e+00;
	p1 =	slt.u32 s16, s10;
	[tilespmem:$0x1FD10] =	vst v10;
	v10 =	vld [tilespmem:$0x1FF30]  }
0x8d: {  	s30 =	simm.s32 @!p1 $0x0  }
0x8e: {  	v16 =	vmov s30;
	s30 =	simm.s32 $0x20  }
0x8f: {  	v6 =	vmov s30  }
0x90: {  	v6 =	vshll.u32 v6, $0x3  }
0x91: {  	v48 =	vor.u32 v10, v6;
	v10 =	vld [tilespmem:s29+$0xFFFFFFF0];
	_ =	sdelay $0x4  }
0x92: {  	[tilespmem:$0x1FD20] =	vst v10;
	v10 =	vld [tilespmem:$0x1FF80];
	_ =	sdelay $0x4  }
0x93: {  	v52 =	vor.u32 v10, v6;
	v10 =	vld [tilespmem:$0x1FF70];
	_ =	sdelay $0x4  }
0x94: {  	v53 =	vor.u32 v10, v6;
	v10 =	vld [tilespmem:s29+$0x0];
	_ =	sdelay $0x3  }
0x95: {  	v7 =	vld [tilespmem:$0x1FF30]  }
0x96: {  	[tilespmem:$0x1FD30] =	vst v10;
	v10 =	vld [tilespmem:$0x1FF60];
	_ =	sdelay $0x3  }
0x97: {  	v7 =	vor.u32 v7, v0  }
0x98: {  	v26 =	vor.u32 v9, v7;
	v55 =	vor.u32 v10, v6;
	v10 =	vld [tilespmem:$0x1FF30];
	_ =	sdelay $0x2  }
0x99: {  	v4 =	vmov s12  }
0x9a: {  	v4 =	vshll.u32 v4, $0x3  }
0x9b: {  	v49 =	vor.u32 v59, v6;
	v57 =	vor.u32 v10, v4;
	v10 =	vld.idx.msk [tilespmem:v26+s23+$0x0], $0xffff  }
0x9c: {  	v50 =	vor.u32 v61, v6;
	v56 =	vor.u32 v54, v6;
	v59 =	vor.u32 v58, v6;
	v6 =	vld [tilespmem:$0x1FFA0];
	_ =	sdelay $0x3  }
0x9d: {  	[tilespmem:$0x1FD40] =	vst v10  }
0x9e: {  	v60 =	vor.u32 v6, v4;
	v6 =	vld.idx.msk [tilespmem:v26+s24+$0x0], $0xffff;
	_ =	sdelay $0x4  }
0x9f: {  	[tilespmem:$0x1FD50] =	vst v6;
	v6 =	vld [tilespmem:$0x1FF90];
	_ =	sdelay $0x4  }
0xa0: {  	v62 =	vor.u32 v6, v4;
	v6 =	vld [tilespmem:$0x1FF80];
	_ =	sdelay $0x4  }
0xa1: {  	v63 =	vor.u32 v6, v4;
	v6 =	vld [tilespmem:$0x1FF70];
	_ =	sdelay $0x4  }
0xa2: {  	v24 =	vor.u32 v6, v4;
	v6 =	vld.idx.msk [tilespmem:v22+s23+$0x0], $0xffff;
	_ =	sdelay $0x4  }
0xa3: {  	[tilespmem:$0x1FD60] =	vst v6;
	v6 =	vld [tilespmem:$0x1FF60];
	_ =	sdelay $0x4  }
0xa4: {  	v29 =	vor.u32 v6, v4;
	v6 =	vld [tilespmem:$0x1FF50]  }
0xa5: {  	v12 =	vld [tilespmem:$0x1FF70]  }
0xa6: {  	v11 =	vor.u32 v61, v0  }
0xa7: {  	v31 =	vor.u32 v9, v11;
	v7 =	vld [tilespmem:$0x1FF80];
	_ =	sdelay $0x1  }
0xa8: {  	v6 =	vor.u32 v6, v4  }
0xa9: {  	v34 =	vor.u32 v12, v0;
	v12 =	vld [tilespmem:$0x1FF60];
	v4 =	vor.u32 v58, v4;
	[tilespmem:$0x1FDA0] =	vst v6  }
0xaa: {  	v47 =	vld.idx.msk [tilespmem:v22+s24+$0x0], $0xffff;
	[tilespmem:$0x1FDB0] =	vst v4  }
0xab: {  	v7 =	vor.u32 v7, v0;
	v4 =	vld.idx.msk [tilespmem:v31+s23+$0x0], $0xffff  }
0xac: {  	v33 =	vor.u32 v9, v7;
	_ =	sdelay $0x3  }
0xad: {  	v46 =	vor.u32 v54, v0;
	v36 =	vor.u32 v12, v0;
	v0 =	vor.u32 v58, v0;
	[tilespmem:$0x1FD70] =	vst v4  }
0xae: {  	v10 =	vor.u32 v9, v0;
	v0 =	vsub.f32 v2, v5;
	v2 =	vld.idx.msk [tilespmem:v33+s23+$0x0], $0xffff  }
0xaf: {  	v38 =	vor.u32 v9, v34  }
0xb0: {  	v3 =	vmul.f32 v3, v16;
	_ =	sdelay $0x1  }
0xb1: {  	v58 =	vmov v39;
	v39 =	vperm.xlane v3, v39;
	v54 =	vld.idx.msk [tilespmem:v31+s24+$0x0], $0xffff  }
0xb2: {  	v0 =	vmax.f32 v0, $0.0e+00;
	[tilespmem:$0x1FD80] =	vst v2;
	v2 =	vld [tilespmem:$0x1FFC0]  }
0xb3: {  	v25 =	vsub.f32 v25, v28;
	v28 =	vmul.f32 v39, v0;
	v0 =	vld.idx.msk [tilespmem:v38+s23+$0x0], $0xffff;
	_ =	sdelay $0x1  }
0xb4: {  	v34 =	vor.u32 v9, v36;
	_ =	sdelay $0x1  }
0xb5: {  	v30 =	vsub.f32 v13, v30;
	v32 =	vsub.f32 v32, v35  }
0xb6: {  	v25 =	vmax.f32 v25, $0.0e+00;
	v51 =	vor.u32 v9, v48;
	v48 =	vld.idx.msk [tilespmem:v33+s24+$0x0], $0xffff;
	v35 =	vperm.xlane v3, v2;
	[tilespmem:$0x1FD90] =	vst v0  }
0xb7: {  	v36 =	vor.u32 v9, v46;
	v5 =	vor.u32 v9, v50;
	v6 =	vor.u32 v9, v52;
	v50 =	vld.idx.msk [tilespmem:v38+s24+$0x0], $0xffff  }
0xb8: {  	[tilespmem:v1+s0+$0x0] =	vst.idx.msk $0xffff, v28;
	v52 =	vld.idx.msk [tilespmem:v34+s23+$0x0], $0xffff;
	v28 =	vperm.xlane v3, v17;
	v25 =	vmul.f32 v35, v25  }
0xb9: {  	v30 =	vmax.f32 v30, $0.0e+00;
	v4 =	vld [tilespmem:$0x1FFE0]  }
0xba: {  	v61 =	vor.u32 v9, v49;
	v49 =	vld.idx.msk [tilespmem:v34+s24+$0x0], $0xffff;
	v28 =	vmul.f32 v28, v30;
	[tilespmem:v8+s0+$0x0] =	vst.idx.msk $0xffff, v25  }
0xbb: {  	v13 =	vld [tilespmem:$0x1FF00]  }
0xbc: {  	v35 =	vld.idx.msk [tilespmem:v36+s23+$0x0], $0xffff;
	[tilespmem:v21+s0+$0x0] =	vst.idx.msk $0xffff, v28  }
0xbd: {  	v37 =	vsub.f32 v37, v15;
	v12 =	vmovc v14;
	v46 =	vor.u32 v9, v56;
	v56 =	vperm.xlane v3, v14;
	v14 =	vld [tilespmem:$0x1FF10]  }
0xbe: {  	v7 =	vor.u32 v9, v53;
	v39 =	vor.u32 v9, v59;
	v53 =	vld.idx.msk [tilespmem:v10+s23+$0x0], $0xffff;
	v59 =	vperm.xlane v3, v4  }
0xbf: {  	v40 =	vsub.f32 v40, v41;
	v42 =	vsub.f32 v42, v43;
	v43 =	vld.idx.msk [tilespmem:v51+s24+$0x0], $0xffff;
	v25 =	vmax.f32 v32, $0.0e+00  }
0xc0: {  	v30 =	vld.idx.msk [tilespmem:v36+s24+$0x0], $0xffff;
	v28 =	vmax.f32 v37, $0.0e+00;
	v8 =	vperm.xlane v3, v13;
	v25 =	vmul.f32 v59, v25  }
0xc1: {  	v40 =	vmax.f32 v40, $0.0e+00;
	v32 =	vld.idx.msk [tilespmem:v10+s24+$0x0], $0xffff;
	v28 =	vmul.f32 v56, v28  }
0xc2: {  	v37 =	vld.idx.msk [tilespmem:v51+s23+$0x0], $0xffff;
	v21 =	vperm.xlane v3, v14;
	[tilespmem:v23+s0+$0x0] =	vst.idx.msk $0xffff, v25;
	v23 =	vmul.f32 v8, v40  }
0xc3: {  	v25 =	vmax.f32 v42, $0.0e+00;
	v15 =	vld [tilespmem:$0x1FF20];
	[tilespmem:v18+s0+$0x0] =	vst.idx.msk $0xffff, v28  }
0xc4: {  	v40 =	vld.idx.msk [tilespmem:v61+s23+$0x0], $0xffff;
	v25 =	vmul.f32 v21, v25;
	[tilespmem:v20+s0+$0x0] =	vst.idx.msk $0xffff, v23  }
0xc5: {  	v42 =	vld.idx.msk [tilespmem:v61+s24+$0x0], $0xffff;
	[tilespmem:$0x1FE10] =	vst v5  }
0xc6: {  	[tilespmem:v19+s0+$0x0] =	vst.idx.msk $0xffff, v25  }
0xc7: {  	v0 =	vld [tilespmem:$0x1FD10];
	_ =	sdelay $0x4  }
0xc8: {  	v59 =	vsub.f32 v44, v45;
	v25 =	vmul.f32 v0, v16;
	v0 =	vmov v6  }
0xc9: {  	v3 =	vperm.xlane v3, v15  }
0xca: {  	v41 =	vmax.f32 v59, $0.0e+00  }
0xcb: {  	v44 =	vld.idx.msk [tilespmem:v5+s23+$0x0], $0xffff;
	v3 =	vmul.f32 v3, v41  }
0xcc: {  	v45 =	vld.idx.msk [tilespmem:v5+s24+$0x0], $0xffff;
	[tilespmem:$0x1FE20] =	vst v6  }
0xcd: {  	[tilespmem:v27+s0+$0x0] =	vst.idx.msk $0xffff, v3;
	v5 =	vld.idx.msk [tilespmem:v0+s24+$0x0], $0xffff  }
0xce: {  	v0 =	vld [tilespmem:$0x1FD30]  }
0xcf: {  	v1 =	vld [tilespmem:$0x1FD20];
	_ =	sdelay $0x3  }
0xd0: {  	v6 =	vld.idx.msk [tilespmem:v6+s23+$0x0], $0xffff;
	v56 =	vmul.f32 v0, v16;
	v0 =	vperm.xlane v25, v58  }
0xd1: {  	v3 =	vmul.f32 v1, v16;
	v1 =	vld [tilespmem:$0x1FD50]  }
0xd2: {  	[tilespmem:$0x1FE60] =	vst v0;
	v0 =	vld [tilespmem:$0x1FD40];
	_ =	sdelay $0x3  }
0xd3: {  	v11 =	vor.u32 v9, v55;
	v55 =	vmov v17;
	v17 =	vor.u32 v9, v24;
	[tilespmem:$0x1FE30] =	vst v7  }
0xd4: {  	v8 =	vor.u32 v9, v57;
	v57 =	vld.idx.msk [tilespmem:v7+s23+$0x0], $0xffff;
	v24 =	vsub.f32 v0, v1;
	v0 =	vperm.xlane v25, v2  }
0xd5: {  	v59 =	vperm.xlane v3, v2;
	v1 =	vmov v2;
	v2 =	vld [tilespmem:$0x1FD70]  }
0xd6: {  	[tilespmem:$0x1FEB0] =	vst v0;
	v0 =	vld [tilespmem:$0x1FD60];
	_ =	sdelay $0x3  }
0xd7: {  	v18 =	vor.u32 v9, v29;
	v41 =	vperm.xlane v3, v58;
	v29 =	vsub.f32 v2, v54;
	v2 =	vld [tilespmem:$0x1FD80]  }
0xd8: {  	v24 =	vmax.f32 v24, $0.0e+00;
	v27 =	vsub.f32 v0, v47;
	v0 =	vmov v58;
	v58 =	vld.idx.msk [tilespmem:v7+s24+$0x0], $0xffff;
	[tilespmem:$0x1FE40] =	vst v11  }
0xd9: {  	v24 =	vmul.f32 v41, v24;
	v7 =	vld.idx.msk [tilespmem:v11+s23+$0x0], $0xffff  }
0xda: {  	v47 =	vld.idx.msk [tilespmem:v11+s24+$0x0], $0xffff;
	[tilespmem:$0x1FE50] =	vst v46  }
0xdb: {  	[tilespmem:v26+s0+$0x0] =	vst.idx.msk $0xffff, v24  }
0xdc: {  	v21 =	vor.u32 v9, v60;
	v48 =	vsub.f32 v2, v48;
	v2 =	vld [tilespmem:$0x1FD90];
	_ =	sdelay $0x1  }
0xdd: {  	v60 =	vperm.xlane v3, v55  }
0xde: {  	v28 =	vmov v4;
	v54 =	vperm.xlane v3, v4;
	v29 =	vmax.f32 v29, $0.0e+00;
	v4 =	vld.idx.msk [tilespmem:v46+s23+$0x0], $0xffff  }
0xdf: {  	v26 =	vld.idx.msk [tilespmem:v46+s24+$0x0], $0xffff;
	[tilespmem:$0x1FE70] =	vst v39;
	v46 =	vmax.f32 v48, $0.0e+00;
	v48 =	vmul.f32 v60, v29  }
0xe0: {  	v60 =	vperm.xlane v56, v1;
	v1 =	vld.idx.msk [tilespmem:v21+s23+$0x0], $0xffff;
	v50 =	vsub.f32 v2, v50;
	v2 =	vmov v39  }
0xe1: {  	v20 =	vor.u32 v9, v62  }
0xe2: {  	v27 =	vmax.f32 v27, $0.0e+00;
	v41 =	vld.idx.msk [tilespmem:v39+s23+$0x0], $0xffff  }
0xe3: {  	v27 =	vmul.f32 v59, v27;
	v59 =	vld.idx.msk [tilespmem:v8+s23+$0x0], $0xffff  }
0xe4: {  	v29 =	vmax.f32 v50, $0.0e+00;
	v50 =	vld.idx.msk [tilespmem:v8+s24+$0x0], $0xffff  }
0xe5: {  	v39 =	vsub.f32 v52, v49;
	v52 =	vperm.xlane v56, v0;
	v0 =	vld.idx.msk [tilespmem:v2+s24+$0x0], $0xffff;
	[tilespmem:$0x1FE80] =	vst v1  }
0xe6: {  	v1 =	vld.idx.msk [tilespmem:v20+s23+$0x0], $0xffff;
	_ =	sdelay $0x1  }
0xe7: {  	v62 =	vperm.xlane v3, v12  }
0xe8: {  	v23 =	vor.u32 v9, v63  }
0xe9: {  	v62 =	vmul.f32 v62, v29;
	v29 =	vsub.f32 v37, v43;
	[tilespmem:v22+s0+$0x0] =	vst.idx.msk $0xffff, v27;
	v37 =	vld.idx.msk [tilespmem:v21+s24+$0x0], $0xffff  }
0xea: {  	v30 =	vsub.f32 v35, v30;
	v53 =	vsub.f32 v53, v32;
	v63 =	vperm.xlane v3, v13;
	[tilespmem:$0x1FE90] =	vst v1;
	v1 =	vld [tilespmem:$0x1FDA0]  }
0xeb: {  	v24 =	vperm.xlane v3, v14;
	v3 =	vperm.xlane v3, v15  }
0xec: {  	v22 =	vmax.f32 v39, $0.0e+00;
	v27 =	vmax.f32 v30, $0.0e+00;
	v30 =	vmax.f32 v53, $0.0e+00  }
0xed: {  	v39 =	vmul.f32 v63, v22;
	v63 =	vmul.f32 v3, v30;
	v30 =	vld.idx.msk [tilespmem:v20+s24+$0x0], $0xffff  }
0xee: {  	v32 =	vmov v55;
	v35 =	vmul.f32 v54, v46;
	v3 =	vld.idx.msk [tilespmem:v23+s23+$0x0], $0xffff;
	[tilespmem:$0x1FDC0] =	vst v23  }
0xef: {  	v54 =	vperm.xlane v56, v55;
	v29 =	vmax.f32 v29, $0.0e+00;
	v19 =	vor.u32 v9, v1;
	v1 =	vld [tilespmem:$0x1FDB0];
	[tilespmem:v31+s0+$0x0] =	vst.idx.msk $0xffff, v48  }
0xf0: {  	v55 =	vsub.f32 v44, v45;
	v45 =	vmul.f32 v52, v29;
	v29 =	vld.idx.msk [tilespmem:v23+s24+$0x0], $0xffff;
	[tilespmem:v33+s0+$0x0] =	vst.idx.msk $0xffff, v35  }
0xf1: {  	v31 =	vld.idx.msk [tilespmem:v17+s23+$0x0], $0xffff;
	[tilespmem:$0x1FDD0] =	vst v17  }
0xf2: {  	v35 =	vld.idx.msk [tilespmem:v17+s24+$0x0], $0xffff  }
0xf3: {  	[tilespmem:v38+s0+$0x0] =	vst.idx.msk $0xffff, v62;
	v33 =	vld.idx.msk [tilespmem:v18+s23+$0x0], $0xffff  }
0xf4: {  	v46 =	vsub.f32 v57, v58;
	v43 =	vmul.f32 v24, v27;
	v57 =	vld [tilespmem:$0x1FF50];
	[tilespmem:v34+s0+$0x0] =	vst.idx.msk $0xffff, v39  }
0xf5: {  	v44 =	vperm.xlane v56, v12;
	v24 =	vmov v12;
	v22 =	vor.u32 v9, v1;
	[tilespmem:$0x1FDE0] =	vst v18;
	v12 =	vld [tilespmem:$0x1FF30]  }
0xf6: {  	v40 =	vsub.f32 v40, v42;
	v34 =	vld.idx.msk [tilespmem:v18+s24+$0x0], $0xffff;
	[tilespmem:v36+s0+$0x0] =	vst.idx.msk $0xffff, v43  }
0xf7: {  	v36 =	vld.idx.msk [tilespmem:v19+s23+$0x0], $0xffff;
	[tilespmem:v10+s0+$0x0] =	vst.idx.msk $0xffff, v63  }
0xf8: {  	s17 =	simm.s32 $0x70;
	v40 =	vmax.f32 v40, $0.0e+00;
	[tilespmem:$0x1FDF0] =	vst v19;
	v10 =	vld [tilespmem:$0x1FFA0]  }
0xf9: {  	v42 =	vmax.f32 v55, $0.0e+00;
	v48 =	vmul.f32 v60, v40;
	v60 =	vmov s17;
	v38 =	vld.idx.msk [tilespmem:v19+s24+$0x0], $0xffff  }
0xfa: {  	v42 =	vmul.f32 v54, v42;
	v54 =	vshll.u32 v60, $0x3;
	v39 =	vld.idx.msk [tilespmem:v22+s23+$0x0], $0xffff;
	[tilespmem:$0x1FE00] =	vst v22  }
0xfb: {  	v49 =	vor.u32 v12, v54;
	v12 =	vld [tilespmem:$0x1FF90];
	[tilespmem:v51+s0+$0x0] =	vst.idx.msk $0xffff, v45  }
0xfc: {  	[tilespmem:v61+s0+$0x0] =	vst.idx.msk $0xffff, v48  }
0xfd: {  	v1 =	vld [tilespmem:$0x1FE10];
	_ =	sdelay $0x7  }
0xfe: {  	v62 =	vor.u32 v12, v54;
	v12 =	vld [tilespmem:$0x1FF80];
	[tilespmem:v1+s0+$0x0] =	vst.idx.msk $0xffff, v42  }
0xff: {  	v53 =	vperm.xlane v56, v28;
	v27 =	vmov v28;
	v28 =	vsub.f32 v41, v0;
	v0 =	vld [tilespmem:$0x1FE20];
	_ =	sdelay $0x2  }
0x100: {  	v11 =	vsub.f32 v6, v5;
	_ =	sdelay $0x1  }
0x101: {  	v11 =	vmax.f32 v11, $0.0e+00  }
0x102: {  	v11 =	vmul.f32 v53, v11;
	_ =	sdelay $0x1  }
0x103: {  	[tilespmem:v0+s0+$0x0] =	vst.idx.msk $0xffff, v11  }
0x104: {  	v0 =	vld [tilespmem:$0x1FE30];
	_ =	sdelay $0x4  }
0x105: {  	v60 =	vmax.f32 v46, $0.0e+00  }
0x106: {  	v44 =	vmul.f32 v44, v60  }
0x107: {  	v11 =	vld [tilespmem:$0x1FF70]  }
0x108: {  	v55 =	vsub.f32 v59, v50;
	v59 =	vld [tilespmem:$0x1FFA0];
	[tilespmem:v0+s0+$0x0] =	vst.idx.msk $0xffff, v44  }
0x109: {  	v0 =	vld [tilespmem:$0x1FE40];
	_ =	sdelay $0x2  }
0x10a: {  	v47 =	vsub.f32 v7, v47  }
0x10b: {  	v53 =	vperm.xlane v56, v13  }
0x10c: {  	v47 =	vmax.f32 v47, $0.0e+00  }
0x10d: {  	v6 =	vmul.f32 v53, v47;
	_ =	sdelay $0x1  }
0x10e: {  	v53 =	vor.u32 v12, v54;
	v12 =	vld [tilespmem:$0x1FF60];
	[tilespmem:v0+s0+$0x0] =	vst.idx.msk $0xffff, v6  }
0x10f: {  	v0 =	vld [tilespmem:$0x1FE50];
	_ =	sdelay $0x2  }
0x110: {  	v26 =	vsub.f32 v4, v26  }
0x111: {  	v58 =	vperm.xlane v56, v14  }
0x112: {  	v26 =	vmax.f32 v26, $0.0e+00  }
0x113: {  	v26 =	vmul.f32 v58, v26  }
0x114: {  	v10 =	vor.u32 v10, v54  }
0x115: {  	v10 =	vor.u32 v9, v10;
	[tilespmem:v0+s0+$0x0] =	vst.idx.msk $0xffff, v26  }
0x116: {  	v1 =	vld [tilespmem:$0x1FE60];
	_ =	sdelay $0x2  }
0x117: {  	v43 =	vor.u32 v9, v49;
	v40 =	vld.idx.msk [tilespmem:v22+s24+$0x0], $0xffff  }
0x118: {  	v60 =	vmax.f32 v55, $0.0e+00;
	v5 =	vld.idx.msk [tilespmem:v10+s23+$0x0], $0xffff  }
0x119: {  	v61 =	vor.u32 v57, v54;
	v45 =	vor.u32 v9, v62;
	v62 =	vmul.f32 v1, v60;
	v1 =	vld [tilespmem:$0x1FE70]  }
0x11a: {  	s29 =	simm.s32 $0x360;
	v48 =	vor.u32 v9, v61;
	v49 =	vld.idx.msk [tilespmem:v10+s24+$0x0], $0xffff;
	v11 =	vor.u32 v11, v54  }
0x11b: {  	v7 =	vld [tilespmem:s29+$0x10];
	v11 =	vor.u32 v9, v11  }
0x11c: {  	v47 =	vld.idx.msk [tilespmem:v43+s23+$0x0], $0xffff  }
0x11d: {  	v63 =	vperm.xlane v56, v15;
	v4 =	vld.idx.msk [tilespmem:v43+s24+$0x0], $0xffff  }
0x11e: {  	v28 =	vmax.f32 v28, $0.0e+00;
	v42 =	vor.u32 v9, v53;
	v2 =	vld.idx.msk [tilespmem:v45+s23+$0x0], $0xffff  }
0x11f: {  	v5 =	vsub.f32 v5, v49;
	v49 =	vld.idx.msk [tilespmem:v48+s24+$0x0], $0xffff;
	v6 =	vmul.f32 v63, v28  }
0x120: {  	v53 =	vld.idx.msk [tilespmem:v11+s24+$0x0], $0xffff  }
0x121: {  	v28 =	vld.idx.msk [tilespmem:v45+s24+$0x0], $0xffff;
	[tilespmem:v1+s0+$0x0] =	vst.idx.msk $0xffff, v6  }
0x122: {  	v58 =	vor.u32 v12, v54;
	v12 =	vld [tilespmem:$0x1FF90]  }
0x123: {  	v63 =	vld.idx.msk [tilespmem:v42+s24+$0x0], $0xffff  }
0x124: {  	s11 =	simm.s32 $0x50;
	v23 =	vld [tilespmem:$0x1FF40]  }
0x125: {  	v0 =	vmov s11;
	v26 =	vld.idx.msk [tilespmem:v42+s23+$0x0], $0xffff  }
0x126: {  	v44 =	vor.u32 v9, v58;
	v0 =	vshll.u32 v0, $0x3;
	v1 =	vld [tilespmem:$0x1FF30]  }
0x127: {  	v58 =	vor.u32 v59, v0;
	v60 =	vor.u32 v12, v0;
	v12 =	vld [tilespmem:$0x1FF80];
	[tilespmem:v8+s0+$0x0] =	vst.idx.msk $0xffff, v62  }
0x128: {  	v51 =	vor.u32 v9, v58;
	v17 =	vld [tilespmem:$0x1FFB0]  }
0x129: {  	v56 =	vor.u32 v23, v54;
	v19 =	vld [tilespmem:$0x1FFC0]  }
0x12a: {  	v4 =	vsub.f32 v47, v4;
	v6 =	vld.idx.msk [tilespmem:v11+s23+$0x0], $0xffff;
	v50 =	vor.u32 v9, v56  }
0x12b: {  	v7 =	vmul.f32 v7, v16;
	v55 =	vld.idx.msk [tilespmem:v44+s23+$0x0], $0xffff  }
0x12c: {  	v4 =	vmax.f32 v4, $0.0e+00;
	v2 =	vsub.f32 v2, v28;
	v1 =	vor.u32 v1, v0;
	v56 =	vld.idx.msk [tilespmem:v44+s24+$0x0], $0xffff  }
0x12d: {  	v5 =	vmax.f32 v5, $0.0e+00;
	v52 =	vld.idx.msk [tilespmem:v51+s23+$0x0], $0xffff;
	v1 =	vor.u32 v9, v1;
	v61 =	vperm.xlane v7, v17  }
0x12e: {  	v2 =	vmax.f32 v2, $0.0e+00;
	v26 =	vsub.f32 v26, v63;
	v8 =	vld.idx.msk [tilespmem:v48+s23+$0x0], $0xffff;
	v62 =	vperm.xlane v7, v19  }
0x12f: {  	v58 =	vperm.xlane v7, v27;
	v6 =	vsub.f32 v6, v53;
	v28 =	vld.idx.msk [tilespmem:v50+s23+$0x0], $0xffff;
	v4 =	vmul.f32 v61, v4  }
0x130: {  	v63 =	vperm.xlane v7, v32;
	v26 =	vmax.f32 v26, $0.0e+00;
	v47 =	vld.idx.msk [tilespmem:v50+s24+$0x0], $0xffff;
	v5 =	vmul.f32 v62, v5  }
0x131: {  	v6 =	vmax.f32 v6, $0.0e+00;
	v54 =	vor.u32 v12, v0;
	v61 =	vsub.f32 v55, v56;
	[tilespmem:v43+s0+$0x0] =	vst.idx.msk $0xffff, v4;
	v43 =	vld [tilespmem:s29+$0xFFFFFFF0]  }
0x132: {  	s12 =	simm.s32 $0x60;
	v62 =	vperm.xlane v7, v24;
	[tilespmem:v10+s0+$0x0] =	vst.idx.msk $0xffff, v5;
	v10 =	vmul.f32 v58, v26;
	v26 =	vld.idx.msk [tilespmem:v1+s23+$0x0], $0xffff  }
0x133: {  	v46 =	vor.u32 v9, v54;
	v53 =	vmax.f32 v61, $0.0e+00;
	v61 =	vmov s12;
	v5 =	vld [tilespmem:$0x1FF70]  }
0x134: {  	v2 =	vmul.f32 v63, v2;
	v6 =	vmul.f32 v62, v6;
	v62 =	vshll.u32 v61, $0x3;
	v61 =	vld [tilespmem:s29+$0x0]  }
0x135: {  	v4 =	vor.u32 v9, v60;
	v12 =	vld [tilespmem:$0x1FF60]  }
0x136: {  	v63 =	vperm.xlane v7, v13;
	[tilespmem:v45+s0+$0x0] =	vst.idx.msk $0xffff, v2;
	v2 =	vld.idx.msk [tilespmem:v1+s24+$0x0], $0xffff  }
0x137: {  	v45 =	vor.u32 v57, v0;
	[tilespmem:v42+s0+$0x0] =	vst.idx.msk $0xffff, v10;
	v10 =	vld.idx.msk [tilespmem:v51+s24+$0x0], $0xffff  }
0x138: {  	v42 =	vmul.f32 v63, v53;
	v53 =	vld.idx.msk [tilespmem:v46+s23+$0x0], $0xffff;
	v45 =	vor.u32 v9, v45;
	v5 =	vor.u32 v5, v0  }
0x139: {  	[tilespmem:v11+s0+$0x0] =	vst.idx.msk $0xffff, v6;
	v6 =	vld.idx.msk [tilespmem:v46+s24+$0x0], $0xffff;
	v5 =	vor.u32 v9, v5  }
0x13a: {  	v8 =	vsub.f32 v8, v49;
	v49 =	vld.idx.msk [tilespmem:v4+s23+$0x0], $0xffff;
	v60 =	vor.u32 v12, v0  }
0x13b: {  	v58 =	vld.idx.msk [tilespmem:v4+s24+$0x0], $0xffff;
	[tilespmem:v44+s0+$0x0] =	vst.idx.msk $0xffff, v42;
	v41 =	vor.u32 v9, v60  }
0x13c: {  	v28 =	vsub.f32 v28, v47;
	v12 =	vld [tilespmem:$0x1FF30];
	v60 =	vperm.xlane v7, v14  }
0x13d: {  	v8 =	vmax.f32 v8, $0.0e+00;
	v7 =	vperm.xlane v7, v15;
	v10 =	vsub.f32 v52, v10;
	v52 =	vld.idx.msk [tilespmem:v45+s23+$0x0], $0xffff  }
0x13e: {  	v28 =	vmax.f32 v28, $0.0e+00;
	v0 =	vor.u32 v23, v0;
	v8 =	vmul.f32 v60, v8;
	v11 =	vld.idx.msk [tilespmem:v5+s23+$0x0], $0xffff  }
0x13f: {  	v0 =	vor.u32 v9, v0;
	v7 =	vmul.f32 v7, v28;
	v28 =	vmul.f32 v43, v16;
	v42 =	vld.idx.msk [tilespmem:v5+s24+$0x0], $0xffff  }
0x140: {  	v44 =	vor.u32 v23, v62;
	v2 =	vsub.f32 v26, v2;
	v43 =	vld.idx.msk [tilespmem:v41+s23+$0x0], $0xffff  }
0x141: {  	v26 =	vor.u32 v59, v62;
	[tilespmem:v48+s0+$0x0] =	vst.idx.msk $0xffff, v8;
	v63 =	vperm.xlane v28, v17;
	v8 =	vld.idx.msk [tilespmem:v41+s24+$0x0], $0xffff  }
0x142: {  	v2 =	vmax.f32 v2, $0.0e+00;
	[tilespmem:v50+s0+$0x0] =	vst.idx.msk $0xffff, v7;
	v7 =	vperm.xlane v28, v19;
	v50 =	vld.idx.msk [tilespmem:v45+s24+$0x0], $0xffff  }
0x143: {  	v10 =	vmax.f32 v10, $0.0e+00;
	v47 =	vor.u32 v12, v62;
	v2 =	vmul.f32 v63, v2;
	v12 =	vld [tilespmem:$0x1FF90]  }
0x144: {  	v18 =	vor.u32 v9, v44;
	v26 =	vor.u32 v9, v26;
	v54 =	vld.idx.msk [tilespmem:v0+s23+$0x0], $0xffff;
	v7 =	vmul.f32 v7, v10  }
0x145: {  	v6 =	vsub.f32 v53, v6;
	v49 =	vsub.f32 v49, v58;
	v10 =	vld.idx.msk [tilespmem:v0+s24+$0x0], $0xffff;
	[tilespmem:v1+s0+$0x0] =	vst.idx.msk $0xffff, v2  }
0x146: {  	v47 =	vor.u32 v9, v47;
	v2 =	vperm.xlane v28, v32;
	v1 =	vld [tilespmem:$0x1FF80];
	[tilespmem:v51+s0+$0x0] =	vst.idx.msk $0xffff, v7  }
0x147: {  	v53 =	vmul.f32 v61, v16;
	v60 =	vor.u32 v57, v62;
	v49 =	vmax.f32 v49, $0.0e+00;
	v7 =	vld [tilespmem:$0x1FF70]  }
0x148: {  	v61 =	vperm.xlane v28, v14;
	v2 =	vmul.f32 v2, v49;
	v56 =	vor.u32 v12, v62;
	v12 =	vld [tilespmem:$0x1FF60]  }
0x149: {  	v63 =	vperm.xlane v28, v24;
	v11 =	vsub.f32 v11, v42;
	v49 =	vor.u32 v9, v60  }
0x14a: {  	v6 =	vmax.f32 v6, $0.0e+00;
	v8 =	vsub.f32 v43, v8;
	[tilespmem:v4+s0+$0x0] =	vst.idx.msk $0xffff, v2;
	v2 =	vperm.xlane v28, v27  }
0x14b: {  	v50 =	vsub.f32 v52, v50;
	v60 =	vperm.xlane v28, v13;
	v48 =	vor.u32 v9, v56;
	v4 =	vld.idx.msk [tilespmem:v47+s23+$0x0], $0xffff  }
0x14c: {  	v11 =	vmax.f32 v11, $0.0e+00;
	v1 =	vor.u32 v1, v62;
	v2 =	vmul.f32 v2, v6;
	v6 =	vld.idx.msk [tilespmem:v26+s23+$0x0], $0xffff  }
0x14d: {  	v7 =	vor.u32 v7, v62;
	v1 =	vor.u32 v9, v1;
	v58 =	vor.u32 v12, v62;
	v62 =	vld.idx.msk [tilespmem:v47+s24+$0x0], $0xffff  }
0x14e: {  	v10 =	vsub.f32 v54, v10;
	v8 =	vmax.f32 v8, $0.0e+00;
	v28 =	vperm.xlane v28, v15;
	v12 =	vld.idx.msk [tilespmem:v49+s24+$0x0], $0xffff  }
0x14f: {  	v50 =	vmax.f32 v50, $0.0e+00;
	v11 =	vmul.f32 v63, v11;
	v51 =	vor.u32 v9, v58;
	v58 =	vld.idx.msk [tilespmem:v26+s24+$0x0], $0xffff  }
0x150: {  	v8 =	vmul.f32 v60, v8;
	v7 =	vor.u32 v9, v7;
	[tilespmem:v46+s0+$0x0] =	vst.idx.msk $0xffff, v2;
	v2 =	vld.idx.msk [tilespmem:v48+s23+$0x0], $0xffff  }
0x151: {  	v43 =	vmul.f32 v61, v50;
	v10 =	vmax.f32 v10, $0.0e+00;
	v54 =	vld.idx.msk [tilespmem:v48+s24+$0x0], $0xffff;
	[tilespmem:v5+s0+$0x0] =	vst.idx.msk $0xffff, v11  }
0x152: {  	v10 =	vmul.f32 v28, v10;
	[tilespmem:v41+s0+$0x0] =	vst.idx.msk $0xffff, v8;
	v63 =	vld.idx.msk [tilespmem:v1+s24+$0x0], $0xffff  }
0x153: {  	[tilespmem:v45+s0+$0x0] =	vst.idx.msk $0xffff, v43;
	v4 =	vsub.f32 v4, v62;
	v62 =	vld.idx.msk [tilespmem:v1+s23+$0x0], $0xffff  }
0x154: {  	v28 =	vperm.xlane v53, v17;
	[tilespmem:v0+s0+$0x0] =	vst.idx.msk $0xffff, v10;
	v10 =	vld.idx.msk [tilespmem:v18+s24+$0x0], $0xffff  }
0x155: {  	v60 =	vld.idx.msk [tilespmem:v7+s23+$0x0], $0xffff;
	v6 =	vsub.f32 v6, v58;
	v4 =	vmax.f32 v4, $0.0e+00  }
0x156: {  	v5 =	vld.idx.msk [tilespmem:v7+s24+$0x0], $0xffff;
	v4 =	vmul.f32 v28, v4;
	v28 =	vperm.xlane v53, v19  }
0x157: {  	v61 =	vld.idx.msk [tilespmem:v51+s23+$0x0], $0xffff;
	v2 =	vsub.f32 v2, v54;
	v6 =	vmax.f32 v6, $0.0e+00  }
0x158: {  	v8 =	vld.idx.msk [tilespmem:v51+s24+$0x0], $0xffff;
	v6 =	vmul.f32 v28, v6;
	v28 =	vperm.xlane v53, v32;
	v62 =	vsub.f32 v62, v63  }
0x159: {  	v0 =	vperm.xlane v53, v27;
	v54 =	vld.idx.msk [tilespmem:v49+s23+$0x0], $0xffff;
	v2 =	vmax.f32 v2, $0.0e+00  }
0x15a: {  	v44 =	vmov v17;
	v63 =	vld.idx.msk [tilespmem:v18+s23+$0x0], $0xffff;
	[tilespmem:v47+s0+$0x0] =	vst.idx.msk $0xffff, v4;
	v2 =	vmul.f32 v28, v2;
	v28 =	vmax.f32 v62, $0.0e+00  }
0x15b: {  	v17 =	vmov v24;
	v45 =	vperm.xlane v25, v24;
	v24 =	vld [tilespmem:$0x1FE80];
	[tilespmem:v26+s0+$0x0] =	vst.idx.msk $0xffff, v6;
	v0 =	vmul.f32 v0, v28  }
0x15c: {  	s17 =	simm.s32 $0x40;
	v52 =	vld [tilespmem:$0x1FF90];
	[tilespmem:v48+s0+$0x0] =	vst.idx.msk $0xffff, v2  }
0x15d: {  	v2 =	vmov s17;
	[tilespmem:v1+s0+$0x0] =	vst.idx.msk $0xffff, v0  }
0x15e: {  	v0 =	vshll.u32 v2, $0x3;
	v2 =	vld [tilespmem:$0x1FE90]  }
0x15f: {  	v4 =	vsub.f32 v60, v5  }
0x160: {  	v6 =	vsub.f32 v61, v8;
	v28 =	vperm.xlane v53, v17  }
0x161: {  	v4 =	vmax.f32 v4, $0.0e+00;
	v26 =	vperm.xlane v53, v13  }
0x162: {  	v4 =	vmul.f32 v28, v4;
	v1 =	vmax.f32 v6, $0.0e+00  }
0x163: {  	v3 =	vsub.f32 v3, v29;
	v1 =	vmul.f32 v26, v1;
	v2 =	vsub.f32 v2, v30;
	v30 =	vld [tilespmem:$0x1FF30]  }
0x164: {  	v55 =	vperm.xlane v25, v27;
	v26 =	vld [tilespmem:$0x1FF60];
	[tilespmem:v7+s0+$0x0] =	vst.idx.msk $0xffff, v4  }
0x165: {  	v3 =	vmax.f32 v3, $0.0e+00;
	v22 =	vmov v32;
	v11 =	vperm.xlane v25, v32;
	v32 =	vld [tilespmem:$0x1FF70];
	[tilespmem:v51+s0+$0x0] =	vst.idx.msk $0xffff, v1  }
0x166: {  	v31 =	vsub.f32 v31, v35;
	v3 =	vmul.f32 v55, v3;
	v51 =	vld [tilespmem:$0x1FF80]  }
0x167: {  	v5 =	vperm.xlane v25, v13;
	v8 =	vperm.xlane v25, v14;
	v61 =	vsub.f32 v36, v38  }
0x168: {  	v47 =	vsub.f32 v24, v37;
	v37 =	vperm.xlane v25, v15;
	v25 =	vld [tilespmem:s29+$0xFFFFFFE0];
	v6 =	vor.u32 v30, v0  }
0x169: {  	v10 =	vsub.f32 v63, v10;
	v63 =	vperm.xlane v53, v15;
	v60 =	vor.u32 v9, v6  }
0x16a: {  	v50 =	vor.u32 v57, v0;
	v23 =	vor.u32 v23, v0;
	v28 =	vmax.f32 v47, $0.0e+00  }
0x16b: {  	v4 =	vor.u32 v59, v0;
	v7 =	vor.u32 v52, v0;
	v1 =	vor.u32 v51, v0  }
0x16c: {  	v56 =	vmovc v19;
	v29 =	vor.u32 v26, v0;
	v42 =	vor.u32 v9, v4;
	v24 =	vor.u32 v9, v1;
	v1 =	vld [tilespmem:$0x1FEB0]  }
0x16d: {  	v47 =	vor.u32 v9, v7;
	v4 =	vmul.f32 v25, v16;
	v41 =	vor.u32 v9, v29;
	[tilespmem:$0x1FEA0] =	vst v16  }
0x16e: {  	v19 =	vmovc v27;
	v25 =	vsub.f32 v39, v40;
	v27 =	vor.u32 v32, v0;
	v0 =	vmax.f32 v2, $0.0e+00;
	v62 =	vld.idx.msk [tilespmem:v60+s23+$0x0], $0xffff  }
0x16f: {  	v7 =	vperm.xlane v4, v44;
	v0 =	vmul.f32 v11, v0;
	v11 =	vld.idx.msk [tilespmem:v60+s24+$0x0], $0xffff;
	[tilespmem:$0x1FEC0] =	vst v3;
	v3 =	vmax.f32 v31, $0.0e+00  }
0x170: {  	v29 =	vperm.xlane v4, v22;
	v2 =	vsub.f32 v54, v12;
	v3 =	vmul.f32 v45, v3  }
0x171: {  	v6 =	vsub.f32 v33, v34;
	v1 =	vmul.f32 v1, v28;
	v28 =	vperm.xlane v53, v14  }
0x172: {  	v38 =	vperm.xlane v4, v19;
	v35 =	vperm.xlane v4, v13;
	v2 =	vmax.f32 v2, $0.0e+00;
	v12 =	vld.idx.msk [tilespmem:v42+s23+$0x0], $0xffff  }
0x173: {  	v16 =	vor.u32 v9, v27;
	v6 =	vmax.f32 v6, $0.0e+00;
	v31 =	vld.idx.msk [tilespmem:v42+s24+$0x0], $0xffff;
	[tilespmem:$0x1FED0] =	vst v3;
	v2 =	vmul.f32 v28, v2  }
0x174: {  	v15 =	vperm.xlane v4, v15;
	v43 =	vmul.f32 v5, v6;
	v5 =	vmax.f32 v10, $0.0e+00;
	v3 =	vld.idx.msk [tilespmem:v47+s23+$0x0], $0xffff  }
0x175: {  	v34 =	vmax.f32 v61, $0.0e+00;
	v5 =	vmul.f32 v63, v5;
	v19 =	vld.idx.msk [tilespmem:v24+s23+$0x0], $0xffff;
	[tilespmem:v49+s0+$0x0] =	vst.idx.msk $0xffff, v2  }
0x176: {  	v27 =	vperm.xlane v4, v56;
	v39 =	vmul.f32 v8, v34;
	v2 =	vld.idx.msk [tilespmem:v47+s24+$0x0], $0xffff;
	[tilespmem:$0x1FEE0] =	vst v24  }
0x177: {  	v6 =	vmax.f32 v25, $0.0e+00;
	v8 =	vsub.f32 v62, v11;
	v25 =	vld.idx.msk [tilespmem:v24+s24+$0x0], $0xffff;
	[tilespmem:v18+s0+$0x0] =	vst.idx.msk $0xffff, v5  }
0x178: {  	v56 =	vmov v57;
	v34 =	vperm.xlane v4, v17;
	v40 =	vmul.f32 v37, v6;
	v33 =	vld.idx.msk [tilespmem:v16+s23+$0x0], $0xffff;
	[tilespmem:$0x1FEF0] =	vst v16  }
0x179: {  	v36 =	vmovc v60;
	v28 =	vor.u32 v9, v50;
	v6 =	vmax.f32 v8, $0.0e+00;
	v18 =	vperm.xlane v4, v14;
	v37 =	vld.idx.msk [tilespmem:v16+s24+$0x0], $0xffff  }
0x17a: {  	s30 =	simm.s32 $0x4;
	s12 =	simm.s32 $0x80;
	v5 =	vsub.f32 v12, v31;
	v24 =	vor.u32 v9, v23;
	v4 =	vmul.f32 v7, v6;
	v55 =	vld.idx.msk [tilespmem:v41+s23+$0x0], $0xffff  }
.LBB2_3:
0x17b: {  	_ =	sdelay $0x1  }
0x17c: {  	[tilespmem:$0x1FBC0] =	vst v39  }
0x17d: {  	[tilespmem:$0x1FBE0] =	vst v28  }
0x17e: {  	[tilespmem:$0x1FBA0] =	vst v43;
	v2 =	vsub.f32 v3, v2  }
0x17f: {  	[tilespmem:$0x1FC20] =	vst v27  }
0x180: {  	[tilespmem:$0x1FB90] =	vst v2;
	v2 =	vld.idx.msk [tilespmem:v41+s24+$0x0], $0xffff  }
0x181: {  	[tilespmem:$0x1FC30] =	vst v29  }
0x182: {  	[tilespmem:$0x1FC40] =	vst v24  }
0x183: {  	[tilespmem:$0x1FC70] =	vst v34  }
0x184: {  	[tilespmem:v21+s0+$0x0] =	vst.idx.msk $0xffff, v1  }
0x185: {  	[tilespmem:$0x1FB40] =	vst v2;
	v2 =	vld.idx.msk [tilespmem:v28+s23+$0x0], $0xffff  }
0x186: {  	[tilespmem:$0x1FC90] =	vst v35;
	s17 =	sadd.s32 $0x30, s12  }
0x187: {  	[tilespmem:$0x1FCA0] =	vst v18;
	v7 =	vmov s17  }
0x188: {  	[tilespmem:$0x1FCB0] =	vst v15;
	s11 =	sadd.s32 $0x20, s12;
	v57 =	vld [tilespmem:$0x1FEA0];
	v5 =	vmax.f32 v5, $0.0e+00;
	v11 =	vshll.u32 v7, $0x3  }
0x189: {  	v58 =	vld [tilespmem:$0x1FFB0];
	[tilespmem:$0x1FC10] =	vst v5;
	v3 =	vmov s11;
	v10 =	vor.u32 v30, v11  }
0x18a: {  	v63 =	vor.u32 v59, v11;
	v3 =	vshll.u32 v3, $0x3;
	v1 =	vmov v42;
	[tilespmem:$0x1FB50] =	vst v2;
	v2 =	vld.idx.msk [tilespmem:v28+s24+$0x0], $0xffff  }
0x18b: {  	v60 =	vld [tilespmem:$0x1FFC0];
	v12 =	vor.u32 v9, v10;
	v13 =	vor.u32 v9, v63;
	v50 =	vor.u32 v30, v3;
	[tilespmem:$0x1FCF0] =	vst v1  }
0x18c: {  	v8 =	vmov s12;
	s10 =	sadd.s32 $0x10, s12;
	v54 =	vld [tilespmem:$0x1FFE0];
	v14 =	vor.u32 v59, v3;
	v15 =	vor.u32 v52, v3;
	[tilespmem:v20+s0+$0x0] =	vst.idx.msk $0xffff, v0;
	v0 =	vmovc v47  }
0x18d: {  	s29 =	sadd.s32 $0x40, s29;
	v18 =	vor.u32 v51, v3;
	v1 =	vmov s10;
	[tilespmem:$0x1FCC0] =	vst v0;
	v0 =	vshll.u32 v8, $0x3;
	v8 =	vld [tilespmem:$0x1FF40]  }
0x18e: {  	v16 =	vld [tilespmem:s29+$0x10];
	[tilespmem:$0x1FB30] =	vst v19;
	v19 =	vor.u32 v32, v3;
	v21 =	vor.u32 v26, v3;
	v1 =	vshll.u32 v1, $0x3  }
0x18f: {  	v5 =	vmov v56;
	v22 =	vor.u32 v56, v3;
	v61 =	vor.u32 v30, v1;
	[tilespmem:$0x1FB60] =	vst v2;
	v2 =	vld.idx.msk [tilespmem:v24+s23+$0x0], $0xffff  }
0x190: {  	v62 =	vor.u32 v59, v1;
	v44 =	vor.u32 v52, v1;
	v45 =	vor.u32 v51, v1;
	v23 =	vld.idx.msk [tilespmem:v12+s24+$0x0], $0xffff  }
0x191: {  	v46 =	vor.u32 v32, v1;
	v48 =	vor.u32 v26, v1;
	v49 =	vor.u32 v56, v1;
	v43 =	vld.idx.msk [tilespmem:v13+s23+$0x0], $0xffff  }
0x192: {  	v34 =	vld.idx.msk [tilespmem:v13+s24+$0x0], $0xffff;
	v10 =	vor.u32 v51, v0;
	v47 =	vor.u32 v8, v1;
	v1 =	vor.u32 v52, v11  }
0x193: {  	v20 =	vld.idx.msk [tilespmem:v12+s23+$0x0], $0xffff;
	v56 =	vor.u32 v26, v0;
	v29 =	vor.u32 v8, v3;
	v17 =	vor.u32 v9, v1  }
0x194: {  	v3 =	vor.u32 v52, v0;
	v1 =	vor.u32 v51, v11;
	[tilespmem:$0x1FB70] =	vst v2;
	v2 =	vld.idx.msk [tilespmem:v24+s24+$0x0], $0xffff  }
0x195: {  	v7 =	vld [tilespmem:$0x1FEC0];
	[tilespmem:$0x1FAF0] =	vst v3;
	v3 =	vor.u32 v5, v0;
	v24 =	vor.u32 v9, v1;
	v1 =	vor.u32 v32, v11  }
0x196: {  	v63 =	vld [tilespmem:$0x1FF10];
	[tilespmem:$0x1FB10] =	vst v3;
	v3 =	vor.u32 v9, v61;
	v61 =	vor.u32 v9, v45;
	v35 =	vor.u32 v9, v1  }
0x197: {  	[tilespmem:$0x1FC60] =	vst v38;
	v53 =	vld [tilespmem:s29+$0xFFFFFFE0];
	v45 =	vor.u32 v9, v49;
	v49 =	vor.u32 v9, v15;
	v15 =	vmul.f32 v16, v57  }
0x198: {  	v1 =	vor.u32 v32, v0;
	v32 =	vor.u32 v5, v11;
	v5 =	vor.u32 v9, v62;
	v38 =	vld.idx.msk [tilespmem:v17+s23+$0x0], $0xffff  }
0x199: {  	v62 =	vld [tilespmem:$0x1FFD0];
	[tilespmem:$0x1FB80] =	vst v2;
	v2 =	vor.u32 v30, v0;
	v30 =	vor.u32 v59, v0;
	v0 =	vor.u32 v8, v0  }
0x19a: {  	v20 =	vsub.f32 v20, v23;
	v39 =	vld.idx.msk [tilespmem:v17+s24+$0x0], $0xffff;
	[tilespmem:$0x1FB20] =	vst v0;
	v0 =	vor.u32 v9, v19  }
0x19b: {  	v27 =	vld.idx.msk [tilespmem:v35+s23+$0x0], $0xffff;
	[tilespmem:$0x1FBF0] =	vst v0;
	v0 =	vor.u32 v9, v21;
	v21 =	vperm.xlane v15, v58  }
0x19c: {  	v20 =	vmax.f32 v20, $0.0e+00;
	[tilespmem:$0x1FB00] =	vst v1;
	v1 =	vor.u32 v26, v11;
	v26 =	vor.u32 v9, v32;
	v28 =	vld.idx.msk [tilespmem:v35+s24+$0x0], $0xffff  }
0x19d: {  	v20 =	vmul.f32 v21, v20;
	v21 =	vld [tilespmem:$0x1FDC0]  }
0x19e: {  	[tilespmem:$0x1FBD0] =	vst v40;
	v40 =	vor.u32 v9, v1;
	v1 =	vld [tilespmem:$0x1FFF0]  }
0x19f: {  	[tilespmem:$0x1FBB0] =	vst v41;
	v41 =	vld.idx.msk [tilespmem:v24+s23+$0x0], $0xffff  }
0x1a0: {  	v42 =	vld.idx.msk [tilespmem:v24+s24+$0x0], $0xffff  }
0x1a1: {  	v11 =	vor.u32 v8, v11;
	v8 =	vor.u32 v9, v48;
	v48 =	vor.u32 v9, v18;
	v18 =	vld.idx.msk [tilespmem:v26+s23+$0x0], $0xffff  }
0x1a2: {  	v11 =	vor.u32 v9, v11;
	v27 =	vsub.f32 v27, v28;
	v28 =	vld [tilespmem:$0x1FDD0]  }
0x1a3: {  	v19 =	vld.idx.msk [tilespmem:v26+s24+$0x0], $0xffff  }
0x1a4: {  	v52 =	vor.u32 v9, v50;
	v50 =	vor.u32 v9, v14;
	[tilespmem:v36+s0+$0x0] =	vst.idx.msk $0xffff, v4;
	v14 =	vld.idx.msk [tilespmem:v40+s23+$0x0], $0xffff  }
0x1a5: {  	v34 =	vsub.f32 v43, v34;
	[tilespmem:v21+s0+$0x0] =	vst.idx.msk $0xffff, v7;
	v7 =	vld [tilespmem:$0x1FED0]  }
0x1a6: {  	v16 =	vld.idx.msk [tilespmem:v40+s24+$0x0], $0xffff;
	[tilespmem:$0x1FC00] =	vst v0;
	v0 =	vor.u32 v9, v22  }
0x1a7: {  	v6 =	vor.u32 v9, v44;
	v34 =	vmax.f32 v34, $0.0e+00;
	v23 =	vld.idx.msk [tilespmem:v11+s23+$0x0], $0xffff;
	[tilespmem:$0x1FC50] =	vst v0;
	v0 =	vor.u32 v9, v29  }
0x1a8: {  	v31 =	vperm.xlane v15, v54;
	v59 =	vor.u32 v9, v46;
	[tilespmem:$0x1FC80] =	vst v0;
	v0 =	vld [tilespmem:$0x1FF00];
	v41 =	vsub.f32 v41, v42  }
0x1a9: {  	v46 =	vor.u32 v9, v47;
	v38 =	vsub.f32 v38, v39;
	v22 =	vperm.xlane v15, v60;
	v43 =	vld.idx.msk [tilespmem:v11+s24+$0x0], $0xffff  }
0x1aa: {  	v47 =	vperm.xlane v15, v63;
	v29 =	vperm.xlane v15, v62;
	[tilespmem:v28+s0+$0x0] =	vst.idx.msk $0xffff, v7;
	v28 =	vmax.f32 v41, $0.0e+00;
	v41 =	vld [tilespmem:$0x1FF20]  }
0x1ab: {  	v32 =	vperm.xlane v15, v1;
	v38 =	vmax.f32 v38, $0.0e+00;
	v22 =	vmul.f32 v22, v34;
	[tilespmem:v12+s0+$0x0] =	vst.idx.msk $0xffff, v20  }
0x1ac: {  	v12 =	vmul.f32 v29, v38;
	v18 =	vsub.f32 v18, v19;
	v14 =	vsub.f32 v14, v16  }
0x1ad: {  	[tilespmem:v13+s0+$0x0] =	vst.idx.msk $0xffff, v22;
	v16 =	vmax.f32 v27, $0.0e+00;
	v44 =	vperm.xlane v15, v0;
	v13 =	vmul.f32 v31, v28  }
0x1ae: {  	v19 =	vsub.f32 v23, v43;
	[tilespmem:v17+s0+$0x0] =	vst.idx.msk $0xffff, v12;
	v12 =	vmul.f32 v32, v16;
	v14 =	vmax.f32 v14, $0.0e+00  }
0x1af: {  	v16 =	vmax.f32 v18, $0.0e+00;
	[tilespmem:v24+s0+$0x0] =	vst.idx.msk $0xffff, v13;
	v13 =	vmul.f32 v44, v14;
	v14 =	vperm.xlane v15, v41  }
0x1b0: {  	v7 =	vor.u32 v9, v2;
	v2 =	vmax.f32 v19, $0.0e+00;
	[tilespmem:v35+s0+$0x0] =	vst.idx.msk $0xffff, v12;
	v12 =	vmul.f32 v47, v16  }
0x1b1: {  	[tilespmem:v40+s0+$0x0] =	vst.idx.msk $0xffff, v13;
	v2 =	vmul.f32 v14, v2  }
0x1b2: {  	[tilespmem:v26+s0+$0x0] =	vst.idx.msk $0xffff, v12  }
0x1b3: {  	[tilespmem:v11+s0+$0x0] =	vst.idx.msk $0xffff, v2;
	v2 =	vld [tilespmem:$0x1FB10];
	_ =	sdelay $0x4  }
0x1b4: {  	v19 =	vor.u32 v9, v2;
	v2 =	vld [tilespmem:$0x1FB20];
	_ =	sdelay $0x4  }
0x1b5: {  	v11 =	vor.u32 v9, v2;
	v2 =	vld [tilespmem:$0x1FB30];
	_ =	sdelay $0x2  }
0x1b6: {  	v18 =	vmul.f32 v53, v57;
	_ =	sdelay $0x1  }
0x1b7: {  	v24 =	vsub.f32 v2, v25;
	v2 =	vperm.xlane v18, v58  }
0x1b8: {  	v4 =	vld [tilespmem:s29+$0xFFFFFFF0]  }
0x1b9: {  	[tilespmem:$0x1FD00] =	vst v2;
	v2 =	vld [tilespmem:$0x1FB40];
	_ =	sdelay $0x3  }
0x1ba: {  	v22 =	vmul.f32 v4, v57;
	v4 =	vld [tilespmem:$0x1FB60]  }
0x1bb: {  	v27 =	vsub.f32 v55, v2;
	v2 =	vld [tilespmem:$0x1FB50];
	_ =	sdelay $0x1  }
0x1bc: {  	v13 =	vld [tilespmem:$0x1FAF0];
	_ =	sdelay $0x2  }
0x1bd: {  	v29 =	vsub.f32 v2, v4;
	v2 =	vld [tilespmem:$0x1FB70]  }
0x1be: {  	v4 =	vld [tilespmem:$0x1FB80]  }
0x1bf: {  	v47 =	vor.u32 v9, v13;
	v13 =	vor.u32 v9, v10;
	v10 =	vld [tilespmem:$0x1FB00];
	_ =	sdelay $0x2  }
0x1c0: {  	v21 =	vld [tilespmem:s29+$0x0]  }
0x1c1: {  	v42 =	vor.u32 v9, v30;
	v53 =	vld [tilespmem:$0x1FEF0];
	v30 =	vsub.f32 v2, v4;
	v2 =	vperm.xlane v18, v0  }
0x1c2: {  	v12 =	vor.u32 v9, v10;
	v10 =	vld [tilespmem:$0x1FEE0]  }
0x1c3: {  	[tilespmem:$0x1FCD0] =	vst v2;
	v2 =	vld [tilespmem:$0x1FB90];
	_ =	sdelay $0x1  }
0x1c4: {  	v21 =	vmul.f32 v21, v57  }
0x1c5: {  	v57 =	vperm.xlane v18, v54;
	v35 =	vperm.xlane v22, v54  }
0x1c6: {  	v26 =	vsub.f32 v33, v37;
	v37 =	vperm.xlane v22, v1;
	v55 =	vperm.xlane v18, v1  }
0x1c7: {  	v32 =	vmax.f32 v2, $0.0e+00;
	v2 =	vmovc v10;
	v10 =	vmovc v53;
	v53 =	vperm.xlane v21, v54;
	v54 =	vperm.xlane v21, v1;
	v1 =	vld [tilespmem:$0x1FDE0];
	_ =	sdelay $0x2  }
0x1c8: {  	[tilespmem:$0x1FDD0] =	vst v10;
	v10 =	vld [tilespmem:$0x1FBA0]  }
0x1c9: {  	v20 =	vld.idx.msk [tilespmem:v5+s24+$0x0], $0xffff  }
0x1ca: {  	v17 =	vld.idx.msk [tilespmem:v5+s23+$0x0], $0xffff;
	_ =	sdelay $0x2  }
0x1cb: {  	[tilespmem:v1+s0+$0x0] =	vst.idx.msk $0xffff, v10;
	v10 =	vld [tilespmem:$0x1FBB0];
	_ =	sdelay $0x1  }
0x1cc: {  	v36 =	vld.idx.msk [tilespmem:v45+s23+$0x0], $0xffff;
	v17 =	vsub.f32 v17, v20  }
0x1cd: {  	v23 =	vld.idx.msk [tilespmem:v6+s23+$0x0], $0xffff;
	v34 =	vperm.xlane v22, v60  }
0x1ce: {  	v20 =	vld.idx.msk [tilespmem:v8+s23+$0x0], $0xffff;
	v17 =	vmax.f32 v17, $0.0e+00  }
0x1cf: {  	v17 =	vmul.f32 v34, v17;
	v34 =	vld.idx.msk [tilespmem:v49+s24+$0x0], $0xffff;
	v1 =	vmov v10  }
0x1d0: {  	[tilespmem:$0x1FDE0] =	vst v1;
	v1 =	vld [tilespmem:$0x1FDF0]  }
0x1d1: {  	v15 =	vld.idx.msk [tilespmem:v3+s23+$0x0], $0xffff  }
0x1d2: {  	v14 =	vld.idx.msk [tilespmem:v3+s24+$0x0], $0xffff  }
0x1d3: {  	v10 =	vld [tilespmem:$0x1FBC0]  }
0x1d4: {  	v28 =	vld.idx.msk [tilespmem:v61+s23+$0x0], $0xffff  }
0x1d5: {  	v25 =	vld.idx.msk [tilespmem:v6+s24+$0x0], $0xffff  }
0x1d6: {  	v31 =	vld.idx.msk [tilespmem:v59+s23+$0x0], $0xffff  }
0x1d7: {  	v14 =	vsub.f32 v15, v14;
	v15 =	vld.idx.msk [tilespmem:v61+s24+$0x0], $0xffff  }
0x1d8: {  	[tilespmem:v1+s0+$0x0] =	vst.idx.msk $0xffff, v10;
	v1 =	vld [tilespmem:$0x1FE00]  }
0x1d9: {  	v40 =	vld.idx.msk [tilespmem:v46+s23+$0x0], $0xffff  }
0x1da: {  	v44 =	vmov v13;
	v13 =	vsub.f32 v23, v25;
	v23 =	vld.idx.msk [tilespmem:v8+s24+$0x0], $0xffff  }
0x1db: {  	v43 =	vperm.xlane v21, v58;
	v10 =	vld [tilespmem:$0x1FBD0]  }
0x1dc: {  	v16 =	vor.u32 v9, v56;
	v56 =	vperm.xlane v18, v60;
	v15 =	vsub.f32 v28, v15;
	v28 =	vld.idx.msk [tilespmem:v45+s24+$0x0], $0xffff  }
0x1dd: {  	v51 =	vperm.xlane v18, v41;
	v33 =	vperm.xlane v22, v58;
	v58 =	vld.idx.msk [tilespmem:v52+s23+$0x0], $0xffff  }
0x1de: {  	v4 =	vperm.xlane v18, v62;
	[tilespmem:$0x1FDC0] =	vst v2;
	v2 =	vperm.xlane v18, v63;
	v18 =	vld.idx.msk [tilespmem:v59+s24+$0x0], $0xffff  }
0x1df: {  	v20 =	vsub.f32 v20, v23;
	v23 =	vld.idx.msk [tilespmem:v52+s24+$0x0], $0xffff  }
0x1e0: {  	v39 =	vperm.xlane v22, v63;
	v38 =	vperm.xlane v22, v0;
	v14 =	vmax.f32 v14, $0.0e+00;
	[tilespmem:v1+s0+$0x0] =	vst.idx.msk $0xffff, v10;
	v10 =	vld [tilespmem:$0x1FBE0]  }
0x1e1: {  	[tilespmem:$0x1FCE0] =	vst v51;
	v51 =	vperm.xlane v21, v60;
	v14 =	vmul.f32 v33, v14;
	v33 =	vld.idx.msk [tilespmem:v49+s23+$0x0], $0xffff;
	v60 =	vmov v12  }
0x1e2: {  	v28 =	vsub.f32 v36, v28;
	v36 =	vld.idx.msk [tilespmem:v50+s24+$0x0], $0xffff;
	v25 =	vperm.xlane v22, v62;
	v22 =	vperm.xlane v22, v41  }
0x1e3: {  	v63 =	vperm.xlane v21, v63;
	v12 =	vsub.f32 v31, v18;
	v18 =	vld.idx.msk [tilespmem:v46+s24+$0x0], $0xffff;
	v31 =	vperm.xlane v21, v62  }
0x1e4: {  	v62 =	vperm.xlane v21, v0;
	v21 =	vperm.xlane v21, v41;
	v41 =	vmovc v16;
	v16 =	vsub.f32 v58, v23  }
0x1e5: {  	v13 =	vmax.f32 v13, $0.0e+00;
	v0 =	vld.idx.msk [tilespmem:v50+s23+$0x0], $0xffff;
	[tilespmem:v3+s0+$0x0] =	vst.idx.msk $0xffff, v14;
	v1 =	vmov v10  }
0x1e6: {  	v15 =	vmax.f32 v15, $0.0e+00;
	v3 =	vmul.f32 v25, v13;
	v10 =	vld [tilespmem:$0x1FC20];
	[tilespmem:$0x1FDF0] =	vst v1;
	v1 =	vmax.f32 v16, $0.0e+00  }
0x1e7: {  	v13 =	vmul.f32 v35, v15;
	[tilespmem:v5+s0+$0x0] =	vst.idx.msk $0xffff, v17;
	v5 =	vmul.f32 v43, v1;
	v1 =	vld [tilespmem:$0x1FC10]  }
0x1e8: {  	v14 =	vld.idx.msk [tilespmem:v48+s23+$0x0], $0xffff;
	[tilespmem:v6+s0+$0x0] =	vst.idx.msk $0xffff, v3  }
0x1e9: {  	[tilespmem:v61+s0+$0x0] =	vst.idx.msk $0xffff, v13;
	v61 =	vld [tilespmem:$0x1FC50]  }
0x1ea: {  	v58 =	vld [tilespmem:$0x1FBF0];
	v12 =	vmax.f32 v12, $0.0e+00  }
0x1eb: {  	v28 =	vmax.f32 v28, $0.0e+00;
	v12 =	vmul.f32 v37, v12;
	v37 =	vld [tilespmem:$0x1FC00]  }
0x1ec: {  	v20 =	vmax.f32 v20, $0.0e+00;
	v18 =	vsub.f32 v40, v18;
	v1 =	vmul.f32 v10, v1;
	v10 =	vld [tilespmem:$0x1FC40]  }
0x1ed: {  	v17 =	vmul.f32 v38, v20;
	v0 =	vsub.f32 v0, v36;
	[tilespmem:v59+s0+$0x0] =	vst.idx.msk $0xffff, v12;
	v59 =	vld [tilespmem:$0x1FFA0]  }
0x1ee: {  	v20 =	vmul.f32 v39, v28;
	v15 =	vmax.f32 v18, $0.0e+00;
	v18 =	vld.idx.msk [tilespmem:v48+s24+$0x0], $0xffff  }
0x1ef: {  	v28 =	vmov v19;
	[tilespmem:v8+s0+$0x0] =	vst.idx.msk $0xffff, v17;
	v19 =	vmax.f32 v0, $0.0e+00;
	v0 =	vld [tilespmem:$0x1FC30]  }
0x1f0: {  	[tilespmem:v45+s0+$0x0] =	vst.idx.msk $0xffff, v20;
	v20 =	vld [tilespmem:$0x1FCC0]  }
0x1f1: {  	v13 =	vld.idx.msk [tilespmem:v61+s23+$0x0], $0xffff;
	v6 =	vmov v10  }
0x1f2: {  	[tilespmem:$0x1FE00] =	vst v6;
	v6 =	vld [tilespmem:$0x1FC70]  }
0x1f3: {  	v14 =	vsub.f32 v14, v18;
	v18 =	vld.idx.msk [tilespmem:v61+s24+$0x0], $0xffff  }
0x1f4: {  	v23 =	vld.idx.msk [tilespmem:v58+s23+$0x0], $0xffff  }
0x1f5: {  	v19 =	vmul.f32 v51, v19;
	v51 =	vld [tilespmem:$0x1FF80]  }
0x1f6: {  	v26 =	vmax.f32 v26, $0.0e+00;
	v3 =	vld.idx.msk [tilespmem:v37+s23+$0x0], $0xffff  }
0x1f7: {  	v25 =	vld.idx.msk [tilespmem:v37+s24+$0x0], $0xffff;
	v6 =	vmul.f32 v6, v26  }
0x1f8: {  	v13 =	vsub.f32 v13, v18;
	v18 =	vmov v2;
	v2 =	vld [tilespmem:$0x1FCE0]  }
0x1f9: {  	[tilespmem:$0x1FED0] =	vst v6;
	v6 =	vld [tilespmem:$0x1FC80]  }
0x1fa: {  	v15 =	vmul.f32 v22, v15;
	v0 =	vmul.f32 v0, v32;
	v32 =	vld [tilespmem:$0x1FF70]  }
0x1fb: {  	v17 =	vld.idx.msk [tilespmem:v7+s24+$0x0], $0xffff  }
0x1fc: {  	v10 =	vld [tilespmem:$0x1FC60]  }
0x1fd: {  	v8 =	vld.idx.msk [tilespmem:v42+s24+$0x0], $0xffff  }
0x1fe: {  	v24 =	vmax.f32 v24, $0.0e+00;
	[tilespmem:v46+s0+$0x0] =	vst.idx.msk $0xffff, v15;
	v15 =	vmov v2;
	v2 =	vld.idx.msk [tilespmem:v47+s24+$0x0], $0xffff  }
0x1ff: {  	v22 =	vsub.f32 v33, v34;
	v3 =	vsub.f32 v3, v25;
	v25 =	vld.idx.msk [tilespmem:v44+s24+$0x0], $0xffff  }
0x200: {  	v16 =	vld.idx.msk [tilespmem:v58+s24+$0x0], $0xffff  }
0x201: {  	v22 =	vmax.f32 v22, $0.0e+00;
	v10 =	vmul.f32 v10, v24;
	v24 =	vmov v11;
	v11 =	vld.idx.msk [tilespmem:v6+s23+$0x0], $0xffff  }
0x202: {  	v12 =	vmul.f32 v31, v22;
	v22 =	vld.idx.msk [tilespmem:v6+s24+$0x0], $0xffff  }
0x203: {  	v31 =	vmov v6;
	v6 =	vld [tilespmem:$0x1FCA0]  }
0x204: {  	v33 =	vld.idx.msk [tilespmem:v60+s23+$0x0], $0xffff  }
0x205: {  	[tilespmem:$0x1FEC0] =	vst v10;
	v10 =	vld [tilespmem:$0x1FC90]  }
0x206: {  	v34 =	vmov v55;
	v55 =	vld.idx.msk [tilespmem:v41+s23+$0x0], $0xffff  }
0x207: {  	v27 =	vmax.f32 v27, $0.0e+00;
	v29 =	vmax.f32 v29, $0.0e+00;
	v16 =	vsub.f32 v23, v16;
	v23 =	vld.idx.msk [tilespmem:v7+s23+$0x0], $0xffff  }
0x208: {  	v14 =	vmax.f32 v14, $0.0e+00;
	v39 =	vmul.f32 v6, v29;
	v6 =	vld [tilespmem:$0x1FCB0]  }
0x209: {  	v14 =	vmul.f32 v53, v14;
	v26 =	vld [tilespmem:$0x1FF60];
	[tilespmem:v52+s0+$0x0] =	vst.idx.msk $0xffff, v5  }
0x20a: {  	v16 =	vmax.f32 v16, $0.0e+00;
	v43 =	vmul.f32 v10, v27;
	v27 =	vmov v56;
	v56 =	vld [tilespmem:$0x1FF50];
	[tilespmem:v50+s0+$0x0] =	vst.idx.msk $0xffff, v19  }
0x20b: {  	v36 =	vmov v7;
	v7 =	vmul.f32 v54, v16;
	v10 =	vld.idx.msk [tilespmem:v42+s23+$0x0], $0xffff;
	[tilespmem:v49+s0+$0x0] =	vst.idx.msk $0xffff, v12  }
0x20c: {  	v30 =	vmax.f32 v30, $0.0e+00;
	v52 =	vld [tilespmem:$0x1FF90];
	[tilespmem:v48+s0+$0x0] =	vst.idx.msk $0xffff, v14  }
0x20d: {  	s30 =	sadd.s32 $0x4, s30;
	[tilespmem:v58+s0+$0x0] =	vst.idx.msk $0xffff, v7;
	v7 =	vld [tilespmem:$0x1FD00];
	v40 =	vmul.f32 v6, v30;
	v6 =	vmax.f32 v3, $0.0e+00  }
0x20e: {  	p1 =	slt.u32 s30, $0xC;
	v29 =	vmov v4;
	v3 =	vld [tilespmem:$0x1FCD0];
	v4 =	vmul.f32 v62, v6;
	v6 =	vsub.f32 v11, v22  }
.Ltmp0:
0x20f: {  	[tilespmem:$0x1FEE0] =	vst v44;
	v5 =	vmax.f32 v13, $0.0e+00;
	v19 =	vld.idx.msk [tilespmem:v44+s23+$0x0], $0xffff;
	(pc) =	sbr.rel @p1 .LBB2_3-.Ltmp0, $4  }
0x210: {  	[tilespmem:$0x1FEF0] =	vst v60;
	v30 =	vld [tilespmem:$0x1FF30];
	v11 =	vmul.f32 v63, v5;
	v5 =	vsub.f32 v23, v17;
	v6 =	vmax.f32 v6, $0.0e+00  }
0x211: {  	[tilespmem:v37+s0+$0x0] =	vst.idx.msk $0xffff, v4;
	v37 =	vld.idx.msk [tilespmem:v60+s24+$0x0], $0xffff;
	v6 =	vmul.f32 v21, v6  }
0x212: {  	v4 =	vmax.f32 v5, $0.0e+00;
	v5 =	vsub.f32 v10, v8;
	v21 =	vld [tilespmem:$0x1FCF0];
	[tilespmem:v61+s0+$0x0] =	vst.idx.msk $0xffff, v11  }
0x213: {  	s12 =	sadd.s32 $0x40, s12;
	v38 =	vmov v57;
	v4 =	vmul.f32 v7, v4;
	v35 =	vmov v3;
	v3 =	vld.idx.msk [tilespmem:v47+s23+$0x0], $0xffff;
	[tilespmem:v31+s0+$0x0] =	vst.idx.msk $0xffff, v6  }
0x214: {  	_ =	sdelay $0x4  }
0x215: {  	v6 =	vld.idx.msk [tilespmem:v41+s24+$0x0], $0xffff  }
0x216: {  	v7 =	vld.idx.msk [tilespmem:v28+s23+$0x0], $0xffff  }
0x217: {  	v8 =	vld.idx.msk [tilespmem:v28+s24+$0x0], $0xffff;
	[tilespmem:v21+s0+$0x0] =	vst.idx.msk $0xffff, v1  }
0x218: {  	v1 =	vld.idx.msk [tilespmem:v24+s23+$0x0], $0xffff;
	[tilespmem:v20+s0+$0x0] =	vst.idx.msk $0xffff, v0  }
0x219: {  	v0 =	vld.idx.msk [tilespmem:v24+s24+$0x0], $0xffff;
	[tilespmem:v36+s0+$0x0] =	vst.idx.msk $0xffff, v4  }
0x21a: {  	v4 =	vld [tilespmem:$0x1FDC0];
	_ =	sdelay $0x2  }
0x21b: {  	v10 =	vld [tilespmem:$0x1FEC0];
	_ =	sdelay $0x4  }
0x21c: {  	[tilespmem:v4+s0+$0x0] =	vst.idx.msk $0xffff, v10  }
0x21d: {  	v2 =	vsub.f32 v3, v2;
	v3 =	vld [tilespmem:$0x1FDD0];
	_ =	sdelay $0x2  }
0x21e: {  	v4 =	vld [tilespmem:$0x1FED0];
	_ =	sdelay $0x4  }
0x21f: {  	[tilespmem:v3+s0+$0x0] =	vst.idx.msk $0xffff, v4  }
0x220: {  	v3 =	vmax.f32 v5, $0.0e+00;
	v5 =	vld [tilespmem:$0x1FDE0];
	_ =	sdelay $0x7  }
0x221: {  	[tilespmem:v5+s0+$0x0] =	vst.idx.msk $0xffff, v43  }
0x222: {  	v10 =	vld [tilespmem:$0x1FDF0];
	_ =	sdelay $0x7  }
0x223: {  	[tilespmem:v10+s0+$0x0] =	vst.idx.msk $0xffff, v39  }
0x224: {  	v10 =	vld [tilespmem:$0x1FE00];
	_ =	sdelay $0x3  }
0x225: {  	v2 =	vmax.f32 v2, $0.0e+00;
	v3 =	vmul.f32 v27, v3  }
0x226: {  	v2 =	vmul.f32 v29, v2  }
0x227: {  	v5 =	vsub.f32 v33, v37;
	[tilespmem:v42+s0+$0x0] =	vst.idx.msk $0xffff, v3  }
0x228: {  	[tilespmem:v47+s0+$0x0] =	vst.idx.msk $0xffff, v2  }
0x229: {  	v5 =	vmax.f32 v5, $0.0e+00;
	[tilespmem:v10+s0+$0x0] =	vst.idx.msk $0xffff, v40  }
0x22a: {  	v3 =	vmul.f32 v34, v5;
	v5 =	vld [tilespmem:$0x1FEE0];
	_ =	sdelay $0x2  }
0x22b: {  	v4 =	vsub.f32 v19, v25;
	_ =	sdelay $0x1  }
0x22c: {  	v4 =	vmax.f32 v4, $0.0e+00  }
0x22d: {  	v4 =	vmul.f32 v38, v4;
	_ =	sdelay $0x1  }
0x22e: {  	[tilespmem:v5+s0+$0x0] =	vst.idx.msk $0xffff, v4  }
0x22f: {  	v4 =	vld [tilespmem:$0x1FEF0];
	_ =	sdelay $0x3  }
0x230: {  	v6 =	vsub.f32 v55, v6  }
0x231: {  	v7 =	vsub.f32 v7, v8  }
0x232: {  	v0 =	vsub.f32 v1, v0;
	v1 =	vmax.f32 v6, $0.0e+00  }
0x233: {  	v1 =	vmul.f32 v35, v1;
	v2 =	vmax.f32 v7, $0.0e+00  }
0x234: {  	v0 =	vmax.f32 v0, $0.0e+00;
	v2 =	vmul.f32 v18, v2;
	[tilespmem:v4+s0+$0x0] =	vst.idx.msk $0xffff, v3  }
0x235: {  	v0 =	vmul.f32 v15, v0;
	[tilespmem:v41+s0+$0x0] =	vst.idx.msk $0xffff, v1  }
0x236: {  	[tilespmem:v28+s0+$0x0] =	vst.idx.msk $0xffff, v2  }
0x237: {  	[tilespmem:v24+s0+$0x0] =	vst.idx.msk $0xffff, v0  }
0x238: {  	v0 =	vld [tilespmem:$0x200]  }
0x239: {  	v6 =	vld [tilespmem:$0x1FEA0]  }
0x23a: {  	v1 =	vld [tilespmem:$0x0]  }
0x23b: {  	v2 =	vld [tilespmem:$0x210]  }
0x23c: {  	v3 =	vld [tilespmem:$0x10]  }
0x23d: {  	v4 =	vld [tilespmem:$0x220]  }
0x23e: {  	v5 =	vld [tilespmem:$0x20];
	v0 =	vmul.f32 v0, v6  }
0x23f: {  	[tilespmem:$0x1C00] =	vst v1;
	v1 =	vld [tilespmem:$0x230]  }
0x240: {  	[tilespmem:$0x1D00] =	vst v0;
	v0 =	vmul.f32 v2, v6;
	v2 =	vld [tilespmem:$0x30]  }
0x241: {  	[tilespmem:$0x1C10] =	vst v3;
	v3 =	vld [tilespmem:$0x240]  }
0x242: {  	[tilespmem:$0x1D10] =	vst v0;
	v0 =	vmul.f32 v4, v6;
	v4 =	vld [tilespmem:$0x40]  }
0x243: {  	[tilespmem:$0x1C20] =	vst v5;
	v5 =	vld [tilespmem:$0x250]  }
0x244: {  	[tilespmem:$0x1D20] =	vst v0;
	v0 =	vmul.f32 v1, v6;
	v1 =	vld [tilespmem:$0x50]  }
0x245: {  	[tilespmem:$0x1C30] =	vst v2;
	v2 =	vld [tilespmem:$0x260]  }
0x246: {  	[tilespmem:$0x1D30] =	vst v0;
	v0 =	vmul.f32 v3, v6;
	v3 =	vld [tilespmem:$0x60]  }
0x247: {  	[tilespmem:$0x1C40] =	vst v4;
	v4 =	vld [tilespmem:$0x270]  }
0x248: {  	[tilespmem:$0x1D40] =	vst v0;
	v0 =	vmul.f32 v5, v6;
	v5 =	vld [tilespmem:$0x70]  }
0x249: {  	[tilespmem:$0x1C50] =	vst v1  }
0x24a: {  	[tilespmem:$0x1D50] =	vst v0;
	v0 =	vmul.f32 v2, v6  }
0x24b: {  	[tilespmem:$0x1C60] =	vst v3  }
0x24c: {  	[tilespmem:$0x1D60] =	vst v0;
	v0 =	vmul.f32 v4, v6  }
0x24d: {  	[tilespmem:$0x1C70] =	vst v5  }
0x24e: {  	s10 =	simm.s32 $0x1C00;
	[tilespmem:$0x1D70] =	vst v0  }
0x24f: {  	[spmem:s5] =	stream.indirect.scatter.add.f32 [tilespmem:s0], [sflag:$0x5], $0x8, s10, s3, $0xb8;
	[tilespmem:$0x1DB10] =	vst v63  }
0x250: {  	s11 =	simm.s32 $0x1D00  }
0x251: {  	[spmem:s6] =	stream.indirect.scatter.add.f32 [tilespmem:s11], [sflag:$0x5], $0x1, s10, s3, $0xb8;
	[tilespmem:$0x1DB10] =	vst v63  }
0x252: {  	v0 =	vld [tilespmem:$0x280]  }
0x253: {  	v1 =	vld [tilespmem:$0x80]  }
0x254: {  	v2 =	vld [tilespmem:$0x290]  }
0x255: {  	v3 =	vld [tilespmem:$0x90]  }
0x256: {  	v4 =	vld [tilespmem:$0x2A0]  }
0x257: {  	v5 =	vld [tilespmem:$0xA0];
	v0 =	vmul.f32 v0, v6  }
0x258: {  	[tilespmem:$0x1C80] =	vst v1;
	v1 =	vld [tilespmem:$0x2B0]  }
0x259: {  	[tilespmem:$0x1D80] =	vst v0;
	v0 =	vmul.f32 v2, v6;
	v2 =	vld [tilespmem:$0xB0]  }
0x25a: {  	[tilespmem:$0x1C90] =	vst v3;
	v3 =	vld [tilespmem:$0x2C0]  }
0x25b: {  	[tilespmem:$0x1D90] =	vst v0;
	v0 =	vmul.f32 v4, v6;
	v4 =	vld [tilespmem:$0xC0]  }
0x25c: {  	[tilespmem:$0x1CA0] =	vst v5;
	v5 =	vld [tilespmem:$0x2D0]  }
0x25d: {  	[tilespmem:$0x1DA0] =	vst v0;
	v0 =	vmul.f32 v1, v6;
	v1 =	vld [tilespmem:$0xD0]  }
0x25e: {  	[tilespmem:$0x1CB0] =	vst v2;
	v2 =	vld [tilespmem:$0x2E0]  }
0x25f: {  	[tilespmem:$0x1DB0] =	vst v0;
	v0 =	vmul.f32 v3, v6;
	v3 =	vld [tilespmem:$0xE0]  }
0x260: {  	[tilespmem:$0x1CC0] =	vst v4;
	v4 =	vld [tilespmem:$0x2F0]  }
0x261: {  	[tilespmem:$0x1DC0] =	vst v0;
	v0 =	vmul.f32 v5, v6;
	v5 =	vld [tilespmem:$0xF0]  }
0x262: {  	[tilespmem:$0x1CD0] =	vst v1  }
0x263: {  	[tilespmem:$0x1DD0] =	vst v0;
	v0 =	vmul.f32 v2, v6  }
0x264: {  	[tilespmem:$0x1CE0] =	vst v3  }
0x265: {  	[tilespmem:$0x1DE0] =	vst v0;
	v0 =	vmul.f32 v4, v6  }
0x266: {  	[tilespmem:$0x1CF0] =	vst v5  }
0x267: {  	s12 =	simm.s32 $0x1800;
	s10 =	simm.s32 $0x1C80;
	[tilespmem:$0x1DF0] =	vst v0  }
0x268: {  	[spmem:s5] =	stream.indirect.scatter.add.f32 [tilespmem:s12], [sflag:$0x5], $0x8, s10, s3, $0xb8;
	[tilespmem:$0x1DB10] =	vst v63  }
0x269: {  	s17 =	simm.s32 $0x1D80;
	s12 =	rddreg [dreg:$0x1a]  }
0x26a: {  	[spmem:s6] =	stream.indirect.scatter.add.f32 [tilespmem:s17], [sflag:$0x5], $0x1, s10, s3, $0xb8;
	[tilespmem:$0x1DB10] =	vst v63  }
0x26b: {  	s10 =	sadd.s32 s16, s12  }
0x26c: {  	s10 =	smin.u32 s10, $0x30D3  }
0x26d: {  	s10 =	sshll.u32 s10, $0x5  }
0x26e: {  	s12 =	simm.s32 $0x0;
	s17 =	sadd.s32 s8, s10  }
0x26f: {  	[tilespmem:s12], [sflag:$0x1] =	stream.linear.gather [hbm4b:s17+s12], $0x100, $0x38;
	[tilespmem:$0x1DB10] =	vst v63  }
0x270: {  	s17 =	sadd.s32 s9, s10  }
0x271: {  	[tilespmem:s14], [sflag:$0x1] =	stream.linear.gather [hbm4b:s17+s12], $0x100, $0x38;
	[tilespmem:$0x1DB10] =	vst v63  }
0x272: {  	s17 =	rddreg [dreg:$0x2]  }
0x273: {  	s11 =	sadd.s32 s17, s10;
	s17 =	simm.s32 $0x200  }
0x274: {  	[tilespmem:s17], [sflag:$0x1] =	stream.linear.gather [hbm4b:s11+s12], $0x100, $0x38;
	[tilespmem:$0x1DB10] =	vst v63  }
0x275: {  	s17 =	rddreg [dreg:$0x3]  }
0x276: {  	s11 =	simm.s32 $0x30;
	s10 =	sadd.s32 s17, s10;
	s17 =	simm.s32 $0x300  }
0x277: {  	[tilespmem:s17], [sflag:$0x1] =	stream.linear.gather [hbm4b:s10+s12], $0x100, $0x38;
	[tilespmem:$0x1DB10] =	vst v63  }
0x278: {  	v0 =	vmov s11;
	_ =	swait.ge [sflag:s13], $0x800  }
0x279: {  	v0 =	vshll.u32 v0, $0x3;
	[sflag:s13] =	ssyncset.done $0x0  }
0x27a: {  	v2 =	vor.u32 v59, v0;
	[sflag:s13] =	ssyncadd.s32 $0xFFFFF800  }
0x27b: {  	v8 =	vor.u32 v9, v2;
	v2 =	vor.u32 v52, v0;
	_ =	swait.ge [sflag:s13], $0x800  }
0x27c: {  	v12 =	vor.u32 v9, v2;
	v2 =	vld [tilespmem:$0x1FF40];
	_ =	sdelay $0x1  }
0x27d: {  	v4 =	vor.u32 v51, v0;
	s17 =	sld [smem:$0x7FD]  }
0x27e: {  	v13 =	vor.u32 v9, v4;
	v4 =	vor.u32 v32, v0  }
0x27f: {  	v1 =	vor.u32 v30, v0;
	v18 =	vor.u32 v9, v4;
	v4 =	vor.u32 v26, v0  }
0x280: {  	v20 =	vor.u32 v9, v4;
	v4 =	vor.u32 v56, v0;
	p1 =	slt.u32 s16, s17;
	s17 =	simm.s32 $0x10;
	v0 =	vor.u32 v2, v0  }
0x281: {  	v27 =	vor.u32 v9, v0;
	v0 =	vmov s17  }
0x282: {  	v0 =	vshll.u32 v0, $0x3  }
0x283: {  	v10 =	vor.u32 v59, v0  }
0x284: {  	v22 =	vor.u32 v9, v10;
	v10 =	vld [tilespmem:$0x1FF30];
	_ =	sdelay $0x1  }
0x285: {  	v1 =	vor.u32 v9, v1;
	s17 =	simm.s32 $0x20  }
0x286: {  	v7 =	vld [tilespmem:$0x1FF30];
	v6 =	vmov s17  }
0x287: {  	[sflag:s13] =	ssyncset.done $0x0;
	v17 =	vld [tilespmem:$0x1FF70];
	v6 =	vshll.u32 v6, $0x3  }
0x288: {  	s10 =	simm.s32 $0x2120;
	[sflag:s13] =	ssyncadd.s32 $0xFFFFF800;
	v43 =	vor.u32 v10, v6;
	v10 =	vld [tilespmem:$0x1FF70]  }
0x289: {  	v3 =	vld [tilespmem:s10+$0x10]  }
0x28a: {  	v24 =	vld.idx.msk [tilespmem:v1+s26+$0x0], $0xffff  }
0x28b: {  	v5 =	vld.idx.msk [tilespmem:v1+s28+$0x0], $0xffff  }
0x28c: {  	v14 =	vld.idx.msk [tilespmem:v8+s26+$0x0], $0xffff  }
0x28d: {  	v48 =	vor.u32 v10, v6;
	v10 =	vld [tilespmem:$0x1FF60]  }
0x28e: {  	v60 =	vld.idx.msk [tilespmem:v8+s28+$0x0], $0xffff  }
0x28f: {  	v23 =	vld.idx.msk [tilespmem:v13+s26+$0x0], $0xffff;
	v7 =	vor.u32 v7, v0  }
0x290: {  	v25 =	vld.idx.msk [tilespmem:v13+s28+$0x0], $0xffff;
	v26 =	vor.u32 v9, v7;
	v7 =	vor.u32 v51, v0  }
0x291: {  	v42 =	vld [tilespmem:s10+$0xFFFFFFE0];
	v44 =	vor.u32 v59, v6;
	v45 =	vor.u32 v52, v6;
	v47 =	vor.u32 v51, v6  }
0x292: {  	v51 =	vor.u32 v56, v6;
	v62 =	vor.u32 v2, v6;
	v50 =	vor.u32 v10, v6;
	v6 =	vld [tilespmem:$0x1FF90]  }
0x293: {  	v46 =	vld [tilespmem:s10+$0xFFFFFFF0]  }
0x294: {  	v49 =	vld [tilespmem:s10+$0x0]  }
0x295: {  	v19 =	vor.u32 v9, v4;
	v4 =	vmov s12;
	v16 =	vld.idx.msk [tilespmem:v12+s26+$0x0], $0xffff  }
0x296: {  	v4 =	vshll.u32 v4, $0x3;
	v21 =	vld.idx.msk [tilespmem:v12+s28+$0x0], $0xffff;
	v11 =	vor.u32 v52, v0  }
0x297: {  	v31 =	vor.u32 v9, v11;
	v11 =	vor.u32 v6, v4;
	v6 =	vld [tilespmem:$0x1FF80]  }
0x298: {  	v28 =	vld.idx.msk [tilespmem:v18+s26+$0x0], $0xffff  }
0x299: {  	v29 =	vld.idx.msk [tilespmem:v18+s28+$0x0], $0xffff  }
0x29a: {  	v10 =	vld [tilespmem:$0x1FF30]  }
0x29b: {  	v30 =	vld.idx.msk [tilespmem:v20+s26+$0x0], $0xffff  }
0x29c: {  	v58 =	vor.u32 v6, v4;
	v6 =	vld [tilespmem:$0x1FF70]  }
0x29d: {  	v32 =	vld.idx.msk [tilespmem:v20+s28+$0x0], $0xffff  }
0x29e: {  	v35 =	vld.idx.msk [tilespmem:v19+s26+$0x0], $0xffff  }
0x29f: {  	v52 =	vor.u32 v10, v4;
	v10 =	vld.idx.msk [tilespmem:v26+s26+$0x0], $0xffff  }
0x2a0: {  	v34 =	vor.u32 v17, v0;
	v17 =	vld [tilespmem:$0x1FF60]  }
0x2a1: {  	v55 =	vor.u32 v59, v4;
	v59 =	vor.u32 v6, v4;
	v6 =	vld [tilespmem:$0x1FF60]  }
0x2a2: {  	v37 =	vld.idx.msk [tilespmem:v19+s28+$0x0], $0xffff  }
0x2a3: {  	v39 =	vld.idx.msk [tilespmem:v27+s26+$0x0], $0xffff  }
0x2a4: {  	v41 =	vor.u32 v56, v0;
	v40 =	vld.idx.msk [tilespmem:v27+s28+$0x0], $0xffff;
	[tilespmem:$0x1F940] =	vst v10  }
0x2a5: {  	v36 =	vor.u32 v17, v0;
	v0 =	vor.u32 v2, v0;
	v10 =	vmov v2;
	v2 =	vld.idx.msk [tilespmem:v26+s28+$0x0], $0xffff  }
0x2a6: {  	v61 =	vor.u32 v6, v4;
	v6 =	vld [tilespmem:$0x1FF50];
	_ =	sdelay $0x4  }
0x2a7: {  	[tilespmem:$0x1F950] =	vst v2;
	v2 =	vor.u32 v6, v4  }
0x2a8: {  	v56 =	vld.idx.msk [tilespmem:v22+s26+$0x0], $0xffff;
	[tilespmem:$0x1F9A0] =	vst v2;
	v2 =	vor.u32 v10, v4  }
0x2a9: {  	v53 =	vld.idx.msk [tilespmem:v22+s28+$0x0], $0xffff;
	[tilespmem:$0x1F9B0] =	vst v2  }
0x2aa: {  	v2 =	vld.idx.msk [tilespmem:v31+s26+$0x0], $0xffff  }
0x2ab: {  	v33 =	vor.u32 v9, v7;
	_ =	sdelay $0x3  }
0x2ac: {  	s11 =	simm.f32 $1.000000000e+00;
	v54 =	vld [tilespmem:$0x1FFB0];
	[tilespmem:$0x1F960] =	vst v2  }
0x2ad: {  	s11 =	simm.s32 @!p1 $0x0;
	v4 =	vld.idx.msk [tilespmem:v33+s26+$0x0], $0xffff  }
0x2ae: {  	v15 =	vmov s11;
	v38 =	vor.u32 v9, v34  }
0x2af: {  	v63 =	vmul.f32 v3, v15  }
0x2b0: {  	v10 =	vor.u32 v9, v0;
	v0 =	vsub.f32 v24, v5  }
0x2b1: {  	v3 =	vperm.xlane v63, v54  }
0x2b2: {  	v34 =	vor.u32 v9, v36;
	v36 =	vor.u32 v9, v41;
	v0 =	vmax.f32 v0, $0.0e+00;
	v41 =	vld.idx.msk [tilespmem:v31+s28+$0x0], $0xffff;
	[tilespmem:$0x1F970] =	vst v4  }
0x2b3: {  	v5 =	vor.u32 v9, v48;
	v48 =	vmul.f32 v3, v0;
	v0 =	vld.idx.msk [tilespmem:v38+s26+$0x0], $0xffff;
	_ =	sdelay $0x4  }
0x2b4: {  	v57 =	vor.u32 v9, v43;
	v43 =	vld.idx.msk [tilespmem:v33+s28+$0x0], $0xffff;
	[tilespmem:$0x1F980] =	vst v0  }
0x2b5: {  	v0 =	vld.idx.msk [tilespmem:v38+s28+$0x0], $0xffff;
	_ =	sdelay $0x4  }
0x2b6: {  	[tilespmem:$0x1F990] =	vst v0  }
0x2b7: {  	v14 =	vsub.f32 v14, v60;
	v60 =	vld [tilespmem:$0x1FFC0];
	[tilespmem:v1+s15+$0x0] =	vst.idx.msk $0xffff, v48  }
0x2b8: {  	v24 =	vld [tilespmem:$0x1FFD0];
	_ =	sdelay $0x1  }
0x2b9: {  	v7 =	vor.u32 v9, v62;
	v62 =	vld [tilespmem:$0x1FFE0];
	_ =	sdelay $0x1  }
0x2ba: {  	v16 =	vsub.f32 v16, v21;
	v21 =	vsub.f32 v23, v25;
	v23 =	vperm.xlane v63, v60  }
0x2bb: {  	v14 =	vmax.f32 v14, $0.0e+00;
	v2 =	vor.u32 v9, v44;
	v44 =	vld.idx.msk [tilespmem:v34+s26+$0x0], $0xffff;
	v25 =	vperm.xlane v63, v24  }
0x2bc: {  	v28 =	vsub.f32 v28, v29;
	v16 =	vmax.f32 v16, $0.0e+00;
	v14 =	vmul.f32 v23, v14;
	v29 =	vld.idx.msk [tilespmem:v34+s28+$0x0], $0xffff  }
0x2bd: {  	v23 =	vsub.f32 v30, v32;
	v48 =	vld.idx.msk [tilespmem:v36+s26+$0x0], $0xffff;
	v30 =	vperm.xlane v63, v62;
	v16 =	vmul.f32 v25, v16  }
0x2be: {  	v21 =	vmax.f32 v21, $0.0e+00;
	v1 =	vld [tilespmem:$0x1FFF0];
	[tilespmem:v8+s15+$0x0] =	vst.idx.msk $0xffff, v14  }
0x2bf: {  	v3 =	vld [tilespmem:$0x1FF00];
	v21 =	vmul.f32 v30, v21;
	[tilespmem:v12+s15+$0x0] =	vst.idx.msk $0xffff, v16  }
0x2c0: {  	v4 =	vld [tilespmem:$0x1FF10]  }
0x2c1: {  	v32 =	vld.idx.msk [tilespmem:v36+s28+$0x0], $0xffff;
	[tilespmem:v13+s15+$0x0] =	vst.idx.msk $0xffff, v21  }
0x2c2: {  	v45 =	vor.u32 v9, v45;
	v47 =	vor.u32 v9, v47;
	v0 =	vld [tilespmem:$0x1FF20]  }
0x2c3: {  	v28 =	vmax.f32 v28, $0.0e+00;
	v6 =	vor.u32 v9, v50;
	v14 =	vld.idx.msk [tilespmem:v10+s26+$0x0], $0xffff;
	v50 =	vperm.xlane v63, v1  }
0x2c4: {  	v17 =	vor.u32 v9, v51;
	v8 =	vperm.xlane v63, v3;
	v25 =	vsub.f32 v35, v37;
	v30 =	vld.idx.msk [tilespmem:v57+s26+$0x0], $0xffff  }
0x2c5: {  	v23 =	vmax.f32 v23, $0.0e+00;
	v28 =	vmul.f32 v50, v28;
	v35 =	vld.idx.msk [tilespmem:v57+s28+$0x0], $0xffff;
	v12 =	vperm.xlane v63, v4  }
0x2c6: {  	v51 =	vsub.f32 v39, v40;
	v16 =	vld.idx.msk [tilespmem:v10+s28+$0x0], $0xffff;
	v13 =	vmul.f32 v8, v23;
	v23 =	vmax.f32 v25, $0.0e+00;
	[tilespmem:$0x1FA10] =	vst v2  }
0x2c7: {  	v39 =	vld.idx.msk [tilespmem:v2+s26+$0x0], $0xffff;
	[tilespmem:v18+s15+$0x0] =	vst.idx.msk $0xffff, v28;
	v21 =	vperm.xlane v63, v0;
	v12 =	vmul.f32 v12, v23  }
0x2c8: {  	v25 =	vmax.f32 v51, $0.0e+00;
	v40 =	vld.idx.msk [tilespmem:v2+s28+$0x0], $0xffff;
	[tilespmem:v20+s15+$0x0] =	vst.idx.msk $0xffff, v13  }
0x2c9: {  	v50 =	vld.idx.msk [tilespmem:v45+s28+$0x0], $0xffff;
	v28 =	vmul.f32 v21, v25;
	v25 =	vmul.f32 v42, v15;
	[tilespmem:v19+s15+$0x0] =	vst.idx.msk $0xffff, v12  }
0x2ca: {  	v13 =	vld.idx.msk [tilespmem:v45+s26+$0x0], $0xffff;
	[tilespmem:$0x1FA70] =	vst v15  }
0x2cb: {  	v2 =	vperm.xlane v25, v54;
	v42 =	vld.idx.msk [tilespmem:v47+s26+$0x0], $0xffff  }
0x2cc: {  	[tilespmem:v27+s15+$0x0] =	vst.idx.msk $0xffff, v28;
	v27 =	vmul.f32 v46, v15;
	v46 =	vld.idx.msk [tilespmem:v47+s28+$0x0], $0xffff  }
0x2cd: {  	[tilespmem:$0x1FA60] =	vst v2;
	v2 =	vld [tilespmem:$0x1F940]  }
0x2ce: {  	v21 =	vor.u32 v9, v11;
	v11 =	vld [tilespmem:$0x1F950];
	_ =	sdelay $0x4  }
0x2cf: {  	v12 =	vor.u32 v9, v59;
	v59 =	vsub.f32 v2, v11;
	v2 =	vperm.xlane v25, v60  }
0x2d0: {  	[tilespmem:$0x1FA30] =	vst v5  }
0x2d1: {  	v51 =	vld.idx.msk [tilespmem:v5+s26+$0x0], $0xffff;
	[tilespmem:$0x1FAA0] =	vst v2  }
0x2d2: {  	v2 =	vld.idx.msk [tilespmem:v5+s28+$0x0], $0xffff  }
0x2d3: {  	v5 =	vld [tilespmem:$0x1F960];
	_ =	sdelay $0x3  }
0x2d4: {  	v20 =	vor.u32 v9, v61;
	v61 =	vperm.xlane v27, v54  }
0x2d5: {  	v37 =	vmax.f32 v59, $0.0e+00;
	[tilespmem:$0x1FA40] =	vst v6;
	v11 =	vsub.f32 v5, v41;
	v5 =	vld [tilespmem:$0x1F970]  }
0x2d6: {  	v37 =	vmul.f32 v61, v37;
	v28 =	vld.idx.msk [tilespmem:v6+s26+$0x0], $0xffff  }
0x2d7: {  	v8 =	vor.u32 v9, v52;
	v52 =	vsub.f32 v56, v53;
	v53 =	vld.idx.msk [tilespmem:v6+s28+$0x0], $0xffff;
	[tilespmem:$0x1FA50] =	vst v17  }
0x2d8: {  	[tilespmem:v26+s15+$0x0] =	vst.idx.msk $0xffff, v37  }
0x2d9: {  	v6 =	vld [tilespmem:$0x1F990]  }
0x2da: {  	v49 =	vmul.f32 v49, v15;
	v15 =	vsub.f32 v5, v43;
	v5 =	vld [tilespmem:$0x1F980];
	_ =	sdelay $0x1  }
0x2db: {  	v23 =	vor.u32 v9, v55;
	v55 =	vperm.xlane v27, v60  }
0x2dc: {  	v63 =	vor.u32 v9, v58;
	v56 =	vperm.xlane v27, v24;
	v58 =	vperm.xlane v27, v1  }
0x2dd: {  	v59 =	vperm.xlane v27, v3;
	v61 =	vperm.xlane v27, v0  }
0x2de: {  	v41 =	vperm.xlane v27, v62;
	v26 =	vperm.xlane v27, v4;
	v27 =	vsub.f32 v5, v6;
	v6 =	vld.idx.msk [tilespmem:v7+s26+$0x0], $0xffff;
	_ =	sdelay $0x3  }
0x2df: {  	v18 =	vld.idx.msk [tilespmem:v17+s28+$0x0], $0xffff  }
0x2e0: {  	v43 =	vld.idx.msk [tilespmem:v17+s26+$0x0], $0xffff;
	[tilespmem:$0x1FA20] =	vst v6  }
0x2e1: {  	v5 =	vld.idx.msk [tilespmem:v23+s26+$0x0], $0xffff;
	_ =	sdelay $0x1  }
0x2e2: {  	v52 =	vmax.f32 v52, $0.0e+00  }
0x2e3: {  	v37 =	vsub.f32 v48, v32;
	v48 =	vmul.f32 v55, v52;
	v11 =	vmax.f32 v11, $0.0e+00;
	v19 =	vld.idx.msk [tilespmem:v7+s28+$0x0], $0xffff  }
0x2e4: {  	v11 =	vmul.f32 v56, v11;
	v15 =	vmax.f32 v15, $0.0e+00;
	v27 =	vmax.f32 v27, $0.0e+00;
	v52 =	vld.idx.msk [tilespmem:v8+s26+$0x0], $0xffff  }
0x2e5: {  	v15 =	vmul.f32 v41, v15;
	v56 =	vmul.f32 v58, v27;
	v27 =	vmax.f32 v37, $0.0e+00;
	v41 =	vld.idx.msk [tilespmem:v8+s28+$0x0], $0xffff;
	[tilespmem:$0x1FA80] =	vst v5  }
0x2e6: {  	v58 =	vmul.f32 v26, v27;
	[tilespmem:v22+s15+$0x0] =	vst.idx.msk $0xffff, v48;
	v26 =	vld.idx.msk [tilespmem:v63+s26+$0x0], $0xffff  }
0x2e7: {  	v5 =	vld [tilespmem:$0x1F9A0]  }
0x2e8: {  	v29 =	vsub.f32 v44, v29;
	v14 =	vsub.f32 v14, v16;
	v37 =	vld.idx.msk [tilespmem:v23+s28+$0x0], $0xffff  }
0x2e9: {  	v44 =	vperm.xlane v49, v54;
	v27 =	vld.idx.msk [tilespmem:v21+s26+$0x0], $0xffff  }
0x2ea: {  	v14 =	vmax.f32 v14, $0.0e+00;
	v22 =	vmax.f32 v29, $0.0e+00;
	v29 =	vsub.f32 v30, v35;
	v30 =	vld.idx.msk [tilespmem:v21+s28+$0x0], $0xffff;
	[tilespmem:$0x1F9C0] =	vst v63  }
0x2eb: {  	v13 =	vsub.f32 v13, v50;
	v14 =	vmul.f32 v61, v14;
	v61 =	vsub.f32 v39, v40;
	[tilespmem:$0x1FA90] =	vst v26  }
0x2ec: {  	v48 =	vmul.f32 v59, v22;
	v29 =	vmax.f32 v29, $0.0e+00;
	v22 =	vor.u32 v9, v5;
	v5 =	vld [tilespmem:$0x1F9B0];
	[tilespmem:v31+s15+$0x0] =	vst.idx.msk $0xffff, v11  }
0x2ed: {  	v16 =	vperm.xlane v49, v24;
	v44 =	vmul.f32 v44, v29;
	v29 =	vld.idx.msk [tilespmem:v63+s28+$0x0], $0xffff;
	[tilespmem:v33+s15+$0x0] =	vst.idx.msk $0xffff, v15  }
0x2ee: {  	v13 =	vmax.f32 v13, $0.0e+00;
	v11 =	vmax.f32 v61, $0.0e+00;
	v61 =	vsub.f32 v42, v46;
	v31 =	vld.idx.msk [tilespmem:v12+s26+$0x0], $0xffff;
	[tilespmem:$0x1F9D0] =	vst v12  }
0x2ef: {  	v13 =	vmul.f32 v16, v13;
	v59 =	vperm.xlane v49, v62;
	v35 =	vld.idx.msk [tilespmem:v12+s28+$0x0], $0xffff;
	[tilespmem:v38+s15+$0x0] =	vst.idx.msk $0xffff, v56  }
0x2f0: {  	v17 =	vperm.xlane v49, v60;
	v16 =	vmax.f32 v61, $0.0e+00;
	v33 =	vld.idx.msk [tilespmem:v20+s26+$0x0], $0xffff;
	[tilespmem:v34+s15+$0x0] =	vst.idx.msk $0xffff, v48  }
0x2f1: {  	v16 =	vmul.f32 v59, v16;
	v59 =	vld [tilespmem:$0x1FFA0]  }
0x2f2: {  	v11 =	vmul.f32 v17, v11;
	v55 =	vor.u32 v9, v5;
	[tilespmem:$0x1F9E0] =	vst v20;
	v17 =	vld [tilespmem:$0x1FF30]  }
0x2f3: {  	v34 =	vld.idx.msk [tilespmem:v20+s28+$0x0], $0xffff;
	[tilespmem:v36+s15+$0x0] =	vst.idx.msk $0xffff, v58  }
0x2f4: {  	v36 =	vld.idx.msk [tilespmem:v22+s26+$0x0], $0xffff;
	[tilespmem:v10+s15+$0x0] =	vst.idx.msk $0xffff, v14  }
0x2f5: {  	s17 =	simm.s32 $0x70;
	[tilespmem:$0x1F9F0] =	vst v22;
	v54 =	vld [tilespmem:$0x1FF50]  }
0x2f6: {  	v15 =	vmov s17;
	v38 =	vld.idx.msk [tilespmem:v22+s28+$0x0], $0xffff  }
0x2f7: {  	v40 =	vperm.xlane v49, v1;
	v15 =	vshll.u32 v15, $0x3;
	v39 =	vld.idx.msk [tilespmem:v55+s26+$0x0], $0xffff;
	[tilespmem:$0x1FA00] =	vst v55  }
0x2f8: {  	v42 =	vperm.xlane v49, v3;
	v56 =	vor.u32 v17, v15;
	v17 =	vld [tilespmem:$0x1FF90];
	[tilespmem:v57+s15+$0x0] =	vst.idx.msk $0xffff, v44  }
0x2f9: {  	v43 =	vsub.f32 v43, v18;
	v18 =	vmovc v0;
	v61 =	vperm.xlane v49, v4;
	v49 =	vperm.xlane v49, v0;
	v0 =	vld [tilespmem:$0x1FA10];
	_ =	sdelay $0x4  }
0x2fa: {  	v63 =	vsub.f32 v51, v2;
	_ =	sdelay $0x1  }
0x2fb: {  	v14 =	vmax.f32 v63, $0.0e+00  }
0x2fc: {  	v14 =	vmul.f32 v40, v14;
	v40 =	vld.idx.msk [tilespmem:v55+s28+$0x0], $0xffff;
	[tilespmem:v0+s15+$0x0] =	vst.idx.msk $0xffff, v11  }
0x2fd: {  	v55 =	vor.u32 v17, v15;
	v17 =	vld [tilespmem:$0x1FF80];
	[tilespmem:v45+s15+$0x0] =	vst.idx.msk $0xffff, v13  }
0x2fe: {  	v0 =	vld [tilespmem:$0x1FA20];
	_ =	sdelay $0x3  }
0x2ff: {  	[tilespmem:v47+s15+$0x0] =	vst.idx.msk $0xffff, v16  }
0x300: {  	v58 =	vsub.f32 v0, v19;
	v0 =	vld [tilespmem:$0x1FA30];
	_ =	sdelay $0x7  }
0x301: {  	v16 =	vld [tilespmem:$0x1FF70];
	[tilespmem:v0+s15+$0x0] =	vst.idx.msk $0xffff, v14  }
0x302: {  	v0 =	vld [tilespmem:$0x1FA40];
	_ =	sdelay $0x2  }
0x303: {  	v63 =	vsub.f32 v28, v53;
	_ =	sdelay $0x1  }
0x304: {  	v50 =	vmax.f32 v63, $0.0e+00  }
0x305: {  	v10 =	vor.u32 v59, v15;
	v6 =	vmul.f32 v42, v50;
	v46 =	vor.u32 v9, v56  }
0x306: {  	v10 =	vor.u32 v9, v10  }
0x307: {  	v14 =	vld [tilespmem:$0x1FF60];
	[tilespmem:v0+s15+$0x0] =	vst.idx.msk $0xffff, v6  }
0x308: {  	s29 =	simm.s32 $0x2160;
	v0 =	vld [tilespmem:$0x1FA50]  }
0x309: {  	v32 =	vmov v7;
	v7 =	vld [tilespmem:s29+$0x10];
	v44 =	vor.u32 v9, v55;
	v57 =	vor.u32 v17, v15  }
0x30a: {  	v56 =	vmov v4;
	v4 =	vld.idx.msk [tilespmem:v46+s28+$0x0], $0xffff;
	v13 =	vor.u32 v9, v57  }
0x30b: {  	v5 =	vld.idx.msk [tilespmem:v10+s26+$0x0], $0xffff  }
0x30c: {  	v11 =	vld.idx.msk [tilespmem:v46+s26+$0x0], $0xffff;
	v16 =	vor.u32 v16, v15  }
0x30d: {  	v43 =	vmax.f32 v43, $0.0e+00;
	v45 =	vld.idx.msk [tilespmem:v10+s28+$0x0], $0xffff;
	v16 =	vor.u32 v9, v16  }
0x30e: {  	v43 =	vmul.f32 v61, v43;
	v2 =	vld.idx.msk [tilespmem:v44+s26+$0x0], $0xffff;
	v42 =	vmax.f32 v58, $0.0e+00  }
0x30f: {  	v20 =	vmov v3;
	v3 =	vmul.f32 v49, v42;
	v42 =	vld.idx.msk [tilespmem:v13+s26+$0x0], $0xffff  }
0x310: {  	v63 =	vld.idx.msk [tilespmem:v13+s28+$0x0], $0xffff;
	[tilespmem:v0+s15+$0x0] =	vst.idx.msk $0xffff, v43  }
0x311: {  	v26 =	vmov v1;
	v1 =	vld [tilespmem:$0x1FA60]  }
0x312: {  	v49 =	vld.idx.msk [tilespmem:v16+s28+$0x0], $0xffff;
	[tilespmem:v32+s15+$0x0] =	vst.idx.msk $0xffff, v3  }
0x313: {  	v41 =	vsub.f32 v52, v41;
	v17 =	vld [tilespmem:$0x1FF90]  }
0x314: {  	v6 =	vld.idx.msk [tilespmem:v44+s28+$0x0], $0xffff  }
0x315: {  	s11 =	simm.s32 $0x50;
	v41 =	vmax.f32 v41, $0.0e+00;
	v14 =	vor.u32 v14, v15;
	v58 =	vld [tilespmem:$0x1FF40]  }
0x316: {  	v14 =	vor.u32 v9, v14;
	v0 =	vmov s11;
	v28 =	vld [tilespmem:$0x1FA70];
	v12 =	vmul.f32 v1, v41  }
0x317: {  	v0 =	vshll.u32 v0, $0x3;
	v1 =	vld [tilespmem:$0x1FF30]  }
0x318: {  	v61 =	vor.u32 v54, v15;
	v48 =	vor.u32 v17, v0;
	v17 =	vld [tilespmem:$0x1FF80];
	[tilespmem:v8+s15+$0x0] =	vst.idx.msk $0xffff, v12  }
0x319: {  	v43 =	vor.u32 v9, v61;
	v22 =	vld [tilespmem:$0x1FFB0]  }
0x31a: {  	v2 =	vsub.f32 v2, v6;
	v6 =	vsub.f32 v42, v63;
	v42 =	vld [tilespmem:s29+$0xFFFFFFF0];
	v15 =	vor.u32 v58, v15  }
0x31b: {  	v61 =	vld.idx.msk [tilespmem:v14+s26+$0x0], $0xffff;
	v15 =	vor.u32 v9, v15  }
0x31c: {  	v3 =	vld.idx.msk [tilespmem:v16+s26+$0x0], $0xffff;
	v57 =	vor.u32 v59, v0;
	v7 =	vmul.f32 v7, v28  }
0x31d: {  	v4 =	vsub.f32 v11, v4;
	v32 =	vld.idx.msk [tilespmem:v14+s28+$0x0], $0xffff;
	v47 =	vor.u32 v9, v57;
	v1 =	vor.u32 v1, v0  }
0x31e: {  	v5 =	vsub.f32 v5, v45;
	v57 =	vld.idx.msk [tilespmem:v43+s28+$0x0], $0xffff;
	v1 =	vor.u32 v9, v1;
	v11 =	vperm.xlane v7, v22  }
0x31f: {  	v4 =	vmax.f32 v4, $0.0e+00;
	v8 =	vld.idx.msk [tilespmem:v43+s26+$0x0], $0xffff;
	v12 =	vperm.xlane v7, v60  }
0x320: {  	v5 =	vmax.f32 v5, $0.0e+00;
	v41 =	vld.idx.msk [tilespmem:v15+s26+$0x0], $0xffff;
	v4 =	vmul.f32 v11, v4  }
0x321: {  	v5 =	vmul.f32 v12, v5;
	v12 =	vld.idx.msk [tilespmem:v15+s28+$0x0], $0xffff  }
0x322: {  	v63 =	vperm.xlane v7, v24;
	[tilespmem:v46+s15+$0x0] =	vst.idx.msk $0xffff, v4;
	v4 =	vor.u32 v9, v48;
	v48 =	vld.idx.msk [tilespmem:v47+s26+$0x0], $0xffff  }
0x323: {  	v2 =	vmax.f32 v2, $0.0e+00;
	v11 =	vperm.xlane v7, v62;
	[tilespmem:v10+s15+$0x0] =	vst.idx.msk $0xffff, v5;
	v10 =	vld.idx.msk [tilespmem:v1+s26+$0x0], $0xffff  }
0x324: {  	v6 =	vmax.f32 v6, $0.0e+00;
	v2 =	vmul.f32 v63, v2;
	v5 =	vld [tilespmem:$0x1FF70]  }
0x325: {  	v3 =	vsub.f32 v3, v49;
	v32 =	vsub.f32 v61, v32;
	v6 =	vmul.f32 v11, v6;
	v11 =	vld [tilespmem:$0x1FF60]  }
0x326: {  	v50 =	vor.u32 v17, v0;
	v8 =	vsub.f32 v8, v57;
	[tilespmem:v44+s15+$0x0] =	vst.idx.msk $0xffff, v2;
	v2 =	vld.idx.msk [tilespmem:v1+s28+$0x0], $0xffff  }
0x327: {  	v3 =	vmax.f32 v3, $0.0e+00;
	v49 =	vmax.f32 v32, $0.0e+00;
	v46 =	vor.u32 v9, v50;
	v61 =	vld [tilespmem:$0x1FF90]  }
0x328: {  	v55 =	vperm.xlane v7, v26;
	v63 =	vperm.xlane v7, v56;
	v8 =	vmax.f32 v8, $0.0e+00;
	v51 =	vld [tilespmem:$0x1FF80]  }
0x329: {  	v44 =	vor.u32 v54, v0;
	[tilespmem:v13+s15+$0x0] =	vst.idx.msk $0xffff, v6;
	v6 =	vld.idx.msk [tilespmem:v47+s28+$0x0], $0xffff;
	v13 =	vperm.xlane v7, v20  }
0x32a: {  	v3 =	vmul.f32 v55, v3;
	v8 =	vmul.f32 v63, v8;
	v44 =	vor.u32 v9, v44;
	v45 =	vld.idx.msk [tilespmem:v4+s26+$0x0], $0xffff  }
0x32b: {  	v12 =	vsub.f32 v41, v12;
	v57 =	vld.idx.msk [tilespmem:v4+s28+$0x0], $0xffff;
	v13 =	vmul.f32 v13, v49;
	v5 =	vor.u32 v5, v0  }
0x32c: {  	v7 =	vperm.xlane v7, v18;
	[tilespmem:v16+s15+$0x0] =	vst.idx.msk $0xffff, v3;
	v49 =	vld.idx.msk [tilespmem:v46+s26+$0x0], $0xffff;
	v5 =	vor.u32 v9, v5  }
0x32d: {  	v12 =	vmax.f32 v12, $0.0e+00;
	v3 =	vld.idx.msk [tilespmem:v46+s28+$0x0], $0xffff;
	v11 =	vor.u32 v11, v0;
	[tilespmem:v14+s15+$0x0] =	vst.idx.msk $0xffff, v13  }
0x32e: {  	v7 =	vmul.f32 v7, v12;
	v11 =	vor.u32 v9, v11;
	v17 =	vld [tilespmem:$0x1FF30]  }
0x32f: {  	s12 =	simm.s32 $0x60;
	v0 =	vor.u32 v58, v0;
	[tilespmem:v43+s15+$0x0] =	vst.idx.msk $0xffff, v8;
	v55 =	vld.idx.msk [tilespmem:v44+s26+$0x0], $0xffff  }
0x330: {  	v32 =	vmov s12;
	v12 =	vmul.f32 v42, v28;
	v0 =	vor.u32 v9, v0;
	[tilespmem:v15+s15+$0x0] =	vst.idx.msk $0xffff, v7;
	v15 =	vld.idx.msk [tilespmem:v44+s28+$0x0], $0xffff  }
0x331: {  	v14 =	vshll.u32 v32, $0x3;
	v2 =	vsub.f32 v10, v2;
	v16 =	vld.idx.msk [tilespmem:v5+s26+$0x0], $0xffff  }
0x332: {  	v53 =	vperm.xlane v12, v22;
	v10 =	vor.u32 v59, v14;
	v6 =	vsub.f32 v48, v6;
	v13 =	vld.idx.msk [tilespmem:v5+s28+$0x0], $0xffff  }
0x333: {  	v32 =	vor.u32 v54, v14;
	v2 =	vmax.f32 v2, $0.0e+00;
	v10 =	vor.u32 v9, v10;
	v41 =	vld.idx.msk [tilespmem:v11+s26+$0x0], $0xffff  }
0x334: {  	v7 =	vperm.xlane v12, v60;
	v45 =	vsub.f32 v45, v57;
	v6 =	vmax.f32 v6, $0.0e+00;
	v8 =	vld.idx.msk [tilespmem:v11+s28+$0x0], $0xffff  }
0x335: {  	v2 =	vmul.f32 v53, v2;
	v57 =	vor.u32 v61, v14;
	v52 =	vor.u32 v17, v14;
	v50 =	vld.idx.msk [tilespmem:v0+s26+$0x0], $0xffff  }
0x336: {  	v3 =	vsub.f32 v49, v3;
	v6 =	vmul.f32 v7, v6;
	v7 =	vld.idx.msk [tilespmem:v0+s28+$0x0], $0xffff;
	v42 =	vor.u32 v9, v52  }
0x337: {  	v53 =	vperm.xlane v12, v26;
	v45 =	vmax.f32 v45, $0.0e+00;
	[tilespmem:v1+s15+$0x0] =	vst.idx.msk $0xffff, v2;
	v2 =	vperm.xlane v12, v24;
	v52 =	vld [tilespmem:s29+$0x0]  }
0x338: {  	v1 =	vor.u32 v51, v14;
	[tilespmem:v47+s15+$0x0] =	vst.idx.msk $0xffff, v6;
	v15 =	vsub.f32 v55, v15;
	v55 =	vld.idx.msk [tilespmem:v10+s28+$0x0], $0xffff  }
0x339: {  	v43 =	vor.u32 v9, v57;
	v1 =	vor.u32 v9, v1;
	v6 =	vld [tilespmem:$0x1FF70];
	v2 =	vmul.f32 v2, v45  }
0x33a: {  	v57 =	vperm.xlane v12, v20;
	v3 =	vmax.f32 v3, $0.0e+00;
	v17 =	vld [tilespmem:$0x1FF60];
	v45 =	vor.u32 v9, v32  }
0x33b: {  	v32 =	vperm.xlane v12, v56;
	[tilespmem:v4+s15+$0x0] =	vst.idx.msk $0xffff, v2;
	v2 =	vperm.xlane v12, v62;
	v4 =	vld.idx.msk [tilespmem:v42+s26+$0x0], $0xffff  }
0x33c: {  	v15 =	vmax.f32 v15, $0.0e+00;
	v12 =	vperm.xlane v12, v18;
	v13 =	vsub.f32 v16, v13;
	v16 =	vld.idx.msk [tilespmem:v42+s28+$0x0], $0xffff  }
0x33d: {  	v8 =	vsub.f32 v41, v8;
	v7 =	vsub.f32 v50, v7;
	v2 =	vmul.f32 v2, v3;
	v3 =	vld.idx.msk [tilespmem:v10+s26+$0x0], $0xffff  }
0x33e: {  	v49 =	vmul.f32 v52, v28;
	v52 =	vld.idx.msk [tilespmem:v1+s28+$0x0], $0xffff;
	v6 =	vor.u32 v6, v14;
	v13 =	vmax.f32 v13, $0.0e+00  }
0x33f: {  	v8 =	vmax.f32 v8, $0.0e+00;
	v50 =	vld.idx.msk [tilespmem:v45+s26+$0x0], $0xffff;
	v6 =	vor.u32 v9, v6;
	v13 =	vmul.f32 v53, v13  }
0x340: {  	v63 =	vor.u32 v17, v14;
	[tilespmem:v46+s15+$0x0] =	vst.idx.msk $0xffff, v2;
	v2 =	vld.idx.msk [tilespmem:v43+s26+$0x0], $0xffff;
	v8 =	vmul.f32 v57, v8  }
0x341: {  	v15 =	vmul.f32 v32, v15;
	v47 =	vor.u32 v9, v63;
	v63 =	vld.idx.msk [tilespmem:v43+s28+$0x0], $0xffff;
	[tilespmem:v5+s15+$0x0] =	vst.idx.msk $0xffff, v13  }
0x342: {  	v14 =	vor.u32 v58, v14;
	v4 =	vsub.f32 v4, v16;
	v16 =	vld.idx.msk [tilespmem:v1+s26+$0x0], $0xffff;
	[tilespmem:v11+s15+$0x0] =	vst.idx.msk $0xffff, v8  }
0x343: {  	v7 =	vmax.f32 v7, $0.0e+00;
	v14 =	vor.u32 v9, v14;
	[tilespmem:v44+s15+$0x0] =	vst.idx.msk $0xffff, v15;
	v15 =	vld.idx.msk [tilespmem:v45+s28+$0x0], $0xffff  }
0x344: {  	v7 =	vmul.f32 v12, v7;
	v12 =	vperm.xlane v49, v22;
	v53 =	vld.idx.msk [tilespmem:v6+s26+$0x0], $0xffff  }
0x345: {  	v3 =	vsub.f32 v3, v55;
	v5 =	vld.idx.msk [tilespmem:v6+s28+$0x0], $0xffff;
	v4 =	vmax.f32 v4, $0.0e+00  }
0x346: {  	v55 =	vld.idx.msk [tilespmem:v47+s26+$0x0], $0xffff;
	v4 =	vmul.f32 v12, v4;
	v12 =	vperm.xlane v49, v60  }
0x347: {  	v8 =	vld.idx.msk [tilespmem:v47+s28+$0x0], $0xffff;
	v3 =	vmax.f32 v3, $0.0e+00  }
0x348: {  	v2 =	vsub.f32 v2, v63;
	v46 =	vld.idx.msk [tilespmem:v14+s26+$0x0], $0xffff;
	[tilespmem:v0+s15+$0x0] =	vst.idx.msk $0xffff, v7;
	v3 =	vmul.f32 v12, v3  }
0x349: {  	v7 =	vld.idx.msk [tilespmem:v14+s28+$0x0], $0xffff;
	v12 =	vperm.xlane v49, v24;
	v16 =	vsub.f32 v16, v52;
	[tilespmem:v42+s15+$0x0] =	vst.idx.msk $0xffff, v4  }
0x34a: {  	v31 =	vsub.f32 v31, v35;
	v0 =	vperm.xlane v49, v62;
	v2 =	vmax.f32 v2, $0.0e+00;
	v32 =	vld [tilespmem:$0x1FF70]  }
0x34b: {  	v2 =	vmul.f32 v12, v2;
	v4 =	vsub.f32 v53, v5;
	v12 =	vmax.f32 v16, $0.0e+00;
	v16 =	vld [tilespmem:$0x1FA80];
	[tilespmem:v10+s15+$0x0] =	vst.idx.msk $0xffff, v3  }
0x34c: {  	v3 =	vsub.f32 v55, v8;
	v0 =	vmul.f32 v0, v12;
	v12 =	vperm.xlane v49, v26  }
0x34d: {  	v13 =	vperm.xlane v25, v24;
	v10 =	vperm.xlane v49, v20;
	v4 =	vmax.f32 v4, $0.0e+00;
	[tilespmem:v43+s15+$0x0] =	vst.idx.msk $0xffff, v2  }
0x34e: {  	s17 =	simm.s32 $0x40;
	v11 =	vperm.xlane v25, v62;
	v4 =	vmul.f32 v12, v4;
	[tilespmem:v1+s15+$0x0] =	vst.idx.msk $0xffff, v0;
	v1 =	vmax.f32 v3, $0.0e+00  }
0x34f: {  	v44 =	vperm.xlane v25, v26;
	v2 =	vmov s17;
	v1 =	vmul.f32 v10, v1  }
0x350: {  	v63 =	vsub.f32 v39, v40;
	v0 =	vshll.u32 v2, $0x3;
	v2 =	vsub.f32 v27, v30;
	v30 =	vld [tilespmem:$0x1FF30];
	[tilespmem:v6+s15+$0x0] =	vst.idx.msk $0xffff, v4  }
0x351: {  	v19 =	vmov v18;
	v5 =	vperm.xlane v25, v20;
	v8 =	vperm.xlane v25, v56;
	v10 =	vld [tilespmem:s29+$0xFFFFFFE0];
	[tilespmem:v47+s15+$0x0] =	vst.idx.msk $0xffff, v1  }
0x352: {  	v7 =	vsub.f32 v46, v7;
	v12 =	vperm.xlane v25, v19;
	v25 =	vor.u32 v32, v0;
	v17 =	vld [tilespmem:$0x1FA90]  }
0x353: {  	v53 =	vor.u32 v54, v0;
	v16 =	vsub.f32 v16, v37;
	v4 =	vor.u32 v59, v0  }
0x354: {  	v48 =	vmovc v18;
	v6 =	vor.u32 v61, v0;
	v18 =	vor.u32 v9, v25;
	v1 =	vor.u32 v51, v0;
	v52 =	vld [tilespmem:$0x1FF60]  }
0x355: {  	v42 =	vor.u32 v9, v4;
	v19 =	vor.u32 v9, v1;
	v1 =	vld [tilespmem:$0x1FAA0];
	v3 =	vor.u32 v30, v0  }
0x356: {  	v41 =	vmovc v20;
	v47 =	vor.u32 v9, v6;
	v4 =	vmul.f32 v10, v28;
	v20 =	vor.u32 v9, v3  }
0x357: {  	v16 =	vmax.f32 v16, $0.0e+00;
	v10 =	vsub.f32 v36, v38;
	v57 =	vsub.f32 v17, v29  }
0x358: {  	v38 =	vor.u32 v9, v53;
	v3 =	vsub.f32 v33, v34;
	v6 =	vperm.xlane v4, v22  }
0x359: {  	v27 =	vor.u32 v52, v0;
	v17 =	vor.u32 v58, v0;
	v28 =	vmax.f32 v57, $0.0e+00  }
0x35a: {  	v0 =	vmax.f32 v2, $0.0e+00;
	v1 =	vmul.f32 v1, v16;
	v11 =	vmul.f32 v11, v28  }
0x35b: {  	v2 =	vsub.f32 v50, v15;
	v15 =	vperm.xlane v49, v56;
	v16 =	vld.idx.msk [tilespmem:v20+s26+$0x0], $0xffff;
	v28 =	vmax.f32 v31, $0.0e+00  }
0x35c: {  	v34 =	vmax.f32 v3, $0.0e+00;
	v0 =	vmul.f32 v13, v0;
	v13 =	vld.idx.msk [tilespmem:v20+s28+$0x0], $0xffff;
	v3 =	vmul.f32 v44, v28;
	[tilespmem:$0x1FAB0] =	vst v11  }
0x35d: {  	v25 =	vperm.xlane v4, v60;
	v22 =	vperm.xlane v4, v24;
	v2 =	vmax.f32 v2, $0.0e+00;
	v11 =	vld.idx.msk [tilespmem:v42+s26+$0x0], $0xffff  }
0x35e: {  	v2 =	vmul.f32 v15, v2;
	v31 =	vperm.xlane v49, v48;
	v15 =	vld.idx.msk [tilespmem:v42+s28+$0x0], $0xffff;
	[tilespmem:$0x1FAC0] =	vst v3  }
0x35f: {  	v10 =	vmax.f32 v10, $0.0e+00;
	v39 =	vmul.f32 v5, v34;
	v5 =	vmax.f32 v7, $0.0e+00;
	v3 =	vld.idx.msk [tilespmem:v47+s26+$0x0], $0xffff  }
0x360: {  	v43 =	vor.u32 v9, v27;
	v5 =	vmul.f32 v31, v5;
	[tilespmem:v45+s15+$0x0] =	vst.idx.msk $0xffff, v2;
	v2 =	vld.idx.msk [tilespmem:v47+s28+$0x0], $0xffff  }
0x361: {  	v29 =	vperm.xlane v4, v62;
	v33 =	vmul.f32 v8, v10;
	v7 =	vmax.f32 v63, $0.0e+00;
	v44 =	vld.idx.msk [tilespmem:v19+s26+$0x0], $0xffff;
	[tilespmem:$0x1FAD0] =	vst v19  }
0x362: {  	v28 =	vperm.xlane v4, v26;
	v8 =	vsub.f32 v16, v13;
	v26 =	vld.idx.msk [tilespmem:v19+s28+$0x0], $0xffff;
	[tilespmem:v14+s15+$0x0] =	vst.idx.msk $0xffff, v5  }
0x363: {  	v24 =	vmov v56;
	v27 =	vor.u32 v9, v17;
	v35 =	vmul.f32 v12, v7;
	v34 =	vld.idx.msk [tilespmem:v18+s26+$0x0], $0xffff;
	[tilespmem:$0x1FAE0] =	vst v18  }
0x364: {  	v56 =	vmovc v20;
	v12 =	vperm.xlane v4, v48;
	v31 =	vperm.xlane v4, v24;
	v7 =	vmax.f32 v8, $0.0e+00;
	v37 =	vld.idx.msk [tilespmem:v18+s28+$0x0], $0xffff  }
0x365: {  	s30 =	simm.s32 $0x4;
	s12 =	simm.s32 $0x80;
	v19 =	vperm.xlane v4, v41;
	v5 =	vsub.f32 v11, v15;
	v4 =	vmul.f32 v6, v7;
	v55 =	vld.idx.msk [tilespmem:v43+s26+$0x0], $0xffff  }
.LBB2_5:
0x366: {  	_ =	sdelay $0x3  }
0x367: {  	[tilespmem:$0x1F7C0] =	vst v39;
	v2 =	vsub.f32 v3, v2  }
0x368: {  	[tilespmem:$0x1F7D0] =	vst v43  }
0x369: {  	[tilespmem:$0x1F7B0] =	vst v2;
	v2 =	vld.idx.msk [tilespmem:v43+s28+$0x0], $0xffff  }
0x36a: {  	[tilespmem:$0x1F7E0] =	vst v33;
	s17 =	sadd.s32 $0x30, s12  }
0x36b: {  	[tilespmem:$0x1F7F0] =	vst v35;
	v7 =	vmov s17  }
0x36c: {  	s10 =	sadd.s32 $0x10, s12;
	v11 =	vshll.u32 v7, $0x3;
	[tilespmem:v23+s15+$0x0] =	vst.idx.msk $0xffff, v1;
	v1 =	vmov v42  }
0x36d: {  	v60 =	vld [tilespmem:$0x1FFC0];
	v10 =	vor.u32 v30, v11;
	v50 =	vor.u32 v59, v11;
	[tilespmem:$0x1F910] =	vst v1;
	v1 =	vmov s10  }
0x36e: {  	v15 =	vor.u32 v9, v10;
	v42 =	vor.u32 v9, v50;
	v1 =	vshll.u32 v1, $0x3;
	[tilespmem:$0x1F760] =	vst v2;
	v2 =	vld.idx.msk [tilespmem:v38+s26+$0x0], $0xffff  }
0x36f: {  	[tilespmem:$0x1F8E0] =	vst v12;
	v62 =	vld [tilespmem:$0x1FFE0];
	v12 =	vor.u32 v30, v1;
	v13 =	vor.u32 v59, v1;
	v14 =	vor.u32 v61, v1  }
0x370: {  	v57 =	vld [tilespmem:$0x1FFF0];
	[tilespmem:$0x1F750] =	vst v44;
	v16 =	vor.u32 v51, v1;
	v41 =	vor.u32 v32, v1;
	v44 =	vor.u32 v52, v1  }
0x371: {  	[tilespmem:$0x1F810] =	vst v38;
	s29 =	sadd.s32 $0x40, s29;
	v63 =	vld [tilespmem:$0x1FF10];
	v45 =	vor.u32 v54, v1;
	v46 =	vor.u32 v58, v1;
	v1 =	vor.u32 v61, v11  }
0x372: {  	[tilespmem:$0x1F850] =	vst v25;
	v17 =	vld [tilespmem:s29+$0x10];
	v18 =	vor.u32 v9, v1  }
0x373: {  	[tilespmem:$0x1F770] =	vst v2;
	v2 =	vld.idx.msk [tilespmem:v38+s28+$0x0], $0xffff  }
0x374: {  	[tilespmem:$0x1F860] =	vst v22;
	s11 =	sadd.s32 $0x20, s12;
	v7 =	vld [tilespmem:$0x1FAB0]  }
0x375: {  	[tilespmem:$0x1F890] =	vst v29;
	v3 =	vmov s11;
	v1 =	vor.u32 v51, v11;
	v24 =	vld.idx.msk [tilespmem:v15+s28+$0x0], $0xffff  }
0x376: {  	[tilespmem:$0x1F8C0] =	vst v19;
	v3 =	vshll.u32 v3, $0x3;
	v29 =	vor.u32 v9, v1;
	v1 =	vor.u32 v32, v11;
	v35 =	vld.idx.msk [tilespmem:v42+s28+$0x0], $0xffff  }
0x377: {  	v53 =	vor.u32 v30, v3;
	v36 =	vor.u32 v9, v1;
	v40 =	vld.idx.msk [tilespmem:v18+s28+$0x0], $0xffff;
	[tilespmem:v21+s15+$0x0] =	vst.idx.msk $0xffff, v0  }
0x378: {  	v5 =	vmax.f32 v5, $0.0e+00;
	v48 =	vor.u32 v59, v3;
	v49 =	vor.u32 v61, v3;
	[tilespmem:$0x1F780] =	vst v2;
	v2 =	vld.idx.msk [tilespmem:v27+s26+$0x0], $0xffff  }
0x379: {  	v19 =	vor.u32 v51, v3;
	v20 =	vor.u32 v32, v3;
	v22 =	vor.u32 v52, v3;
	v21 =	vld.idx.msk [tilespmem:v15+s26+$0x0], $0xffff  }
0x37a: {  	v8 =	vmov s12;
	[tilespmem:$0x1F840] =	vst v5;
	v50 =	vor.u32 v54, v11;
	v5 =	vor.u32 v9, v14;
	v0 =	vmovc v47;
	v38 =	vld.idx.msk [tilespmem:v18+s26+$0x0], $0xffff  }
0x37b: {  	v14 =	vor.u32 v9, v50;
	v50 =	vor.u32 v9, v53;
	[tilespmem:$0x1F920] =	vst v0;
	v0 =	vshll.u32 v8, $0x3;
	v53 =	vld [tilespmem:s29+$0xFFFFFFE0]  }
0x37c: {  	v23 =	vor.u32 v54, v3;
	v10 =	vor.u32 v61, v0;
	v61 =	vor.u32 v9, v16;
	v16 =	vld.idx.msk [tilespmem:v36+s26+$0x0], $0xffff  }
0x37d: {  	v43 =	vor.u32 v58, v3;
	v1 =	vor.u32 v32, v0;
	[tilespmem:$0x1F790] =	vst v2;
	v2 =	vld.idx.msk [tilespmem:v27+s28+$0x0], $0xffff  }
0x37e: {  	v33 =	vor.u32 v59, v0;
	v39 =	vor.u32 v52, v0;
	[tilespmem:$0x1F730] =	vst v1;
	v1 =	vor.u32 v52, v11;
	v52 =	vld [tilespmem:$0x1FA70]  }
0x37f: {  	v3 =	vor.u32 v54, v0;
	v59 =	vor.u32 v9, v41;
	v41 =	vld.idx.msk [tilespmem:v36+s28+$0x0], $0xffff;
	v11 =	vor.u32 v58, v11  }
0x380: {  	v6 =	vor.u32 v51, v0;
	v8 =	vor.u32 v58, v0;
	[tilespmem:$0x1F740] =	vst v3;
	v58 =	vld [tilespmem:$0x1FFB0];
	v11 =	vor.u32 v9, v11  }
0x381: {  	v3 =	vor.u32 v9, v12;
	v12 =	vld.idx.msk [tilespmem:v29+s26+$0x0], $0xffff;
	v25 =	vor.u32 v9, v1;
	v1 =	vor.u32 v9, v13  }
0x382: {  	v13 =	vld.idx.msk [tilespmem:v29+s28+$0x0], $0xffff;
	[tilespmem:$0x1F7A0] =	vst v2;
	v2 =	vor.u32 v30, v0;
	v0 =	vor.u32 v9, v19  }
0x383: {  	v54 =	vld [tilespmem:$0x1FFD0];
	v17 =	vmul.f32 v17, v52;
	[tilespmem:$0x1F800] =	vst v0;
	v0 =	vor.u32 v9, v20  }
0x384: {  	v21 =	vsub.f32 v21, v24;
	v30 =	vld.idx.msk [tilespmem:v42+s26+$0x0], $0xffff;
	[tilespmem:$0x1F820] =	vst v0;
	v0 =	vor.u32 v9, v22  }
0x385: {  	v24 =	vld.idx.msk [tilespmem:v11+s26+$0x0], $0xffff;
	[tilespmem:$0x1F830] =	vst v0;
	v0 =	vor.u32 v9, v23;
	v23 =	vperm.xlane v17, v58  }
0x386: {  	[tilespmem:$0x1F870] =	vst v27;
	v21 =	vmax.f32 v21, $0.0e+00;
	v27 =	vld.idx.msk [tilespmem:v25+s26+$0x0], $0xffff  }
0x387: {  	v12 =	vsub.f32 v12, v13;
	v13 =	vmul.f32 v23, v21;
	v21 =	vld [tilespmem:$0x1F9C0]  }
0x388: {  	v19 =	vld.idx.msk [tilespmem:v25+s28+$0x0], $0xffff  }
0x389: {  	[tilespmem:$0x1F8A0] =	vst v28;
	v20 =	vld.idx.msk [tilespmem:v14+s26+$0x0], $0xffff;
	v30 =	vsub.f32 v30, v35  }
0x38a: {  	v47 =	vperm.xlane v17, v60;
	v22 =	vld.idx.msk [tilespmem:v14+s28+$0x0], $0xffff;
	[tilespmem:$0x1F880] =	vst v0;
	v0 =	vor.u32 v9, v43  }
0x38b: {  	[tilespmem:$0x1F8B0] =	vst v0;
	v0 =	vld [tilespmem:$0x1FF00];
	v30 =	vmax.f32 v30, $0.0e+00  }
0x38c: {  	[tilespmem:$0x1F8D0] =	vst v31;
	v38 =	vsub.f32 v38, v40;
	v16 =	vsub.f32 v16, v41;
	v30 =	vmul.f32 v47, v30;
	v47 =	vld [tilespmem:$0x1F9D0]  }
0x38d: {  	v28 =	vperm.xlane v17, v54;
	v31 =	vperm.xlane v17, v62;
	[tilespmem:v56+s15+$0x0] =	vst.idx.msk $0xffff, v4;
	v35 =	vld.idx.msk [tilespmem:v11+s28+$0x0], $0xffff  }
0x38e: {  	v32 =	vperm.xlane v17, v57;
	v56 =	vld [tilespmem:$0x1FF20];
	v12 =	vmax.f32 v12, $0.0e+00;
	v23 =	vmax.f32 v38, $0.0e+00;
	[tilespmem:v15+s15+$0x0] =	vst.idx.msk $0xffff, v13  }
0x38f: {  	v12 =	vmul.f32 v31, v12;
	v13 =	vmul.f32 v28, v23;
	[tilespmem:v21+s15+$0x0] =	vst.idx.msk $0xffff, v7;
	v7 =	vld [tilespmem:$0x1FAC0]  }
0x390: {  	v19 =	vsub.f32 v27, v19;
	v15 =	vmax.f32 v16, $0.0e+00;
	v16 =	vsub.f32 v20, v22;
	[tilespmem:v42+s15+$0x0] =	vst.idx.msk $0xffff, v30  }
0x391: {  	v51 =	vperm.xlane v17, v0;
	[tilespmem:v18+s15+$0x0] =	vst.idx.msk $0xffff, v13;
	v13 =	vmul.f32 v32, v15  }
0x392: {  	v40 =	vperm.xlane v17, v63;
	v19 =	vmax.f32 v19, $0.0e+00;
	v20 =	vsub.f32 v24, v35;
	[tilespmem:v29+s15+$0x0] =	vst.idx.msk $0xffff, v12  }
0x393: {  	v15 =	vmax.f32 v16, $0.0e+00;
	v16 =	vperm.xlane v17, v56;
	v12 =	vmul.f32 v51, v19;
	[tilespmem:v36+s15+$0x0] =	vst.idx.msk $0xffff, v13  }
0x394: {  	v13 =	vmul.f32 v40, v15;
	[tilespmem:v47+s15+$0x0] =	vst.idx.msk $0xffff, v7;
	v7 =	vor.u32 v9, v2;
	v2 =	vmax.f32 v20, $0.0e+00  }
0x395: {  	[tilespmem:v25+s15+$0x0] =	vst.idx.msk $0xffff, v12;
	v2 =	vmul.f32 v16, v2  }
0x396: {  	[tilespmem:v14+s15+$0x0] =	vst.idx.msk $0xffff, v13  }
0x397: {  	[tilespmem:v11+s15+$0x0] =	vst.idx.msk $0xffff, v2;
	v2 =	vld [tilespmem:$0x1F740];
	_ =	sdelay $0x4  }
0x398: {  	v20 =	vor.u32 v9, v2;
	v2 =	vld [tilespmem:$0x1F750];
	_ =	sdelay $0x2  }
0x399: {  	v19 =	vmul.f32 v53, v52;
	_ =	sdelay $0x1  }
0x39a: {  	v25 =	vsub.f32 v2, v26;
	v2 =	vperm.xlane v19, v58  }
0x39b: {  	v16 =	vor.u32 v9, v6;
	v6 =	vld [tilespmem:$0x1F730]  }
0x39c: {  	[tilespmem:$0x1F930] =	vst v2;
	v2 =	vld [tilespmem:$0x1F760];
	_ =	sdelay $0x3  }
0x39d: {  	v13 =	vor.u32 v9, v6;
	v6 =	vld [tilespmem:$0x1F780]  }
0x39e: {  	v28 =	vsub.f32 v55, v2;
	v2 =	vld [tilespmem:$0x1F770];
	_ =	sdelay $0x4  }
0x39f: {  	v30 =	vsub.f32 v2, v6;
	v2 =	vld [tilespmem:$0x1F790]  }
0x3a0: {  	v6 =	vld [tilespmem:$0x1F7A0];
	_ =	sdelay $0x3  }
0x3a1: {  	v4 =	vld [tilespmem:s29+$0xFFFFFFF0]  }
0x3a2: {  	v24 =	vld.idx.msk [tilespmem:v5+s26+$0x0], $0xffff;
	v31 =	vsub.f32 v2, v6;
	v2 =	vperm.xlane v19, v62  }
0x3a3: {  	v17 =	vld.idx.msk [tilespmem:v3+s28+$0x0], $0xffff  }
0x3a4: {  	v15 =	vld.idx.msk [tilespmem:v3+s26+$0x0], $0xffff;
	[tilespmem:$0x1F8F0] =	vst v2;
	v2 =	vperm.xlane v19, v0  }
0x3a5: {  	v6 =	vld [tilespmem:$0x1FAD0]  }
0x3a6: {  	[tilespmem:$0x1F900] =	vst v2;
	v2 =	vld [tilespmem:$0x1F7B0]  }
0x3a7: {  	v32 =	vld.idx.msk [tilespmem:v59+s26+$0x0], $0xffff  }
0x3a8: {  	v45 =	vor.u32 v9, v45;
	v29 =	vld.idx.msk [tilespmem:v61+s26+$0x0], $0xffff  }
0x3a9: {  	v23 =	vmul.f32 v4, v52;
	v42 =	vor.u32 v9, v33;
	v21 =	vld [tilespmem:s29+$0x0]  }
0x3aa: {  	v4 =	vperm.xlane v19, v60;
	v12 =	vperm.xlane v19, v57;
	v15 =	vsub.f32 v15, v17;
	v17 =	vld.idx.msk [tilespmem:v61+s28+$0x0], $0xffff  }
0x3ab: {  	v47 =	vor.u32 v9, v10;
	v10 =	vperm.xlane v19, v54;
	v26 =	vld.idx.msk [tilespmem:v5+s28+$0x0], $0xffff;
	v33 =	vmax.f32 v2, $0.0e+00;
	v2 =	vmovc v6  }
0x3ac: {  	v6 =	vperm.xlane v19, v56;
	[tilespmem:$0x1F9C0] =	vst v2;
	v2 =	vperm.xlane v19, v63;
	v19 =	vld.idx.msk [tilespmem:v59+s28+$0x0], $0xffff  }
0x3ad: {  	v27 =	vsub.f32 v34, v37;
	v37 =	vld.idx.msk [tilespmem:v45+s26+$0x0], $0xffff  }
0x3ae: {  	v48 =	vor.u32 v9, v48;
	v22 =	vld.idx.msk [tilespmem:v1+s28+$0x0], $0xffff;
	v21 =	vmul.f32 v21, v52  }
0x3af: {  	v46 =	vor.u32 v9, v46;
	v35 =	vperm.xlane v23, v60;
	v18 =	vld.idx.msk [tilespmem:v1+s26+$0x0], $0xffff;
	v41 =	vmov v16  }
0x3b0: {  	v52 =	vperm.xlane v21, v60;
	v17 =	vsub.f32 v29, v17;
	v29 =	vld.idx.msk [tilespmem:v45+s28+$0x0], $0xffff;
	v16 =	vsub.f32 v24, v26  }
0x3b1: {  	v60 =	vmovc v13;
	v26 =	vperm.xlane v23, v54;
	v13 =	vsub.f32 v32, v19;
	v32 =	vperm.xlane v21, v54;
	v54 =	vld [tilespmem:$0x1F9E0]  }
0x3b2: {  	v53 =	vld [tilespmem:$0x1FAE0]  }
0x3b3: {  	v44 =	vor.u32 v9, v44  }
0x3b4: {  	v11 =	vor.u32 v9, v8;
	v8 =	vld [tilespmem:$0x1F7C0]  }
0x3b5: {  	v49 =	vor.u32 v9, v49;
	v43 =	vld.idx.msk [tilespmem:v46+s26+$0x0], $0xffff;
	v36 =	vperm.xlane v23, v62;
	v14 =	vor.u32 v9, v39  }
0x3b6: {  	v39 =	vperm.xlane v23, v0;
	v18 =	vsub.f32 v18, v22;
	v29 =	vsub.f32 v37, v29;
	v37 =	vld.idx.msk [tilespmem:v48+s28+$0x0], $0xffff  }
0x3b7: {  	v55 =	vmov v53;
	v53 =	vperm.xlane v21, v62;
	v62 =	vperm.xlane v21, v0;
	v0 =	vld.idx.msk [tilespmem:v48+s26+$0x0], $0xffff  }
0x3b8: {  	v22 =	vld.idx.msk [tilespmem:v44+s26+$0x0], $0xffff  }
0x3b9: {  	v18 =	vmax.f32 v18, $0.0e+00;
	[tilespmem:v54+s15+$0x0] =	vst.idx.msk $0xffff, v8;
	v8 =	vld [tilespmem:$0x1F7D0]  }
0x3ba: {  	v18 =	vmul.f32 v35, v18;
	v35 =	vld.idx.msk [tilespmem:v49+s28+$0x0], $0xffff  }
0x3bb: {  	v34 =	vperm.xlane v23, v58;
	v24 =	vld.idx.msk [tilespmem:v44+s28+$0x0], $0xffff  }
0x3bc: {  	v15 =	vmax.f32 v15, $0.0e+00;
	v0 =	vsub.f32 v0, v37;
	v37 =	vld [tilespmem:$0x1F830]  }
0x3bd: {  	v15 =	vmul.f32 v34, v15;
	v34 =	vld.idx.msk [tilespmem:v49+s26+$0x0], $0xffff  }
0x3be: {  	v51 =	vperm.xlane v21, v58;
	v58 =	vld.idx.msk [tilespmem:v50+s26+$0x0], $0xffff;
	v54 =	vmov v8  }
0x3bf: {  	[tilespmem:$0x1F9E0] =	vst v54;
	v54 =	vld [tilespmem:$0x1F9F0]  }
0x3c0: {  	v22 =	vsub.f32 v22, v24;
	v24 =	vld.idx.msk [tilespmem:v50+s28+$0x0], $0xffff  }
0x3c1: {  	v38 =	vperm.xlane v23, v57;
	v19 =	vld.idx.msk [tilespmem:v46+s28+$0x0], $0xffff  }
0x3c2: {  	v40 =	vperm.xlane v23, v63;
	v57 =	vperm.xlane v21, v57;
	v8 =	vld [tilespmem:$0x1F7E0]  }
0x3c3: {  	v16 =	vmax.f32 v16, $0.0e+00;
	[tilespmem:$0x1F9D0] =	vst v55;
	v55 =	vperm.xlane v21, v56;
	v63 =	vperm.xlane v21, v63;
	v21 =	vld [tilespmem:$0x1F800]  }
0x3c4: {  	v29 =	vmax.f32 v29, $0.0e+00;
	v22 =	vmax.f32 v22, $0.0e+00;
	[tilespmem:v3+s15+$0x0] =	vst.idx.msk $0xffff, v15;
	v3 =	vmul.f32 v26, v16;
	v26 =	vld.idx.msk [tilespmem:v37+s28+$0x0], $0xffff  }
0x3c5: {  	[tilespmem:v1+s15+$0x0] =	vst.idx.msk $0xffff, v18;
	v18 =	vmul.f32 v39, v22;
	v22 =	vmul.f32 v40, v29;
	v40 =	vld [tilespmem:$0x1F880]  }
0x3c6: {  	[tilespmem:v5+s15+$0x0] =	vst.idx.msk $0xffff, v3;
	v3 =	vld.idx.msk [tilespmem:v37+s26+$0x0], $0xffff  }
0x3c7: {  	v13 =	vmax.f32 v13, $0.0e+00;
	[tilespmem:v54+s15+$0x0] =	vst.idx.msk $0xffff, v8;
	v54 =	vld [tilespmem:$0x1FA00]  }
0x3c8: {  	v17 =	vmax.f32 v17, $0.0e+00;
	v13 =	vmul.f32 v38, v13;
	v38 =	vmov v20;
	v20 =	vld [tilespmem:$0x1F850]  }
0x3c9: {  	v19 =	vsub.f32 v43, v19;
	v43 =	vmov v14;
	v14 =	vmul.f32 v36, v17;
	v36 =	vld [tilespmem:$0x1F8B0]  }
0x3ca: {  	v8 =	vld [tilespmem:$0x1F7F0]  }
0x3cb: {  	v17 =	vsub.f32 v58, v24;
	v58 =	vld [tilespmem:$0x1FF40]  }
0x3cc: {  	[tilespmem:v61+s15+$0x0] =	vst.idx.msk $0xffff, v14;
	v61 =	vld [tilespmem:$0x1FF90]  }
0x3cd: {  	v15 =	vld.idx.msk [tilespmem:v21+s26+$0x0], $0xffff  }
0x3ce: {  	v16 =	vmax.f32 v19, $0.0e+00;
	v19 =	vld.idx.msk [tilespmem:v21+s28+$0x0], $0xffff  }
0x3cf: {  	v1 =	vmax.f32 v17, $0.0e+00;
	[tilespmem:v54+s15+$0x0] =	vst.idx.msk $0xffff, v8;
	v8 =	vld [tilespmem:$0x1F810]  }
0x3d0: {  	v5 =	vmul.f32 v51, v1;
	v51 =	vld [tilespmem:$0x1FF80]  }
0x3d1: {  	v23 =	vperm.xlane v23, v56;
	v1 =	vld [tilespmem:$0x1F840]  }
0x3d2: {  	[tilespmem:v59+s15+$0x0] =	vst.idx.msk $0xffff, v13;
	v59 =	vld [tilespmem:$0x1FFA0]  }
0x3d3: {  	v16 =	vmul.f32 v23, v16;
	v23 =	vsub.f32 v34, v35;
	v34 =	vld [tilespmem:$0x1FF50]  }
0x3d4: {  	v24 =	vmov v8;
	v8 =	vld [tilespmem:$0x1F870]  }
0x3d5: {  	v54 =	vld [tilespmem:$0x1F820]  }
0x3d6: {  	v14 =	vld.idx.msk [tilespmem:v40+s26+$0x0], $0xffff;
	v23 =	vmax.f32 v23, $0.0e+00  }
0x3d7: {  	v13 =	vmul.f32 v32, v23;
	v32 =	vld [tilespmem:$0x1FF70]  }
0x3d8: {  	v1 =	vmul.f32 v20, v1;
	v20 =	vmax.f32 v0, $0.0e+00;
	v0 =	vld [tilespmem:$0x1F860]  }
0x3d9: {  	v29 =	vmov v8;
	v8 =	vld [tilespmem:$0x1F8A0]  }
0x3da: {  	v15 =	vsub.f32 v15, v19;
	v19 =	vld.idx.msk [tilespmem:v40+s28+$0x0], $0xffff  }
0x3db: {  	v23 =	vld.idx.msk [tilespmem:v36+s28+$0x0], $0xffff  }
0x3dc: {  	v20 =	vmul.f32 v52, v20;
	v52 =	vld [tilespmem:$0x1FF60]  }
0x3dd: {  	v27 =	vmax.f32 v27, $0.0e+00;
	[tilespmem:$0x1F9F0] =	vst v24;
	v24 =	vld.idx.msk [tilespmem:v54+s26+$0x0], $0xffff  }
0x3de: {  	v17 =	vld.idx.msk [tilespmem:v54+s28+$0x0], $0xffff;
	v8 =	vmul.f32 v8, v27  }
0x3df: {  	[tilespmem:v44+s15+$0x0] =	vst.idx.msk $0xffff, v18;
	v18 =	vld.idx.msk [tilespmem:v7+s28+$0x0], $0xffff  }
0x3e0: {  	[tilespmem:$0x1FAC0] =	vst v8;
	v8 =	vld [tilespmem:$0x1F8C0]  }
0x3e1: {  	[tilespmem:$0x1FA00] =	vst v29;
	v29 =	vld [tilespmem:$0x1F890]  }
0x3e2: {  	v3 =	vsub.f32 v3, v26;
	[tilespmem:v45+s15+$0x0] =	vst.idx.msk $0xffff, v22;
	v22 =	vmov v10;
	v10 =	vld.idx.msk [tilespmem:v42+s26+$0x0], $0xffff  }
0x3e3: {  	v25 =	vmax.f32 v25, $0.0e+00;
	v17 =	vsub.f32 v24, v17;
	v24 =	vld.idx.msk [tilespmem:v7+s26+$0x0], $0xffff  }
0x3e4: {  	v28 =	vmax.f32 v28, $0.0e+00;
	v56 =	vmov v7;
	v7 =	vmax.f32 v3, $0.0e+00;
	v3 =	vld [tilespmem:$0x1F900]  }
0x3e5: {  	v39 =	vmul.f32 v8, v28;
	v8 =	vld [tilespmem:$0x1F8D0]  }
0x3e6: {  	[tilespmem:v46+s15+$0x0] =	vst.idx.msk $0xffff, v16;
	v29 =	vmul.f32 v29, v25;
	v25 =	vmov v4;
	v4 =	vld [tilespmem:$0x1F8F0]  }
0x3e7: {  	v15 =	vmax.f32 v15, $0.0e+00;
	v27 =	vmov v11;
	v11 =	vld.idx.msk [tilespmem:v36+s26+$0x0], $0xffff;
	[tilespmem:v50+s15+$0x0] =	vst.idx.msk $0xffff, v5  }
0x3e8: {  	v15 =	vmul.f32 v53, v15;
	v14 =	vsub.f32 v14, v19;
	v44 =	vld.idx.msk [tilespmem:v41+s26+$0x0], $0xffff;
	[tilespmem:v48+s15+$0x0] =	vst.idx.msk $0xffff, v20  }
0x3e9: {  	v30 =	vmax.f32 v30, $0.0e+00;
	v0 =	vmul.f32 v0, v33;
	v26 =	vld.idx.msk [tilespmem:v41+s28+$0x0], $0xffff;
	v17 =	vmax.f32 v17, $0.0e+00;
	[tilespmem:v49+s15+$0x0] =	vst.idx.msk $0xffff, v13  }
0x3ea: {  	v5 =	vmax.f32 v14, $0.0e+00;
	v16 =	vmul.f32 v57, v17;
	[tilespmem:$0x1FAB0] =	vst v29;
	v33 =	vmul.f32 v8, v30;
	v8 =	vld [tilespmem:$0x1F8E0]  }
0x3eb: {  	v19 =	vmov v3;
	v3 =	vld.idx.msk [tilespmem:v47+s26+$0x0], $0xffff;
	[tilespmem:v21+s15+$0x0] =	vst.idx.msk $0xffff, v15;
	v29 =	vmov v4;
	v4 =	vmul.f32 v62, v7  }
0x3ec: {  	v21 =	vld [tilespmem:$0x1F920];
	[tilespmem:v54+s15+$0x0] =	vst.idx.msk $0xffff, v16;
	v7 =	vmul.f32 v63, v5  }
0x3ed: {  	v54 =	vmov v34;
	v34 =	vld.idx.msk [tilespmem:v60+s26+$0x0], $0xffff;
	[tilespmem:v37+s15+$0x0] =	vst.idx.msk $0xffff, v4  }
0x3ee: {  	s30 =	sadd.s32 $0x4, s30;
	v31 =	vmax.f32 v31, $0.0e+00;
	v28 =	vmovc v12;
	v12 =	vmov v6;
	v6 =	vsub.f32 v11, v23;
	[tilespmem:v40+s15+$0x0] =	vst.idx.msk $0xffff, v7;
	v7 =	vld [tilespmem:$0x1F930]  }
0x3ef: {  	p1 =	slt.u32 s30, $0xC;
	v35 =	vmul.f32 v8, v31;
	v8 =	vld.idx.msk [tilespmem:v42+s28+$0x0], $0xffff  }
.Ltmp1:
0x3f0: {  	v23 =	vld [tilespmem:$0x1F910];
	v6 =	vmax.f32 v6, $0.0e+00;
	(pc) =	sbr.rel @p1 .LBB2_5-.Ltmp1, $4  }
0x3f1: {  	v5 =	vsub.f32 v24, v18;
	v37 =	vld.idx.msk [tilespmem:v60+s28+$0x0], $0xffff;
	v6 =	vmul.f32 v55, v6  }
0x3f2: {  	[tilespmem:$0x1FAE0] =	vst v60;
	v55 =	vld.idx.msk [tilespmem:v43+s26+$0x0], $0xffff  }
0x3f3: {  	v4 =	vmax.f32 v5, $0.0e+00;
	v30 =	vld [tilespmem:$0x1FF30];
	[tilespmem:v36+s15+$0x0] =	vst.idx.msk $0xffff, v6  }
0x3f4: {  	s12 =	sadd.s32 $0x40, s12;
	[tilespmem:$0x1FAD0] =	vst v41;
	v4 =	vmul.f32 v7, v4;
	v31 =	vmov v2;
	v2 =	vld.idx.msk [tilespmem:v47+s28+$0x0], $0xffff;
	v5 =	vsub.f32 v10, v8  }
0x3f5: {  	_ =	sdelay $0x3  }
0x3f6: {  	v6 =	vld.idx.msk [tilespmem:v43+s28+$0x0], $0xffff  }
0x3f7: {  	v7 =	vld.idx.msk [tilespmem:v38+s26+$0x0], $0xffff  }
0x3f8: {  	v8 =	vld.idx.msk [tilespmem:v38+s28+$0x0], $0xffff;
	[tilespmem:v23+s15+$0x0] =	vst.idx.msk $0xffff, v1  }
0x3f9: {  	v1 =	vld.idx.msk [tilespmem:v27+s26+$0x0], $0xffff;
	[tilespmem:v21+s15+$0x0] =	vst.idx.msk $0xffff, v0  }
0x3fa: {  	v0 =	vld.idx.msk [tilespmem:v27+s28+$0x0], $0xffff;
	[tilespmem:v56+s15+$0x0] =	vst.idx.msk $0xffff, v4  }
0x3fb: {  	v4 =	vld [tilespmem:$0x1F9C0];
	_ =	sdelay $0x2  }
0x3fc: {  	v10 =	vld [tilespmem:$0x1FAB0];
	_ =	sdelay $0x4  }
0x3fd: {  	[tilespmem:v4+s15+$0x0] =	vst.idx.msk $0xffff, v10  }
0x3fe: {  	v2 =	vsub.f32 v3, v2;
	v3 =	vld [tilespmem:$0x1F9D0];
	_ =	sdelay $0x2  }
0x3ff: {  	v4 =	vld [tilespmem:$0x1FAC0];
	_ =	sdelay $0x4  }
0x400: {  	[tilespmem:v3+s15+$0x0] =	vst.idx.msk $0xffff, v4  }
0x401: {  	v3 =	vmax.f32 v5, $0.0e+00;
	v5 =	vld [tilespmem:$0x1F9E0];
	_ =	sdelay $0x7  }
0x402: {  	[tilespmem:v5+s15+$0x0] =	vst.idx.msk $0xffff, v39  }
0x403: {  	v10 =	vld [tilespmem:$0x1F9F0];
	_ =	sdelay $0x7  }
0x404: {  	[tilespmem:v10+s15+$0x0] =	vst.idx.msk $0xffff, v33  }
0x405: {  	v10 =	vld [tilespmem:$0x1FA00];
	_ =	sdelay $0x3  }
0x406: {  	v2 =	vmax.f32 v2, $0.0e+00;
	v3 =	vmul.f32 v25, v3  }
0x407: {  	v2 =	vmul.f32 v22, v2  }
0x408: {  	v5 =	vsub.f32 v34, v37;
	[tilespmem:v42+s15+$0x0] =	vst.idx.msk $0xffff, v3  }
0x409: {  	[tilespmem:v47+s15+$0x0] =	vst.idx.msk $0xffff, v2  }
0x40a: {  	v5 =	vmax.f32 v5, $0.0e+00;
	[tilespmem:v10+s15+$0x0] =	vst.idx.msk $0xffff, v35  }
0x40b: {  	v3 =	vmul.f32 v28, v5;
	v5 =	vld [tilespmem:$0x1FAD0];
	_ =	sdelay $0x2  }
0x40c: {  	v4 =	vsub.f32 v44, v26;
	_ =	sdelay $0x1  }
0x40d: {  	v4 =	vmax.f32 v4, $0.0e+00  }
0x40e: {  	v4 =	vmul.f32 v29, v4;
	_ =	sdelay $0x1  }
0x40f: {  	[tilespmem:v5+s15+$0x0] =	vst.idx.msk $0xffff, v4  }
0x410: {  	v4 =	vld [tilespmem:$0x1FAE0];
	_ =	sdelay $0x3  }
0x411: {  	v6 =	vsub.f32 v55, v6  }
0x412: {  	v7 =	vsub.f32 v7, v8  }
0x413: {  	v0 =	vsub.f32 v1, v0;
	v1 =	vmax.f32 v6, $0.0e+00  }
0x414: {  	v1 =	vmul.f32 v19, v1;
	v2 =	vmax.f32 v7, $0.0e+00  }
0x415: {  	v0 =	vmax.f32 v0, $0.0e+00;
	v2 =	vmul.f32 v31, v2;
	[tilespmem:v4+s15+$0x0] =	vst.idx.msk $0xffff, v3  }
0x416: {  	v0 =	vmul.f32 v12, v0;
	[tilespmem:v43+s15+$0x0] =	vst.idx.msk $0xffff, v1  }
0x417: {  	[tilespmem:v38+s15+$0x0] =	vst.idx.msk $0xffff, v2  }
0x418: {  	[tilespmem:v27+s15+$0x0] =	vst.idx.msk $0xffff, v0  }
0x419: {  	v0 =	vld [tilespmem:$0x2000]  }
0x41a: {  	v6 =	vld [tilespmem:$0x1FA70]  }
0x41b: {  	v1 =	vld [tilespmem:$0x1E00]  }
0x41c: {  	v2 =	vld [tilespmem:$0x2010]  }
0x41d: {  	v3 =	vld [tilespmem:$0x1E10]  }
0x41e: {  	v4 =	vld [tilespmem:$0x2020]  }
0x41f: {  	v5 =	vld [tilespmem:$0x1E20];
	v0 =	vmul.f32 v0, v6  }
0x420: {  	[tilespmem:$0x3A00] =	vst v1;
	v1 =	vld [tilespmem:$0x2030]  }
0x421: {  	[tilespmem:$0x3B00] =	vst v0;
	v0 =	vmul.f32 v2, v6;
	v2 =	vld [tilespmem:$0x1E30]  }
0x422: {  	[tilespmem:$0x3A10] =	vst v3;
	v3 =	vld [tilespmem:$0x2040]  }
0x423: {  	[tilespmem:$0x3B10] =	vst v0;
	v0 =	vmul.f32 v4, v6;
	v4 =	vld [tilespmem:$0x1E40]  }
0x424: {  	[tilespmem:$0x3A20] =	vst v5;
	v5 =	vld [tilespmem:$0x2050]  }
0x425: {  	[tilespmem:$0x3B20] =	vst v0;
	v0 =	vmul.f32 v1, v6;
	v1 =	vld [tilespmem:$0x1E50]  }
0x426: {  	[tilespmem:$0x3A30] =	vst v2;
	v2 =	vld [tilespmem:$0x2060]  }
0x427: {  	[tilespmem:$0x3B30] =	vst v0;
	v0 =	vmul.f32 v3, v6;
	v3 =	vld [tilespmem:$0x1E60]  }
0x428: {  	[tilespmem:$0x3A40] =	vst v4;
	v4 =	vld [tilespmem:$0x2070]  }
0x429: {  	[tilespmem:$0x3B40] =	vst v0;
	v0 =	vmul.f32 v5, v6;
	v5 =	vld [tilespmem:$0x1E70]  }
0x42a: {  	[tilespmem:$0x3A50] =	vst v1  }
0x42b: {  	[tilespmem:$0x3B50] =	vst v0;
	v0 =	vmul.f32 v2, v6  }
0x42c: {  	[tilespmem:$0x3A60] =	vst v3  }
0x42d: {  	[tilespmem:$0x3B60] =	vst v0;
	v0 =	vmul.f32 v4, v6  }
0x42e: {  	[tilespmem:$0x3A70] =	vst v5  }
0x42f: {  	s10 =	simm.s32 $0x3A00;
	[tilespmem:$0x3B70] =	vst v0  }
0x430: {  	[spmem:s5] =	stream.indirect.scatter.add.f32 [tilespmem:s15], [sflag:$0x6], $0x8, s10, s3, $0xb8;
	[tilespmem:$0x1DB10] =	vst v63  }
0x431: {  	s11 =	simm.s32 $0x3B00  }
0x432: {  	[spmem:s6] =	stream.indirect.scatter.add.f32 [tilespmem:s11], [sflag:$0x6], $0x1, s10, s3, $0xb8;
	[tilespmem:$0x1DB10] =	vst v63  }
0x433: {  	v0 =	vld [tilespmem:$0x2080]  }
0x434: {  	v1 =	vld [tilespmem:$0x1E80]  }
0x435: {  	v2 =	vld [tilespmem:$0x2090]  }
0x436: {  	v3 =	vld [tilespmem:$0x1E90]  }
0x437: {  	v4 =	vld [tilespmem:$0x20A0]  }
0x438: {  	v5 =	vld [tilespmem:$0x1EA0];
	v0 =	vmul.f32 v0, v6  }
0x439: {  	[tilespmem:$0x3A80] =	vst v1;
	v1 =	vld [tilespmem:$0x20B0]  }
0x43a: {  	[tilespmem:$0x3B80] =	vst v0;
	v0 =	vmul.f32 v2, v6;
	v2 =	vld [tilespmem:$0x1EB0]  }
0x43b: {  	[tilespmem:$0x3A90] =	vst v3;
	v3 =	vld [tilespmem:$0x20C0]  }
0x43c: {  	[tilespmem:$0x3B90] =	vst v0;
	v0 =	vmul.f32 v4, v6;
	v4 =	vld [tilespmem:$0x1EC0]  }
0x43d: {  	[tilespmem:$0x3AA0] =	vst v5;
	v5 =	vld [tilespmem:$0x20D0]  }
0x43e: {  	[tilespmem:$0x3BA0] =	vst v0;
	v0 =	vmul.f32 v1, v6;
	v1 =	vld [tilespmem:$0x1ED0]  }
0x43f: {  	[tilespmem:$0x3AB0] =	vst v2;
	v2 =	vld [tilespmem:$0x20E0]  }
0x440: {  	[tilespmem:$0x3BB0] =	vst v0;
	v0 =	vmul.f32 v3, v6;
	v3 =	vld [tilespmem:$0x1EE0]  }
0x441: {  	[tilespmem:$0x3AC0] =	vst v4;
	v4 =	vld [tilespmem:$0x20F0]  }
0x442: {  	[tilespmem:$0x3BC0] =	vst v0;
	v0 =	vmul.f32 v5, v6;
	v5 =	vld [tilespmem:$0x1EF0]  }
0x443: {  	[tilespmem:$0x3AD0] =	vst v1  }
0x444: {  	[tilespmem:$0x3BD0] =	vst v0;
	v0 =	vmul.f32 v2, v6  }
0x445: {  	[tilespmem:$0x3AE0] =	vst v3  }
0x446: {  	s11 =	rddreg [dreg:$0x1b];
	[tilespmem:$0x3BE0] =	vst v0;
	v0 =	vmul.f32 v4, v6  }
0x447: {  	s10 =	sadd.s32 s16, s11;
	[tilespmem:$0x3AF0] =	vst v5  }
0x448: {  	s29 =	simm.s32 $0x3600;
	s10 =	smin.u32 s10, $0x30D3;
	[tilespmem:$0x3BF0] =	vst v0  }
0x449: {  	[spmem:s5] =	stream.indirect.scatter.add.f32 [tilespmem:s29], [sflag:$0x6], $0x8, s20, s3, $0xb8;
	[tilespmem:$0x1DB10] =	vst v63  }
0x44a: {  	s30 =	simm.s32 $0x3B80;
	s10 =	sshll.u32 s10, $0x5  }
0x44b: {  	[spmem:s6] =	stream.indirect.scatter.add.f32 [tilespmem:s30], [sflag:$0x6], $0x1, s20, s3, $0xb8;
	[tilespmem:$0x1DB10] =	vst v63  }
0x44c: {  	s12 =	sadd.s32 s8, s10  }
0x44d: {  	[tilespmem:s18], [sflag:$0x2] =	stream.linear.gather [hbm4b:s12+s7], $0x100, $0x38;
	[tilespmem:$0x1DB10] =	vst v63  }
0x44e: {  	s17 =	rddreg [dreg:$0x2];
	s16 =	sadd.s32 s9, s10  }
0x44f: {  	[tilespmem:s19], [sflag:$0x2] =	stream.linear.gather [hbm4b:s16+s7], $0x100, $0x38;
	[tilespmem:$0x1DB10] =	vst v63  }
0x450: {  	s11 =	sadd.s32 s17, s10;
	s29 =	rddreg [dreg:$0x3];
	s12 =	simm.s32 $0x2000  }
0x451: {  	[tilespmem:s12], [sflag:$0x2] =	stream.linear.gather [hbm4b:s11+s7], $0x100, $0x38;
	[tilespmem:$0x1DB10] =	vst v63  }
0x452: {  	s10 =	sadd.s32 s29, s10;
	s30 =	simm.s32 $0x2100  }
0x453: {  	[tilespmem:s30], [sflag:$0x2] =	stream.linear.gather [hbm4b:s10+s7], $0x100, $0x38;
	[tilespmem:$0x1DB10] =	vst v63  }
0x454: {  	_ =	swait.ge [sflag:s21], $0x400  }
0x455: {  	[sflag:s21] =	ssyncset.done $0x0  }
0x456: {  	[sflag:s21] =	ssyncadd.s32 $0xFFFFFC00  }
0x457: {  	_ =	swait.ge [sflag:s21], $0x80  }
0x458: {  	[sflag:s21] =	ssyncset.done $0x0  }
0x459: {  	[sflag:s21] =	ssyncadd.s32 $0xFFFFFF80  }
0x45a: {  	_ =	swait.ge [sflag:s21], $0x400  }
0x45b: {  	[sflag:s21] =	ssyncset.done $0x0  }
0x45c: {  	[sflag:s21] =	ssyncadd.s32 $0xFFFFFC00  }
0x45d: {  	_ =	swait.ge [sflag:s21], $0x80  }
0x45e: {  	[sflag:s21] =	ssyncset.done $0x0  }
0x45f: {  	[sflag:s21] =	ssyncadd.s32 $0xFFFFFF80  }
0x460: {  	_ =	swait.ge [sflag:s1], $0x400  }
0x461: {  	[sflag:s1] =	ssyncset.done $0x0  }
0x462: {  	[sflag:s1] =	ssyncadd.s32 $0xFFFFFC00  }
0x463: {  	_ =	swait.ge [sflag:s1], $0x80  }
0x464: {  	[sflag:s1] =	ssyncset.done $0x0  }
0x465: {  	[sflag:s1] =	ssyncadd.s32 $0xFFFFFF80  }
0x466: {  	s2 =	sadd.s32 $0x1, s2;
	_ =	swait.ge [sflag:s1], $0x400  }
0x467: {  	p1 =	sne.s32 s2, $0xC4;
	[sflag:s1] =	ssyncset.done $0x0  }
.Ltmp2:
0x468: {  	[sflag:s1] =	ssyncadd.s32 $0xFFFFFC00;
	(pc) =	sbr.rel @p1 .LBB2_2-.Ltmp2, $4  }
0x469: {  	_ =	swait.ge [sflag:s1], $0x80  }
0x46a: {  	v1 =	vld [tilespmem:$0x1FFB0]  }
0x46b: {  	[sflag:s1] =	ssyncset.done $0x0;
	v3 =	vld [tilespmem:$0x1FFD0]  }
0x46c: {  	v4 =	vld [tilespmem:$0x1FFF0];
	[sflag:s1] =	ssyncadd.s32 $0xFFFFFF80  }
0x46d: {  	_ =	swait.ge [sflag:s22], $0x100  }
0x46e: {  	[sflag:s22] =	ssyncset.done $0x0  }
0x46f: {  	[sflag:s22] =	ssyncadd.s32 $0xFFFFFF00  }
0x470: {  	_ =	swait.ge [sflag:s22], $0x100  }
0x471: {  	[sflag:s22] =	ssyncset.done $0x0  }
0x472: {  	[sflag:s22] =	ssyncadd.s32 $0xFFFFFF00  }
0x473: {  	_ =	swait.ge [sflag:s22], $0x100  }
0x474: {  	[sflag:s22] =	ssyncset.done $0x0  }
0x475: {  	[sflag:s22] =	ssyncadd.s32 $0xFFFFFF00  }
0x476: {  	_ =	swait.ge [sflag:s22], $0x100  }
0x477: {  	[sflag:s22] =	ssyncset.done $0x0  }
0x478: {  	[sflag:s22] =	ssyncadd.s32 $0xFFFFFF00  }
0x479: {  	_ =	swait.ge [sflag:s25], $0x100  }
0x47a: {  	[sflag:s25] =	ssyncset.done $0x0  }
0x47b: {  	[sflag:s25] =	ssyncadd.s32 $0xFFFFFF00  }
0x47c: {  	_ =	swait.ge [sflag:s25], $0x100  }
0x47d: {  	[sflag:s25] =	ssyncset.done $0x0  }
0x47e: {  	[sflag:s25] =	ssyncadd.s32 $0xFFFFFF00  }
0x47f: {  	_ =	swait.ge [sflag:s25], $0x100  }
0x480: {  	[sflag:s25] =	ssyncset.done $0x0  }
0x481: {  	[sflag:s25] =	ssyncadd.s32 $0xFFFFFF00  }
0x482: {  	_ =	swait.ge [sflag:s25], $0x100  }
0x483: {  	[sflag:s25] =	ssyncset.done $0x0  }
0x484: {  	[sflag:s25] =	ssyncadd.s32 $0xFFFFFF00  }
0x485: {  	[bflag:$0x0] =	sbarrier.arrive $0xFFFF  }
0x486: {  	s10 =	sld [smem:$0x7FA]  }
0x487: {  	s12 =	rddreg [dreg:$0x9]  }
0x488: {  	s11 =	simm.s32 $0x7;
	s2 =	rddreg [dreg:$0x1c]  }
0x489: {  	[hbm:s2], [sflag:s12] =	dma.local [spmem:s10], $0x186A  }
0x48a: {  	_ =	swait.ge [sflag:s11], $0x186A  }
0x48b: {  	s10 =	sld [smem:$0x7FB]  }
0x48c: {  	[sflag:s11] =	ssyncset.done $0x0  }
0x48d: {  	s2 =	rddreg [dreg:$0x10];
	[sflag:s11] =	ssyncadd.s32 $0xFFFFE796  }
0x48e: {  	[hbm:s2], [sflag:s12] =	dma.local @p0 [spmem:s10], $0x311  }
0x48f: {  	s2 =	simm.s32 @p0 $0x7  }
0x490: {  	_ =	swait.ge @p0 [sflag:s2], $0x311  }
0x491: {  	s10 =	sld [smem:$0x7FC]  }
0x492: {  	[sflag:s2] =	ssyncset.done @p0 $0x0  }
0x493: {  	[sflag:s2] =	ssyncadd.s32 @p0 $0xFFFFFCEF;
	s2 =	rddreg [dreg:$0xf]  }
0x494: {  	[hbm:s2], [sflag:s12] =	dma.local @!p0 [spmem:s10], $0x30D  }
0x495: {  	s2 =	simm.s32 @!p0 $0x7  }
0x496: {  	_ =	swait.ge @!p0 [sflag:s2], $0x30D  }
0x497: {  	s16 =	sld [smem:$0x7F9];
	_ =	sdelay $0x2  }
0x498: {  	s30 =	rddreg [dreg:$0x1d];
	s16 =	sadd.s32 $0x1, s16  }
0x499: {  	p1 =	sne.s32 s16, s30  }
.Ltmp3:
0x49a: {  	_ = 	snop;
	(pc) =	sbr.rel @p1 .LBB2_1-.Ltmp3, $3  }
0x49b: {  	_ =	sdelay $0x1  }
0x49c: {  	[sflag:s2] =	ssyncset.done @!p0 $0x0  }
0x49d: {  	[sflag:s2] =	ssyncadd.s32 @!p0 $0xFFFFFCF3  }
0x49e: {  	_ =	sfence.sel $0x180000  }
0x49f: {  	[bflag:$0x0] =	sbarrier.arrive $0xFFFF  }
0x4a0: {  	_ =	strace $0x90000047  }
0x4a1: {  	s0 =	stileid.u32;
	[bflag:$0x2] =	sbarrier.arrive $0xFFFF  }
0x4a2: {  	p0 =	sne.s32 s0, $0x0;
	s0 =	rddreg [dreg:$0x7]  }
0x4a3: {  	s0 =	sadd.s32 @!p0 $0x100000, s0  }
0x4a4: {  	[sflag:s0] =	ssyncadd.tile.s32 @!p0 $0x1;
	_ =	shalt  }
.Lfunc_end2:
_tile_overlayer_lowered:
.L_overlay_start_2:
0x4a5: {  	(tag) =	ssettag $0x2  }
0x4a6: {  	s0 =	rddreg [dreg:$0x0];
	s2 =	stileid.u32  }
0x4a7: {  	s1 =	rddreg [dreg:$0x1];
	p0 =	sne.s32 s2, $0x0  }
0x4a8: {  	s3 =	rddreg [dreg:$0x2];
	[bflag:$0x3] =	sbarrier.arrive $0xFFFF;
	s2 =	simm.s32 @!p0 $0x1C07  }
0x4a9: {  	[timem:s3], [sflag:s2] =	dma.local @!p0 [hbm:s0], s1  }
0x4aa: {  	s0 =	simm.s32 @!p0 $0x7  }
0x4ab: {  	_ =	swait.ge @!p0 [sflag:s0], s1  }
0x4ac: {  	s1 =	ssub.s32 @!p0 $0x0, s1;
	[sflag:s0] =	ssyncset.done @!p0 $0x0  }
0x4ad: {  	[sflag:s0] =	ssyncadd.s32 @!p0 s1  }
0x4ae: {  	[bflag:$0x3] =	sbarrier.arrive $0xFFFF  }
0x4af: {  	_ =	shalt  }

</sc_bundles>
